<compile_context>
chip_gen: v7x
topology: tpu7x:2x2x1
jax: 0.10.2.dev20260603
libtpu: 0.0.44.dev20260713+nightly
codegen_flags: <defaults>
</compile_context>

<pallas_src>
import functools

import jax
import jax.numpy as jnp
from jax import lax
from jax.experimental import pallas as pl
from jax.experimental.pallas import tpu as pltpu
from jax.experimental.pallas import tpu_sc as plsc

_NUM_WORKERS = 32
_NBUF = 4
_CHUNK = 128
_G = 128


@functools.partial(jax.jit, static_argnums=(2, 3, 4))
def _emb5(ids_t, weights, n_s, n_b, d):
  n_jh = d // 8
  bcols = n_b // _NUM_WORKERS
  assert bcols == _NBUF * _CHUNK
  nbh_c = _CHUNK // 128
  obw = _CHUNK * d
  jhw = nbh_c * 1024
  mesh = plsc.VectorSubcoreMesh(core_axis_name="c", subcore_axis_name="s")

  @functools.partial(
      pl.kernel,
      mesh=mesh,
      out_type=jax.ShapeDtypeStruct((n_s, n_jh, n_b // 128, 8, 128),
                                    jnp.float32),
      scratch_types=(
          [pltpu.VMEM((_CHUNK,), jnp.int32) for _ in range(2 * _NBUF)]
          + [pltpu.VMEM((_CHUNK, d), jnp.float32) for _ in range(2 * _NBUF)]
          + [pltpu.VMEM((n_jh, nbh_c, 8, 128), jnp.float32)
             for _ in range(_NBUF)]
          + [pltpu.SemaphoreType.DMA] * (4 * _NBUF + _NBUF)
      ),
      compiler_params=pltpu.CompilerParams(
          use_tc_tiling_on_sc=False, needs_layout_passes=False),
  )
  def emb_kernel(ids_hbm, table_hbm, out_hbm, *scr):
    idx_v = [scr[0:_NBUF], scr[_NBUF:2 * _NBUF]]
    rows_v = [scr[2 * _NBUF:3 * _NBUF], scr[3 * _NBUF:4 * _NBUF]]
    ob_v = scr[4 * _NBUF:5 * _NBUF]
    sem_i = [scr[5 * _NBUF:6 * _NBUF], scr[6 * _NBUF:7 * _NBUF]]
    sem_g = [scr[7 * _NBUF:8 * _NBUF], scr[8 * _NBUF:9 * _NBUF]]
    sem_o = scr[9 * _NBUF:10 * _NBUF]

    wid = lax.axis_index("s") * 2 + lax.axis_index("c")
    wb0 = wid * bcols
    wbh0 = wid * (bcols // 128)

    lane = jnp.arange(16, dtype=jnp.int32)
    i_jh = [(lane + j0) >> 3 for j0 in range(0, d, 16)]
    i_jl = [(lane + j0) & 7 for j0 in range(0, d, 16)]

    def idx_desc(s, p, b):
      return pltpu.make_async_copy(
          ids_hbm.at[s, pl.ds(wb0 + b * _CHUNK, _CHUNK)],
          idx_v[p][b], sem_i[p][b])

    def gather_descs(p, b):
      return [pltpu.make_async_copy(
          table_hbm.at[idx_v[p][b].at[pl.ds(g * _G, _G)]],
          rows_v[p][b].at[pl.ds(g * _G, _G)],
          sem_g[p][b]) for g in range(_CHUNK // _G)]

    def out_descs(s, b):
      return [pltpu.make_async_copy(
          ob_v[b],
          out_hbm.at[s, :, pl.ds(wbh0 + b * nbh_c, nbh_c)],
          sem_o[b])]

    def transpose_chunk(rows, ob):
      @plsc.parallel_loop(0, _CHUNK, unroll=8)
      def tok_body(tok):
        i_bh = jnp.broadcast_to(tok >> 7, (16,))
        i_bl = jnp.broadcast_to(tok & 127, (16,))
        for jj, j0 in enumerate(range(0, d, 16)):
          vals = rows[tok, pl.ds(j0, 16)]
          plsc.store_scatter(ob, [i_jh[jj], i_bh, i_jl[jj], i_bl], vals)

    for b in range(_NBUF):
      idx_desc(0, 0, b).start()
      idx_desc(1, 1, b).start()

    @pl.loop(0, n_s + 2, step=2)
    def round_body(r0):
      for dp in range(2):
        rr = r0 + dp
        p = dp
        @pl.when(rr < n_s)
        def _(rr=rr, p=p):
          for b in range(_NBUF):
            idx_desc(rr, p, b).wait()
            for dsc in gather_descs(p, b):
              dsc.start()
        @pl.when(jnp.logical_and(rr >= 1, rr <= n_s))
        def _(rr=rr, p=p):
          for b in range(_NBUF):
            for dsc in gather_descs(1 - p, b):
              dsc.wait()
            @pl.when(rr >= 2)
            def _(rr=rr, b=b):
              for dsc in out_descs(rr - 2, b):
                dsc.wait()
            transpose_chunk(rows_v[1 - p][b], ob_v[b])
            for dsc in out_descs(rr - 1, b):
              dsc.start()
            @pl.when(rr + 1 < n_s)
            def _(rr=rr, p=p, b=b):
              idx_desc(rr + 1, 1 - p, b).start()

    for b in range(_NBUF):
      for dsc in out_descs(n_s - 1, b):
        dsc.wait()

  return emb_kernel(ids_t, weights)


def kernel(token_ids, weights):
  bsz, seq = token_ids.shape
  d_model = weights.shape[1]
  ids_t = token_ids.T.astype(jnp.int32)
  out5 = _emb5(ids_t, weights, seq, bsz, d_model)
  return out5.transpose(2, 4, 0, 1, 3).reshape(bsz, seq, d_model)

# --- scband reference (transcript-rebuilt; emitter-appended) ---
"""Pipeline reference for scband-embedding-25460566131048 (READ-ONLY COPY).

The authoritative reference and input builder live on the scoring server;
editing this copy changes nothing except your own understanding.
"""

import jax, jax.numpy as jnp
import numpy as np

VOCAB_SIZE = 1000000
D_MODEL = 64

def setup_inputs(seed: int = 0) -> dict:
    key = jax.random.key(seed)
    k_ids, k_w = jax.random.split(key)
    token_ids = jax.random.randint(k_ids, (16384, 50), 0, VOCAB_SIZE, dtype=jnp.int64 if jax.config.jax_enable_x64 else jnp.int32)
    # trunc_normal: normal(mean=0, std=1) * std(=1) clamped to [-3, 3]
    weights = jnp.clip(jax.random.normal(k_w, (VOCAB_SIZE, D_MODEL), dtype=jnp.float32), -3.0, 3.0)
    return {"token_ids": token_ids, "weights": weights}

def reference(token_ids, weights):
    return jnp.take(weights, token_ids, axis=0)

if __name__ == "__main__":
    import jax
    _d = setup_inputs()
    print(jax.jit(kernel)(*tuple(_d.values())))

</pallas_src>

<mosaic_0001>
#map = affine_map<(d0, d1) -> (0, 0)>
#map1 = affine_map<(d0, d1) -> (0, 0, 0, 0, 0)>
module attributes {stable_mosaic.version = 14 : i64} {
  func.func @emb_kernel(%arg0: i32, %arg1: i32, %arg2: memref<50x16384xi32, #tpu.memory_space<hbm>>, %arg3: memref<1000000x64xf32, #tpu.memory_space<hbm>>, %arg4: memref<50x8x128x8x128xf32, #tpu.memory_space<hbm>>, %arg5: memref<128xi32, #tpu.memory_space<vmem>>, %arg6: memref<128xi32, #tpu.memory_space<vmem>>, %arg7: memref<128xi32, #tpu.memory_space<vmem>>, %arg8: memref<128xi32, #tpu.memory_space<vmem>>, %arg9: memref<128xi32, #tpu.memory_space<vmem>>, %arg10: memref<128xi32, #tpu.memory_space<vmem>>, %arg11: memref<128xi32, #tpu.memory_space<vmem>>, %arg12: memref<128xi32, #tpu.memory_space<vmem>>, %arg13: memref<128x64xf32, #tpu.memory_space<vmem>>, %arg14: memref<128x64xf32, #tpu.memory_space<vmem>>, %arg15: memref<128x64xf32, #tpu.memory_space<vmem>>, %arg16: memref<128x64xf32, #tpu.memory_space<vmem>>, %arg17: memref<128x64xf32, #tpu.memory_space<vmem>>, %arg18: memref<128x64xf32, #tpu.memory_space<vmem>>, %arg19: memref<128x64xf32, #tpu.memory_space<vmem>>, %arg20: memref<128x64xf32, #tpu.memory_space<vmem>>, %arg21: memref<8x1x8x128xf32, #tpu.memory_space<vmem>>, %arg22: memref<8x1x8x128xf32, #tpu.memory_space<vmem>>, %arg23: memref<8x1x8x128xf32, #tpu.memory_space<vmem>>, %arg24: memref<8x1x8x128xf32, #tpu.memory_space<vmem>>, %arg25: memref<!tpu.dma_semaphore, #tpu.memory_space<semaphore_mem>>, %arg26: memref<!tpu.dma_semaphore, #tpu.memory_space<semaphore_mem>>, %arg27: memref<!tpu.dma_semaphore, #tpu.memory_space<semaphore_mem>>, %arg28: memref<!tpu.dma_semaphore, #tpu.memory_space<semaphore_mem>>, %arg29: memref<!tpu.dma_semaphore, #tpu.memory_space<semaphore_mem>>, %arg30: memref<!tpu.dma_semaphore, #tpu.memory_space<semaphore_mem>>, %arg31: memref<!tpu.dma_semaphore, #tpu.memory_space<semaphore_mem>>, %arg32: memref<!tpu.dma_semaphore, #tpu.memory_space<semaphore_mem>>, %arg33: memref<!tpu.dma_semaphore, #tpu.memory_space<semaphore_mem>>, %arg34: memref<!tpu.dma_semaphore, #tpu.memory_space<semaphore_mem>>, %arg35: memref<!tpu.dma_semaphore, #tpu.memory_space<semaphore_mem>>, %arg36: memref<!tpu.dma_semaphore, #tpu.memory_space<semaphore_mem>>, %arg37: memref<!tpu.dma_semaphore, #tpu.memory_space<semaphore_mem>>, %arg38: memref<!tpu.dma_semaphore, #tpu.memory_space<semaphore_mem>>, %arg39: memref<!tpu.dma_semaphore, #tpu.memory_space<semaphore_mem>>, %arg40: memref<!tpu.dma_semaphore, #tpu.memory_space<semaphore_mem>>, %arg41: memref<!tpu.dma_semaphore, #tpu.memory_space<semaphore_mem>>, %arg42: memref<!tpu.dma_semaphore, #tpu.memory_space<semaphore_mem>>, %arg43: memref<!tpu.dma_semaphore, #tpu.memory_space<semaphore_mem>>, %arg44: memref<!tpu.dma_semaphore, #tpu.memory_space<semaphore_mem>>) attributes {dimension_semantics = [#tpu.dimension_semantics<core_parallel>, #tpu.dimension_semantics<subcore_parallel>], iteration_bounds = array<i64: 2, 16>, scalar_prefetch = 0 : i64, scratch_operands = 40 : i64, tpu.core_type = #tpu.core_type<sc_vector_subcore>, window_params = [{transform_indices = #map}, {transform_indices = #map}, {transform_indices = #map1}]} {
    %mul3A = arith.constant 2 : i32
    %mul3A_0 = arith.muli %arg1, %mul3A : i32
    %add3A = arith.addi %mul3A_0, %arg0 : i32
    %mul3A_1 = arith.constant 512 : i32
    %mul3A_2 = arith.muli %add3A, %mul3A_1 : i32
    %mul3A_3 = arith.constant 4 : i32
    %mul3A_4 = arith.muli %add3A, %mul3A_3 : i32
    %iota3A = tpu.iota {dimensions = array<i32: 0>} : vector<16xi32>
    %add3A_5 = arith.constant 0 : i32
    %add3A_6 = vector.broadcast %add3A_5 : i32 to vector<16xi32>
    %add3A_7 = arith.addi %iota3A, %add3A_6 : vector<16xi32>
    %shift_right_arithmetic3A = arith.constant 3 : i32
    %shift_right_arithmetic3A_8 = vector.broadcast %shift_right_arithmetic3A : i32 to vector<16xi32>
    %shift_right_arithmetic3A_9 = arith.shrsi %add3A_7, %shift_right_arithmetic3A_8 : vector<16xi32>
    %add3A_10 = arith.constant 16 : i32
    %add3A_11 = vector.broadcast %add3A_10 : i32 to vector<16xi32>
    %add3A_12 = arith.addi %iota3A, %add3A_11 : vector<16xi32>
    %shift_right_arithmetic3A_13 = arith.constant 3 : i32
    %shift_right_arithmetic3A_14 = vector.broadcast %shift_right_arithmetic3A_13 : i32 to vector<16xi32>
    %shift_right_arithmetic3A_15 = arith.shrsi %add3A_12, %shift_right_arithmetic3A_14 : vector<16xi32>
    %add3A_16 = arith.constant 32 : i32
    %add3A_17 = vector.broadcast %add3A_16 : i32 to vector<16xi32>
    %add3A_18 = arith.addi %iota3A, %add3A_17 : vector<16xi32>
    %shift_right_arithmetic3A_19 = arith.constant 3 : i32
    %shift_right_arithmetic3A_20 = vector.broadcast %shift_right_arithmetic3A_19 : i32 to vector<16xi32>
    %shift_right_arithmetic3A_21 = arith.shrsi %add3A_18, %shift_right_arithmetic3A_20 : vector<16xi32>
    %add3A_22 = arith.constant 48 : i32
    %add3A_23 = vector.broadcast %add3A_22 : i32 to vector<16xi32>
    %add3A_24 = arith.addi %iota3A, %add3A_23 : vector<16xi32>
    %shift_right_arithmetic3A_25 = arith.constant 3 : i32
    %shift_right_arithmetic3A_26 = vector.broadcast %shift_right_arithmetic3A_25 : i32 to vector<16xi32>
    %shift_right_arithmetic3A_27 = arith.shrsi %add3A_24, %shift_right_arithmetic3A_26 : vector<16xi32>
    %add3A_28 = arith.constant 0 : i32
    %add3A_29 = vector.broadcast %add3A_28 : i32 to vector<16xi32>
    %add3A_30 = arith.addi %iota3A, %add3A_29 : vector<16xi32>
    %and3A = arith.constant 7 : i32
    %and3A_31 = vector.broadcast %and3A : i32 to vector<16xi32>
    %and3A_32 = arith.andi %add3A_30, %and3A_31 : vector<16xi32>
    %add3A_33 = arith.constant 16 : i32
    %add3A_34 = vector.broadcast %add3A_33 : i32 to vector<16xi32>
    %add3A_35 = arith.addi %iota3A, %add3A_34 : vector<16xi32>
    %and3A_36 = arith.constant 7 : i32
    %and3A_37 = vector.broadcast %and3A_36 : i32 to vector<16xi32>
    %and3A_38 = arith.andi %add3A_35, %and3A_37 : vector<16xi32>
    %add3A_39 = arith.constant 32 : i32
    %add3A_40 = vector.broadcast %add3A_39 : i32 to vector<16xi32>
    %add3A_41 = arith.addi %iota3A, %add3A_40 : vector<16xi32>
    %and3A_42 = arith.constant 7 : i32
    %and3A_43 = vector.broadcast %and3A_42 : i32 to vector<16xi32>
    %and3A_44 = arith.andi %add3A_41, %and3A_43 : vector<16xi32>
    %add3A_45 = arith.constant 48 : i32
    %add3A_46 = vector.broadcast %add3A_45 : i32 to vector<16xi32>
    %add3A_47 = arith.addi %iota3A, %add3A_46 : vector<16xi32>
    %and3A_48 = arith.constant 7 : i32
    %and3A_49 = vector.broadcast %and3A_48 : i32 to vector<16xi32>
    %and3A_50 = arith.andi %add3A_47, %and3A_49 : vector<16xi32>
    %add3A_51 = arith.constant 0 : i32
    %add3A_52 = arith.addi %mul3A_2, %add3A_51 : i32
    %dma_start3A = arith.constant 0 : i32
    %dma_start3A_53 = tpu.memref_slice %arg2[%dma_start3A, %add3A_52] : memref<50x16384xi32, #tpu.memory_space<hbm>> -> memref<1x128xi32, #tpu.memory_space<hbm>>
    %dma_start3A_54 = tpu.memref_squeeze %dma_start3A_53 : memref<1x128xi32, #tpu.memory_space<hbm>> -> memref<128xi32, #tpu.memory_space<hbm>>
    %dma_start3A_55 = tpu.memref_slice %arg2[%dma_start3A, %add3A_52] : memref<50x16384xi32, #tpu.memory_space<hbm>> -> memref<1x128xi32, #tpu.memory_space<hbm>>
    %dma_start3A_56 = tpu.memref_squeeze %dma_start3A_55 : memref<1x128xi32, #tpu.memory_space<hbm>> -> memref<128xi32, #tpu.memory_space<hbm>>
    tpu.enqueue_dma source(%dma_start3A_56 : memref<128xi32, #tpu.memory_space<hbm>>) target(%arg5 : memref<128xi32, #tpu.memory_space<vmem>>) target_semaphore(%arg25 : memref<!tpu.dma_semaphore, #tpu.memory_space<semaphore_mem>>)
    %add3A_57 = arith.constant 0 : i32
    %add3A_58 = arith.addi %mul3A_2, %add3A_57 : i32
    %dma_start3A_59 = arith.constant 1 : i32
    %dma_start3A_60 = tpu.memref_slice %arg2[%dma_start3A_59, %add3A_58] : memref<50x16384xi32, #tpu.memory_space<hbm>> -> memref<1x128xi32, #tpu.memory_space<hbm>>
    %dma_start3A_61 = tpu.memref_squeeze %dma_start3A_60 : memref<1x128xi32, #tpu.memory_space<hbm>> -> memref<128xi32, #tpu.memory_space<hbm>>
    %dma_start3A_62 = tpu.memref_slice %arg2[%dma_start3A_59, %add3A_58] : memref<50x16384xi32, #tpu.memory_space<hbm>> -> memref<1x128xi32, #tpu.memory_space<hbm>>
    %dma_start3A_63 = tpu.memref_squeeze %dma_start3A_62 : memref<1x128xi32, #tpu.memory_space<hbm>> -> memref<128xi32, #tpu.memory_space<hbm>>
    tpu.enqueue_dma source(%dma_start3A_63 : memref<128xi32, #tpu.memory_space<hbm>>) target(%arg9 : memref<128xi32, #tpu.memory_space<vmem>>) target_semaphore(%arg29 : memref<!tpu.dma_semaphore, #tpu.memory_space<semaphore_mem>>)
    %add3A_64 = arith.constant 128 : i32
    %add3A_65 = arith.addi %mul3A_2, %add3A_64 : i32
    %dma_start3A_66 = arith.constant 0 : i32
    %dma_start3A_67 = tpu.memref_slice %arg2[%dma_start3A_66, %add3A_65] : memref<50x16384xi32, #tpu.memory_space<hbm>> -> memref<1x128xi32, #tpu.memory_space<hbm>>
    %dma_start3A_68 = tpu.memref_squeeze %dma_start3A_67 : memref<1x128xi32, #tpu.memory_space<hbm>> -> memref<128xi32, #tpu.memory_space<hbm>>
    %dma_start3A_69 = tpu.memref_slice %arg2[%dma_start3A_66, %add3A_65] : memref<50x16384xi32, #tpu.memory_space<hbm>> -> memref<1x128xi32, #tpu.memory_space<hbm>>
    %dma_start3A_70 = tpu.memref_squeeze %dma_start3A_69 : memref<1x128xi32, #tpu.memory_space<hbm>> -> memref<128xi32, #tpu.memory_space<hbm>>
    tpu.enqueue_dma source(%dma_start3A_70 : memref<128xi32, #tpu.memory_space<hbm>>) target(%arg6 : memref<128xi32, #tpu.memory_space<vmem>>) target_semaphore(%arg26 : memref<!tpu.dma_semaphore, #tpu.memory_space<semaphore_mem>>)
    %add3A_71 = arith.constant 128 : i32
    %add3A_72 = arith.addi %mul3A_2, %add3A_71 : i32
    %dma_start3A_73 = arith.constant 1 : i32
    %dma_start3A_74 = tpu.memref_slice %arg2[%dma_start3A_73, %add3A_72] : memref<50x16384xi32, #tpu.memory_space<hbm>> -> memref<1x128xi32, #tpu.memory_space<hbm>>
    %dma_start3A_75 = tpu.memref_squeeze %dma_start3A_74 : memref<1x128xi32, #tpu.memory_space<hbm>> -> memref<128xi32, #tpu.memory_space<hbm>>
    %dma_start3A_76 = tpu.memref_slice %arg2[%dma_start3A_73, %add3A_72] : memref<50x16384xi32, #tpu.memory_space<hbm>> -> memref<1x128xi32, #tpu.memory_space<hbm>>
    %dma_start3A_77 = tpu.memref_squeeze %dma_start3A_76 : memref<1x128xi32, #tpu.memory_space<hbm>> -> memref<128xi32, #tpu.memory_space<hbm>>
    tpu.enqueue_dma source(%dma_start3A_77 : memref<128xi32, #tpu.memory_space<hbm>>) target(%arg10 : memref<128xi32, #tpu.memory_space<vmem>>) target_semaphore(%arg30 : memref<!tpu.dma_semaphore, #tpu.memory_space<semaphore_mem>>)
    %add3A_78 = arith.constant 256 : i32
    %add3A_79 = arith.addi %mul3A_2, %add3A_78 : i32
    %dma_start3A_80 = arith.constant 0 : i32
    %dma_start3A_81 = tpu.memref_slice %arg2[%dma_start3A_80, %add3A_79] : memref<50x16384xi32, #tpu.memory_space<hbm>> -> memref<1x128xi32, #tpu.memory_space<hbm>>
    %dma_start3A_82 = tpu.memref_squeeze %dma_start3A_81 : memref<1x128xi32, #tpu.memory_space<hbm>> -> memref<128xi32, #tpu.memory_space<hbm>>
    %dma_start3A_83 = tpu.memref_slice %arg2[%dma_start3A_80, %add3A_79] : memref<50x16384xi32, #tpu.memory_space<hbm>> -> memref<1x128xi32, #tpu.memory_space<hbm>>
    %dma_start3A_84 = tpu.memref_squeeze %dma_start3A_83 : memref<1x128xi32, #tpu.memory_space<hbm>> -> memref<128xi32, #tpu.memory_space<hbm>>
    tpu.enqueue_dma source(%dma_start3A_84 : memref<128xi32, #tpu.memory_space<hbm>>) target(%arg7 : memref<128xi32, #tpu.memory_space<vmem>>) target_semaphore(%arg27 : memref<!tpu.dma_semaphore, #tpu.memory_space<semaphore_mem>>)
    %add3A_85 = arith.constant 256 : i32
    %add3A_86 = arith.addi %mul3A_2, %add3A_85 : i32
    %dma_start3A_87 = arith.constant 1 : i32
    %dma_start3A_88 = tpu.memref_slice %arg2[%dma_start3A_87, %add3A_86] : memref<50x16384xi32, #tpu.memory_space<hbm>> -> memref<1x128xi32, #tpu.memory_space<hbm>>
    %dma_start3A_89 = tpu.memref_squeeze %dma_start3A_88 : memref<1x128xi32, #tpu.memory_space<hbm>> -> memref<128xi32, #tpu.memory_space<hbm>>
    %dma_start3A_90 = tpu.memref_slice %arg2[%dma_start3A_87, %add3A_86] : memref<50x16384xi32, #tpu.memory_space<hbm>> -> memref<1x128xi32, #tpu.memory_space<hbm>>
    %dma_start3A_91 = tpu.memref_squeeze %dma_start3A_90 : memref<1x128xi32, #tpu.memory_space<hbm>> -> memref<128xi32, #tpu.memory_space<hbm>>
    tpu.enqueue_dma source(%dma_start3A_91 : memref<128xi32, #tpu.memory_space<hbm>>) target(%arg11 : memref<128xi32, #tpu.memory_space<vmem>>) target_semaphore(%arg31 : memref<!tpu.dma_semaphore, #tpu.memory_space<semaphore_mem>>)
    %add3A_92 = arith.constant 384 : i32
    %add3A_93 = arith.addi %mul3A_2, %add3A_92 : i32
    %dma_start3A_94 = arith.constant 0 : i32
    %dma_start3A_95 = tpu.memref_slice %arg2[%dma_start3A_94, %add3A_93] : memref<50x16384xi32, #tpu.memory_space<hbm>> -> memref<1x128xi32, #tpu.memory_space<hbm>>
    %dma_start3A_96 = tpu.memref_squeeze %dma_start3A_95 : memref<1x128xi32, #tpu.memory_space<hbm>> -> memref<128xi32, #tpu.memory_space<hbm>>
    %dma_start3A_97 = tpu.memref_slice %arg2[%dma_start3A_94, %add3A_93] : memref<50x16384xi32, #tpu.memory_space<hbm>> -> memref<1x128xi32, #tpu.memory_space<hbm>>
    %dma_start3A_98 = tpu.memref_squeeze %dma_start3A_97 : memref<1x128xi32, #tpu.memory_space<hbm>> -> memref<128xi32, #tpu.memory_space<hbm>>
    tpu.enqueue_dma source(%dma_start3A_98 : memref<128xi32, #tpu.memory_space<hbm>>) target(%arg8 : memref<128xi32, #tpu.memory_space<vmem>>) target_semaphore(%arg28 : memref<!tpu.dma_semaphore, #tpu.memory_space<semaphore_mem>>)
    %add3A_99 = arith.constant 384 : i32
    %add3A_100 = arith.addi %mul3A_2, %add3A_99 : i32
    %dma_start3A_101 = arith.constant 1 : i32
    %dma_start3A_102 = tpu.memref_slice %arg2[%dma_start3A_101, %add3A_100] : memref<50x16384xi32, #tpu.memory_space<hbm>> -> memref<1x128xi32, #tpu.memory_space<hbm>>
    %dma_start3A_103 = tpu.memref_squeeze %dma_start3A_102 : memref<1x128xi32, #tpu.memory_space<hbm>> -> memref<128xi32, #tpu.memory_space<hbm>>
    %dma_start3A_104 = tpu.memref_slice %arg2[%dma_start3A_101, %add3A_100] : memref<50x16384xi32, #tpu.memory_space<hbm>> -> memref<1x128xi32, #tpu.memory_space<hbm>>
    %dma_start3A_105 = tpu.memref_squeeze %dma_start3A_104 : memref<1x128xi32, #tpu.memory_space<hbm>> -> memref<128xi32, #tpu.memory_space<hbm>>
    tpu.enqueue_dma source(%dma_start3A_105 : memref<128xi32, #tpu.memory_space<hbm>>) target(%arg12 : memref<128xi32, #tpu.memory_space<vmem>>) target_semaphore(%arg32 : memref<!tpu.dma_semaphore, #tpu.memory_space<semaphore_mem>>)
    %scan3A = arith.constant 0 : i32
    %scan3A_106 = arith.constant 26 : i32
    %scan3A_107 = arith.addi %scan3A, %scan3A_106 : i32
    %scan3A_108 = arith.constant 1 : i32
    scf.for %scan3A_161 = %scan3A to %scan3A_107 step %scan3A_108  : i32 {
      %mul3A_162 = arith.constant 2 : i32
      %mul3A_163 = arith.muli %scan3A_161, %mul3A_162 : i32
      %add3A_164 = arith.constant 0 : i32
      %add3A_165 = arith.addi %add3A_164, %mul3A_163 : i32
      %add3A_166 = arith.constant 0 : i32
      %add3A_167 = arith.addi %add3A_165, %add3A_166 : i32
      %lt3A = arith.constant 50 : i32
      %lt3A_168 = arith.cmpi slt, %add3A_167, %lt3A : i32
      %convert_element_type3A = arith.extui %lt3A_168 : i1 to i32
      %cond3A = arith.constant 0 : i32
      %cond3A_169 = arith.cmpi ne, %convert_element_type3A, %cond3A : i32
      scf.if %cond3A_169 {
        %add3A_191 = arith.constant 0 : i32
        %add3A_192 = arith.addi %mul3A_2, %add3A_191 : i32
        %dma_wait3A_193 = tpu.memref_slice %arg2[%add3A_167, %add3A_192] : memref<50x16384xi32, #tpu.memory_space<hbm>> -> memref<1x128xi32, #tpu.memory_space<hbm>>
        %dma_wait3A_194 = tpu.memref_squeeze %dma_wait3A_193 : memref<1x128xi32, #tpu.memory_space<hbm>> -> memref<128xi32, #tpu.memory_space<hbm>>
        %dma_wait3A_195 = tpu.memref_slice %arg2[%add3A_167, %add3A_192] : memref<50x16384xi32, #tpu.memory_space<hbm>> -> memref<1x128xi32, #tpu.memory_space<hbm>>
        %dma_wait3A_196 = tpu.memref_squeeze %dma_wait3A_195 : memref<1x128xi32, #tpu.memory_space<hbm>> -> memref<128xi32, #tpu.memory_space<hbm>>
        tpu.wait_dma2 semaphore(%arg25 : memref<!tpu.dma_semaphore, #tpu.memory_space<semaphore_mem>>) src(%dma_wait3A_196 : memref<128xi32, #tpu.memory_space<hbm>>) dst(%arg5 : memref<128xi32, #tpu.memory_space<vmem>>)
        %dma_start3A_197 = arith.constant 0 : i32
        %dma_start3A_198 = arith.constant 0 : i32
        %dma_start3A_199 = tpu.memref_slice %arg13[%dma_start3A_197, %dma_start3A_198] : memref<128x64xf32, #tpu.memory_space<vmem>> -> memref<128x64xf32, #tpu.memory_space<vmem>>
        %dma_start3A_200 = arith.constant 0 : i32
        %dma_start3A_201 = tpu.memref_slice %arg5[%dma_start3A_200] : memref<128xi32, #tpu.memory_space<vmem>> -> memref<128xi32, #tpu.memory_space<vmem>>
        %dma_start3A_202 = arith.constant 0 : i32
        %dma_start3A_203 = arith.constant 0 : i32
        %dma_start3A_204 = tpu.memref_slice %arg3[%dma_start3A_202, %dma_start3A_203] : memref<1000000x64xf32, #tpu.memory_space<hbm>> -> memref<1000000x64xf32, #tpu.memory_space<hbm>>
        tpu.enqueue_indirect_dma source(%dma_start3A_204 : memref<1000000x64xf32, #tpu.memory_space<hbm>>) target(%dma_start3A_199 : memref<128x64xf32, #tpu.memory_space<vmem>>) offsets(%dma_start3A_201 : memref<128xi32, #tpu.memory_space<vmem>>) semaphore(%arg33 : memref<!tpu.dma_semaphore, #tpu.memory_space<semaphore_mem>>)
        %add3A_205 = arith.constant 128 : i32
        %add3A_206 = arith.addi %mul3A_2, %add3A_205 : i32
        %dma_wait3A_207 = tpu.memref_slice %arg2[%add3A_167, %add3A_206] : memref<50x16384xi32, #tpu.memory_space<hbm>> -> memref<1x128xi32, #tpu.memory_space<hbm>>
        %dma_wait3A_208 = tpu.memref_squeeze %dma_wait3A_207 : memref<1x128xi32, #tpu.memory_space<hbm>> -> memref<128xi32, #tpu.memory_space<hbm>>
        %dma_wait3A_209 = tpu.memref_slice %arg2[%add3A_167, %add3A_206] : memref<50x16384xi32, #tpu.memory_space<hbm>> -> memref<1x128xi32, #tpu.memory_space<hbm>>
        %dma_wait3A_210 = tpu.memref_squeeze %dma_wait3A_209 : memref<1x128xi32, #tpu.memory_space<hbm>> -> memref<128xi32, #tpu.memory_space<hbm>>
        tpu.wait_dma2 semaphore(%arg26 : memref<!tpu.dma_semaphore, #tpu.memory_space<semaphore_mem>>) src(%dma_wait3A_210 : memref<128xi32, #tpu.memory_space<hbm>>) dst(%arg6 : memref<128xi32, #tpu.memory_space<vmem>>)
        %dma_start3A_211 = arith.constant 0 : i32
        %dma_start3A_212 = arith.constant 0 : i32
        %dma_start3A_213 = tpu.memref_slice %arg14[%dma_start3A_211, %dma_start3A_212] : memref<128x64xf32, #tpu.memory_space<vmem>> -> memref<128x64xf32, #tpu.memory_space<vmem>>
        %dma_start3A_214 = arith.constant 0 : i32
        %dma_start3A_215 = tpu.memref_slice %arg6[%dma_start3A_214] : memref<128xi32, #tpu.memory_space<vmem>> -> memref<128xi32, #tpu.memory_space<vmem>>
        %dma_start3A_216 = arith.constant 0 : i32
        %dma_start3A_217 = arith.constant 0 : i32
        %dma_start3A_218 = tpu.memref_slice %arg3[%dma_start3A_216, %dma_start3A_217] : memref<1000000x64xf32, #tpu.memory_space<hbm>> -> memref<1000000x64xf32, #tpu.memory_space<hbm>>
        tpu.enqueue_indirect_dma source(%dma_start3A_218 : memref<1000000x64xf32, #tpu.memory_space<hbm>>) target(%dma_start3A_213 : memref<128x64xf32, #tpu.memory_space<vmem>>) offsets(%dma_start3A_215 : memref<128xi32, #tpu.memory_space<vmem>>) semaphore(%arg34 : memref<!tpu.dma_semaphore, #tpu.memory_space<semaphore_mem>>)
        %add3A_219 = arith.constant 256 : i32
        %add3A_220 = arith.addi %mul3A_2, %add3A_219 : i32
        %dma_wait3A_221 = tpu.memref_slice %arg2[%add3A_167, %add3A_220] : memref<50x16384xi32, #tpu.memory_space<hbm>> -> memref<1x128xi32, #tpu.memory_space<hbm>>
        %dma_wait3A_222 = tpu.memref_squeeze %dma_wait3A_221 : memref<1x128xi32, #tpu.memory_space<hbm>> -> memref<128xi32, #tpu.memory_space<hbm>>
        %dma_wait3A_223 = tpu.memref_slice %arg2[%add3A_167, %add3A_220] : memref<50x16384xi32, #tpu.memory_space<hbm>> -> memref<1x128xi32, #tpu.memory_space<hbm>>
        %dma_wait3A_224 = tpu.memref_squeeze %dma_wait3A_223 : memref<1x128xi32, #tpu.memory_space<hbm>> -> memref<128xi32, #tpu.memory_space<hbm>>
        tpu.wait_dma2 semaphore(%arg27 : memref<!tpu.dma_semaphore, #tpu.memory_space<semaphore_mem>>) src(%dma_wait3A_224 : memref<128xi32, #tpu.memory_space<hbm>>) dst(%arg7 : memref<128xi32, #tpu.memory_space<vmem>>)
        %dma_start3A_225 = arith.constant 0 : i32
        %dma_start3A_226 = arith.constant 0 : i32
        %dma_start3A_227 = tpu.memref_slice %arg15[%dma_start3A_225, %dma_start3A_226] : memref<128x64xf32, #tpu.memory_space<vmem>> -> memref<128x64xf32, #tpu.memory_space<vmem>>
        %dma_start3A_228 = arith.constant 0 : i32
        %dma_start3A_229 = tpu.memref_slice %arg7[%dma_start3A_228] : memref<128xi32, #tpu.memory_space<vmem>> -> memref<128xi32, #tpu.memory_space<vmem>>
        %dma_start3A_230 = arith.constant 0 : i32
        %dma_start3A_231 = arith.constant 0 : i32
        %dma_start3A_232 = tpu.memref_slice %arg3[%dma_start3A_230, %dma_start3A_231] : memref<1000000x64xf32, #tpu.memory_space<hbm>> -> memref<1000000x64xf32, #tpu.memory_space<hbm>>
        tpu.enqueue_indirect_dma source(%dma_start3A_232 : memref<1000000x64xf32, #tpu.memory_space<hbm>>) target(%dma_start3A_227 : memref<128x64xf32, #tpu.memory_space<vmem>>) offsets(%dma_start3A_229 : memref<128xi32, #tpu.memory_space<vmem>>) semaphore(%arg35 : memref<!tpu.dma_semaphore, #tpu.memory_space<semaphore_mem>>)
        %add3A_233 = arith.constant 384 : i32
        %add3A_234 = arith.addi %mul3A_2, %add3A_233 : i32
        %dma_wait3A_235 = tpu.memref_slice %arg2[%add3A_167, %add3A_234] : memref<50x16384xi32, #tpu.memory_space<hbm>> -> memref<1x128xi32, #tpu.memory_space<hbm>>
        %dma_wait3A_236 = tpu.memref_squeeze %dma_wait3A_235 : memref<1x128xi32, #tpu.memory_space<hbm>> -> memref<128xi32, #tpu.memory_space<hbm>>
        %dma_wait3A_237 = tpu.memref_slice %arg2[%add3A_167, %add3A_234] : memref<50x16384xi32, #tpu.memory_space<hbm>> -> memref<1x128xi32, #tpu.memory_space<hbm>>
        %dma_wait3A_238 = tpu.memref_squeeze %dma_wait3A_237 : memref<1x128xi32, #tpu.memory_space<hbm>> -> memref<128xi32, #tpu.memory_space<hbm>>
        tpu.wait_dma2 semaphore(%arg28 : memref<!tpu.dma_semaphore, #tpu.memory_space<semaphore_mem>>) src(%dma_wait3A_238 : memref<128xi32, #tpu.memory_space<hbm>>) dst(%arg8 : memref<128xi32, #tpu.memory_space<vmem>>)
        %dma_start3A_239 = arith.constant 0 : i32
        %dma_start3A_240 = arith.constant 0 : i32
        %dma_start3A_241 = tpu.memref_slice %arg16[%dma_start3A_239, %dma_start3A_240] : memref<128x64xf32, #tpu.memory_space<vmem>> -> memref<128x64xf32, #tpu.memory_space<vmem>>
        %dma_start3A_242 = arith.constant 0 : i32
        %dma_start3A_243 = tpu.memref_slice %arg8[%dma_start3A_242] : memref<128xi32, #tpu.memory_space<vmem>> -> memref<128xi32, #tpu.memory_space<vmem>>
        %dma_start3A_244 = arith.constant 0 : i32
        %dma_start3A_245 = arith.constant 0 : i32
        %dma_start3A_246 = tpu.memref_slice %arg3[%dma_start3A_244, %dma_start3A_245] : memref<1000000x64xf32, #tpu.memory_space<hbm>> -> memref<1000000x64xf32, #tpu.memory_space<hbm>>
        tpu.enqueue_indirect_dma source(%dma_start3A_246 : memref<1000000x64xf32, #tpu.memory_space<hbm>>) target(%dma_start3A_241 : memref<128x64xf32, #tpu.memory_space<vmem>>) offsets(%dma_start3A_243 : memref<128xi32, #tpu.memory_space<vmem>>) semaphore(%arg36 : memref<!tpu.dma_semaphore, #tpu.memory_space<semaphore_mem>>)
      } else {
      }
      %ge3A = arith.constant 1 : i32
      %ge3A_170 = arith.cmpi sge, %add3A_167, %ge3A : i32
      %le3A = arith.constant 50 : i32
      %le3A_171 = arith.cmpi sle, %add3A_167, %le3A : i32
      %and3A_172 = arith.andi %ge3A_170, %le3A_171 : i1
      %convert_element_type3A_173 = arith.extui %and3A_172 : i1 to i32
      %cond3A_174 = arith.constant 0 : i32
      %cond3A_175 = arith.cmpi ne, %convert_element_type3A_173, %cond3A_174 : i32
      scf.if %cond3A_175 {
        %dma_wait3A_191 = arith.constant 0 : i32
        %dma_wait3A_192 = arith.constant 0 : i32
        %dma_wait3A_193 = tpu.memref_slice %arg17[%dma_wait3A_191, %dma_wait3A_192] : memref<128x64xf32, #tpu.memory_space<vmem>> -> memref<128x64xf32, #tpu.memory_space<vmem>>
        %dma_wait3A_194 = arith.constant 0 : i32
        %dma_wait3A_195 = tpu.memref_slice %arg9[%dma_wait3A_194] : memref<128xi32, #tpu.memory_space<vmem>> -> memref<128xi32, #tpu.memory_space<vmem>>
        %dma_wait3A_196 = arith.constant 0 : i32
        %dma_wait3A_197 = arith.constant 0 : i32
        %dma_wait3A_198 = tpu.memref_slice %arg3[%dma_wait3A_196, %dma_wait3A_197] : memref<1000000x64xf32, #tpu.memory_space<hbm>> -> memref<1000000x64xf32, #tpu.memory_space<hbm>>
        tpu.wait_indirect_dma semaphore(%arg37 : memref<!tpu.dma_semaphore, #tpu.memory_space<semaphore_mem>>) src(%dma_wait3A_198 : memref<1000000x64xf32, #tpu.memory_space<hbm>>) dst(%dma_wait3A_193 : memref<128x64xf32, #tpu.memory_space<vmem>>)
        %ge3A_199 = arith.constant 2 : i32
        %ge3A_200 = arith.cmpi sge, %add3A_167, %ge3A_199 : i32
        %convert_element_type3A_201 = arith.extui %ge3A_200 : i1 to i32
        %cond3A_202 = arith.constant 0 : i32
        %cond3A_203 = arith.cmpi ne, %convert_element_type3A_201, %cond3A_202 : i32
        scf.if %cond3A_203 {
          %sub3A_337 = arith.constant 2 : i32
          %sub3A_338 = arith.subi %add3A_167, %sub3A_337 : i32
          %add3A_339 = arith.constant 0 : i32
          %add3A_340 = arith.addi %mul3A_4, %add3A_339 : i32
          %dma_wait3A_341 = arith.constant 0 : i32
          %dma_wait3A_342 = arith.constant 0 : i32
          %dma_wait3A_343 = arith.constant 0 : i32
          %dma_wait3A_344 = tpu.memref_slice %arg4[%sub3A_338, %dma_wait3A_341, %add3A_340, %dma_wait3A_342, %dma_wait3A_343] : memref<50x8x128x8x128xf32, #tpu.memory_space<hbm>> -> memref<1x8x1x8x128xf32, #tpu.memory_space<hbm>>
          %dma_wait3A_345 = tpu.memref_squeeze %dma_wait3A_344 : memref<1x8x1x8x128xf32, #tpu.memory_space<hbm>> -> memref<8x1x8x128xf32, #tpu.memory_space<hbm>>
          %dma_wait3A_346 = arith.constant 0 : i32
          %dma_wait3A_347 = arith.constant 0 : i32
          %dma_wait3A_348 = arith.constant 0 : i32
          %dma_wait3A_349 = tpu.memref_slice %arg4[%sub3A_338, %dma_wait3A_346, %add3A_340, %dma_wait3A_347, %dma_wait3A_348] : memref<50x8x128x8x128xf32, #tpu.memory_space<hbm>> -> memref<1x8x1x8x128xf32, #tpu.memory_space<hbm>>
          %dma_wait3A_350 = tpu.memref_squeeze %dma_wait3A_349 : memref<1x8x1x8x128xf32, #tpu.memory_space<hbm>> -> memref<8x1x8x128xf32, #tpu.memory_space<hbm>>
          tpu.wait_dma2 semaphore(%arg41 : memref<!tpu.dma_semaphore, #tpu.memory_space<semaphore_mem>>) src(%arg21 : memref<8x1x8x128xf32, #tpu.memory_space<vmem>>) dst(%dma_wait3A_350 : memref<8x1x8x128xf32, #tpu.memory_space<hbm>>)
        } else {
        }
        %parallel_loop3A = arith.constant 0 : i32
        %parallel_loop3A_204 = arith.constant 128 : i32
        %parallel_loop3A_205 = arith.constant 1 : i32
        scf.for %parallel_loop3A_337 = %parallel_loop3A to %parallel_loop3A_204 step %parallel_loop3A_205  : i32 {
          %parallel_loop3A_338 = arith.constant 7 : i32
          %parallel_loop3A_339 = arith.shrsi %parallel_loop3A_337, %parallel_loop3A_338 : i32
          %parallel_loop3A_340 = vector.broadcast %parallel_loop3A_339 : i32 to vector<16xi32>
          %parallel_loop3A_341 = arith.constant 127 : i32
          %parallel_loop3A_342 = arith.andi %parallel_loop3A_337, %parallel_loop3A_341 : i32
          %parallel_loop3A_343 = vector.broadcast %parallel_loop3A_342 : i32 to vector<16xi32>
          %parallel_loop3A_344 = arith.index_cast %parallel_loop3A_337 : i32 to index
          %parallel_loop3A_345 = arith.constant 0 : index
          %parallel_loop3A_346 = tpu.vector_load %arg17[%parallel_loop3A_344, %parallel_loop3A_345] {strides = array<i32>} : memref<128x64xf32, #tpu.memory_space<vmem>>, vector<16xf32>,
          tpu.vector_store_idx %arg21[%shift_right_arithmetic3A_9, %parallel_loop3A_340, %and3A_32, %parallel_loop3A_343], %parallel_loop3A_346 : memref<8x1x8x128xf32, #tpu.memory_space<vmem>>[vector<16xi32>, vector<16xi32>, vector<16xi32>, vector<16xi32>], vector<16xf32>,
          %parallel_loop3A_347 = arith.index_cast %parallel_loop3A_337 : i32 to index
          %parallel_loop3A_348 = arith.constant 16 : index
          %parallel_loop3A_349 = tpu.vector_load %arg17[%parallel_loop3A_347, %parallel_loop3A_348] {strides = array<i32>} : memref<128x64xf32, #tpu.memory_space<vmem>>, vector<16xf32>,
          tpu.vector_store_idx %arg21[%shift_right_arithmetic3A_15, %parallel_loop3A_340, %and3A_38, %parallel_loop3A_343], %parallel_loop3A_349 : memref<8x1x8x128xf32, #tpu.memory_space<vmem>>[vector<16xi32>, vector<16xi32>, vector<16xi32>, vector<16xi32>], vector<16xf32>,
          %parallel_loop3A_350 = arith.index_cast %parallel_loop3A_337 : i32 to index
          %parallel_loop3A_351 = arith.constant 32 : index
          %parallel_loop3A_352 = tpu.vector_load %arg17[%parallel_loop3A_350, %parallel_loop3A_351] {strides = array<i32>} : memref<128x64xf32, #tpu.memory_space<vmem>>, vector<16xf32>,
          tpu.vector_store_idx %arg21[%shift_right_arithmetic3A_21, %parallel_loop3A_340, %and3A_44, %parallel_loop3A_343], %parallel_loop3A_352 : memref<8x1x8x128xf32, #tpu.memory_space<vmem>>[vector<16xi32>, vector<16xi32>, vector<16xi32>, vector<16xi32>], vector<16xf32>,
          %parallel_loop3A_353 = arith.index_cast %parallel_loop3A_337 : i32 to index
          %parallel_loop3A_354 = arith.constant 48 : index
          %parallel_loop3A_355 = tpu.vector_load %arg17[%parallel_loop3A_353, %parallel_loop3A_354] {strides = array<i32>} : memref<128x64xf32, #tpu.memory_space<vmem>>, vector<16xf32>,
          tpu.vector_store_idx %arg21[%shift_right_arithmetic3A_27, %parallel_loop3A_340, %and3A_50, %parallel_loop3A_343], %parallel_loop3A_355 : memref<8x1x8x128xf32, #tpu.memory_space<vmem>>[vector<16xi32>, vector<16xi32>, vector<16xi32>, vector<16xi32>], vector<16xf32>,
        } {sc.loop_unroll_factor = 8 : i64, sc.parallel_access}
        %sub3A = arith.constant 1 : i32
        %sub3A_206 = arith.subi %add3A_167, %sub3A : i32
        %add3A_207 = arith.constant 0 : i32
        %add3A_208 = arith.addi %mul3A_4, %add3A_207 : i32
        %dma_start3A_209 = arith.constant 0 : i32
        %dma_start3A_210 = arith.constant 0 : i32
        %dma_start3A_211 = arith.constant 0 : i32
        %dma_start3A_212 = tpu.memref_slice %arg4[%sub3A_206, %dma_start3A_209, %add3A_208, %dma_start3A_210, %dma_start3A_211] : memref<50x8x128x8x128xf32, #tpu.memory_space<hbm>> -> memref<1x8x1x8x128xf32, #tpu.memory_space<hbm>>
        %dma_start3A_213 = tpu.memref_squeeze %dma_start3A_212 : memref<1x8x1x8x128xf32, #tpu.memory_space<hbm>> -> memref<8x1x8x128xf32, #tpu.memory_space<hbm>>
        %dma_start3A_214 = arith.constant 0 : i32
        %dma_start3A_215 = arith.constant 0 : i32
        %dma_start3A_216 = arith.constant 0 : i32
        %dma_start3A_217 = tpu.memref_slice %arg4[%sub3A_206, %dma_start3A_214, %add3A_208, %dma_start3A_215, %dma_start3A_216] : memref<50x8x128x8x128xf32, #tpu.memory_space<hbm>> -> memref<1x8x1x8x128xf32, #tpu.memory_space<hbm>>
        %dma_start3A_218 = tpu.memref_squeeze %dma_start3A_217 : memref<1x8x1x8x128xf32, #tpu.memory_space<hbm>> -> memref<8x1x8x128xf32, #tpu.memory_space<hbm>>
        tpu.enqueue_dma source(%arg21 : memref<8x1x8x128xf32, #tpu.memory_space<vmem>>) target(%dma_start3A_218 : memref<8x1x8x128xf32, #tpu.memory_space<hbm>>) target_semaphore(%arg41 : memref<!tpu.dma_semaphore, #tpu.memory_space<semaphore_mem>>)
        %add3A_219 = arith.constant 1 : i32
        %add3A_220 = arith.addi %add3A_167, %add3A_219 : i32
        %lt3A_221 = arith.constant 50 : i32
        %lt3A_222 = arith.cmpi slt, %add3A_220, %lt3A_221 : i32
        %convert_element_type3A_223 = arith.extui %lt3A_222 : i1 to i32
        %cond3A_224 = arith.constant 0 : i32
        %cond3A_225 = arith.cmpi ne, %convert_element_type3A_223, %cond3A_224 : i32
        scf.if %cond3A_225 {
          %add3A_337 = arith.constant 1 : i32
          %add3A_338 = arith.addi %add3A_167, %add3A_337 : i32
          %add3A_339 = arith.constant 0 : i32
          %add3A_340 = arith.addi %mul3A_2, %add3A_339 : i32
          %dma_start3A_341 = tpu.memref_slice %arg2[%add3A_338, %add3A_340] : memref<50x16384xi32, #tpu.memory_space<hbm>> -> memref<1x128xi32, #tpu.memory_space<hbm>>
          %dma_start3A_342 = tpu.memref_squeeze %dma_start3A_341 : memref<1x128xi32, #tpu.memory_space<hbm>> -> memref<128xi32, #tpu.memory_space<hbm>>
          %dma_start3A_343 = tpu.memref_slice %arg2[%add3A_338, %add3A_340] : memref<50x16384xi32, #tpu.memory_space<hbm>> -> memref<1x128xi32, #tpu.memory_space<hbm>>
          %dma_start3A_344 = tpu.memref_squeeze %dma_start3A_343 : memref<1x128xi32, #tpu.memory_space<hbm>> -> memref<128xi32, #tpu.memory_space<hbm>>
          tpu.enqueue_dma source(%dma_start3A_344 : memref<128xi32, #tpu.memory_space<hbm>>) target(%arg9 : memref<128xi32, #tpu.memory_space<vmem>>) target_semaphore(%arg29 : memref<!tpu.dma_semaphore, #tpu.memory_space<semaphore_mem>>)
        } else {
        }
        %dma_wait3A_226 = arith.constant 0 : i32
        %dma_wait3A_227 = arith.constant 0 : i32
        %dma_wait3A_228 = tpu.memref_slice %arg18[%dma_wait3A_226, %dma_wait3A_227] : memref<128x64xf32, #tpu.memory_space<vmem>> -> memref<128x64xf32, #tpu.memory_space<vmem>>
        %dma_wait3A_229 = arith.constant 0 : i32
        %dma_wait3A_230 = tpu.memref_slice %arg10[%dma_wait3A_229] : memref<128xi32, #tpu.memory_space<vmem>> -> memref<128xi32, #tpu.memory_space<vmem>>
        %dma_wait3A_231 = arith.constant 0 : i32
        %dma_wait3A_232 = arith.constant 0 : i32
        %dma_wait3A_233 = tpu.memref_slice %arg3[%dma_wait3A_231, %dma_wait3A_232] : memref<1000000x64xf32, #tpu.memory_space<hbm>> -> memref<1000000x64xf32, #tpu.memory_space<hbm>>
        tpu.wait_indirect_dma semaphore(%arg38 : memref<!tpu.dma_semaphore, #tpu.memory_space<semaphore_mem>>) src(%dma_wait3A_233 : memref<1000000x64xf32, #tpu.memory_space<hbm>>) dst(%dma_wait3A_228 : memref<128x64xf32, #tpu.memory_space<vmem>>)
        %ge3A_234 = arith.constant 2 : i32
        %ge3A_235 = arith.cmpi sge, %add3A_167, %ge3A_234 : i32
        %convert_element_type3A_236 = arith.extui %ge3A_235 : i1 to i32
        %cond3A_237 = arith.constant 0 : i32
        %cond3A_238 = arith.cmpi ne, %convert_element_type3A_236, %cond3A_237 : i32
        scf.if %cond3A_238 {
          %sub3A_337 = arith.constant 2 : i32
          %sub3A_338 = arith.subi %add3A_167, %sub3A_337 : i32
          %add3A_339 = arith.constant 1 : i32
          %add3A_340 = arith.addi %mul3A_4, %add3A_339 : i32
          %dma_wait3A_341 = arith.constant 0 : i32
          %dma_wait3A_342 = arith.constant 0 : i32
          %dma_wait3A_343 = arith.constant 0 : i32
          %dma_wait3A_344 = tpu.memref_slice %arg4[%sub3A_338, %dma_wait3A_341, %add3A_340, %dma_wait3A_342, %dma_wait3A_343] : memref<50x8x128x8x128xf32, #tpu.memory_space<hbm>> -> memref<1x8x1x8x128xf32, #tpu.memory_space<hbm>>
          %dma_wait3A_345 = tpu.memref_squeeze %dma_wait3A_344 : memref<1x8x1x8x128xf32, #tpu.memory_space<hbm>> -> memref<8x1x8x128xf32, #tpu.memory_space<hbm>>
          %dma_wait3A_346 = arith.constant 0 : i32
          %dma_wait3A_347 = arith.constant 0 : i32
          %dma_wait3A_348 = arith.constant 0 : i32
          %dma_wait3A_349 = tpu.memref_slice %arg4[%sub3A_338, %dma_wait3A_346, %add3A_340, %dma_wait3A_347, %dma_wait3A_348] : memref<50x8x128x8x128xf32, #tpu.memory_space<hbm>> -> memref<1x8x1x8x128xf32, #tpu.memory_space<hbm>>
          %dma_wait3A_350 = tpu.memref_squeeze %dma_wait3A_349 : memref<1x8x1x8x128xf32, #tpu.memory_space<hbm>> -> memref<8x1x8x128xf32, #tpu.memory_space<hbm>>
          tpu.wait_dma2 semaphore(%arg42 : memref<!tpu.dma_semaphore, #tpu.memory_space<semaphore_mem>>) src(%arg22 : memref<8x1x8x128xf32, #tpu.memory_space<vmem>>) dst(%dma_wait3A_350 : memref<8x1x8x128xf32, #tpu.memory_space<hbm>>)
        } else {
        }
        %parallel_loop3A_239 = arith.constant 0 : i32
        %parallel_loop3A_240 = arith.constant 128 : i32
        %parallel_loop3A_241 = arith.constant 1 : i32
        scf.for %parallel_loop3A_337 = %parallel_loop3A_239 to %parallel_loop3A_240 step %parallel_loop3A_241  : i32 {
          %parallel_loop3A_338 = arith.constant 7 : i32
          %parallel_loop3A_339 = arith.shrsi %parallel_loop3A_337, %parallel_loop3A_338 : i32
          %parallel_loop3A_340 = vector.broadcast %parallel_loop3A_339 : i32 to vector<16xi32>
          %parallel_loop3A_341 = arith.constant 127 : i32
          %parallel_loop3A_342 = arith.andi %parallel_loop3A_337, %parallel_loop3A_341 : i32
          %parallel_loop3A_343 = vector.broadcast %parallel_loop3A_342 : i32 to vector<16xi32>
          %parallel_loop3A_344 = arith.index_cast %parallel_loop3A_337 : i32 to index
          %parallel_loop3A_345 = arith.constant 0 : index
          %parallel_loop3A_346 = tpu.vector_load %arg18[%parallel_loop3A_344, %parallel_loop3A_345] {strides = array<i32>} : memref<128x64xf32, #tpu.memory_space<vmem>>, vector<16xf32>,
          tpu.vector_store_idx %arg22[%shift_right_arithmetic3A_9, %parallel_loop3A_340, %and3A_32, %parallel_loop3A_343], %parallel_loop3A_346 : memref<8x1x8x128xf32, #tpu.memory_space<vmem>>[vector<16xi32>, vector<16xi32>, vector<16xi32>, vector<16xi32>], vector<16xf32>,
          %parallel_loop3A_347 = arith.index_cast %parallel_loop3A_337 : i32 to index
          %parallel_loop3A_348 = arith.constant 16 : index
          %parallel_loop3A_349 = tpu.vector_load %arg18[%parallel_loop3A_347, %parallel_loop3A_348] {strides = array<i32>} : memref<128x64xf32, #tpu.memory_space<vmem>>, vector<16xf32>,
          tpu.vector_store_idx %arg22[%shift_right_arithmetic3A_15, %parallel_loop3A_340, %and3A_38, %parallel_loop3A_343], %parallel_loop3A_349 : memref<8x1x8x128xf32, #tpu.memory_space<vmem>>[vector<16xi32>, vector<16xi32>, vector<16xi32>, vector<16xi32>], vector<16xf32>,
          %parallel_loop3A_350 = arith.index_cast %parallel_loop3A_337 : i32 to index
          %parallel_loop3A_351 = arith.constant 32 : index
          %parallel_loop3A_352 = tpu.vector_load %arg18[%parallel_loop3A_350, %parallel_loop3A_351] {strides = array<i32>} : memref<128x64xf32, #tpu.memory_space<vmem>>, vector<16xf32>,
          tpu.vector_store_idx %arg22[%shift_right_arithmetic3A_21, %parallel_loop3A_340, %and3A_44, %parallel_loop3A_343], %parallel_loop3A_352 : memref<8x1x8x128xf32, #tpu.memory_space<vmem>>[vector<16xi32>, vector<16xi32>, vector<16xi32>, vector<16xi32>], vector<16xf32>,
          %parallel_loop3A_353 = arith.index_cast %parallel_loop3A_337 : i32 to index
          %parallel_loop3A_354 = arith.constant 48 : index
          %parallel_loop3A_355 = tpu.vector_load %arg18[%parallel_loop3A_353, %parallel_loop3A_354] {strides = array<i32>} : memref<128x64xf32, #tpu.memory_space<vmem>>, vector<16xf32>,
          tpu.vector_store_idx %arg22[%shift_right_arithmetic3A_27, %parallel_loop3A_340, %and3A_50, %parallel_loop3A_343], %parallel_loop3A_355 : memref<8x1x8x128xf32, #tpu.memory_space<vmem>>[vector<16xi32>, vector<16xi32>, vector<16xi32>, vector<16xi32>], vector<16xf32>,
        } {sc.loop_unroll_factor = 8 : i64, sc.parallel_access}
        %sub3A_242 = arith.constant 1 : i32
        %sub3A_243 = arith.subi %add3A_167, %sub3A_242 : i32
        %add3A_244 = arith.constant 1 : i32
        %add3A_245 = arith.addi %mul3A_4, %add3A_244 : i32
        %dma_start3A_246 = arith.constant 0 : i32
        %dma_start3A_247 = arith.constant 0 : i32
        %dma_start3A_248 = arith.constant 0 : i32
        %dma_start3A_249 = tpu.memref_slice %arg4[%sub3A_243, %dma_start3A_246, %add3A_245, %dma_start3A_247, %dma_start3A_248] : memref<50x8x128x8x128xf32, #tpu.memory_space<hbm>> -> memref<1x8x1x8x128xf32, #tpu.memory_space<hbm>>
        %dma_start3A_250 = tpu.memref_squeeze %dma_start3A_249 : memref<1x8x1x8x128xf32, #tpu.memory_space<hbm>> -> memref<8x1x8x128xf32, #tpu.memory_space<hbm>>
        %dma_start3A_251 = arith.constant 0 : i32
        %dma_start3A_252 = arith.constant 0 : i32
        %dma_start3A_253 = arith.constant 0 : i32
        %dma_start3A_254 = tpu.memref_slice %arg4[%sub3A_243, %dma_start3A_251, %add3A_245, %dma_start3A_252, %dma_start3A_253] : memref<50x8x128x8x128xf32, #tpu.memory_space<hbm>> -> memref<1x8x1x8x128xf32, #tpu.memory_space<hbm>>
        %dma_start3A_255 = tpu.memref_squeeze %dma_start3A_254 : memref<1x8x1x8x128xf32, #tpu.memory_space<hbm>> -> memref<8x1x8x128xf32, #tpu.memory_space<hbm>>
        tpu.enqueue_dma source(%arg22 : memref<8x1x8x128xf32, #tpu.memory_space<vmem>>) target(%dma_start3A_255 : memref<8x1x8x128xf32, #tpu.memory_space<hbm>>) target_semaphore(%arg42 : memref<!tpu.dma_semaphore, #tpu.memory_space<semaphore_mem>>)
        %add3A_256 = arith.constant 1 : i32
        %add3A_257 = arith.addi %add3A_167, %add3A_256 : i32
        %lt3A_258 = arith.constant 50 : i32
        %lt3A_259 = arith.cmpi slt, %add3A_257, %lt3A_258 : i32
        %convert_element_type3A_260 = arith.extui %lt3A_259 : i1 to i32
        %cond3A_261 = arith.constant 0 : i32
        %cond3A_262 = arith.cmpi ne, %convert_element_type3A_260, %cond3A_261 : i32
        scf.if %cond3A_262 {
          %add3A_337 = arith.constant 1 : i32
          %add3A_338 = arith.addi %add3A_167, %add3A_337 : i32
          %add3A_339 = arith.constant 128 : i32
          %add3A_340 = arith.addi %mul3A_2, %add3A_339 : i32
          %dma_start3A_341 = tpu.memref_slice %arg2[%add3A_338, %add3A_340] : memref<50x16384xi32, #tpu.memory_space<hbm>> -> memref<1x128xi32, #tpu.memory_space<hbm>>
          %dma_start3A_342 = tpu.memref_squeeze %dma_start3A_341 : memref<1x128xi32, #tpu.memory_space<hbm>> -> memref<128xi32, #tpu.memory_space<hbm>>
          %dma_start3A_343 = tpu.memref_slice %arg2[%add3A_338, %add3A_340] : memref<50x16384xi32, #tpu.memory_space<hbm>> -> memref<1x128xi32, #tpu.memory_space<hbm>>
          %dma_start3A_344 = tpu.memref_squeeze %dma_start3A_343 : memref<1x128xi32, #tpu.memory_space<hbm>> -> memref<128xi32, #tpu.memory_space<hbm>>
          tpu.enqueue_dma source(%dma_start3A_344 : memref<128xi32, #tpu.memory_space<hbm>>) target(%arg10 : memref<128xi32, #tpu.memory_space<vmem>>) target_semaphore(%arg30 : memref<!tpu.dma_semaphore, #tpu.memory_space<semaphore_mem>>)
        } else {
        }
        %dma_wait3A_263 = arith.constant 0 : i32
        %dma_wait3A_264 = arith.constant 0 : i32
        %dma_wait3A_265 = tpu.memref_slice %arg19[%dma_wait3A_263, %dma_wait3A_264] : memref<128x64xf32, #tpu.memory_space<vmem>> -> memref<128x64xf32, #tpu.memory_space<vmem>>
        %dma_wait3A_266 = arith.constant 0 : i32
        %dma_wait3A_267 = tpu.memref_slice %arg11[%dma_wait3A_266] : memref<128xi32, #tpu.memory_space<vmem>> -> memref<128xi32, #tpu.memory_space<vmem>>
        %dma_wait3A_268 = arith.constant 0 : i32
        %dma_wait3A_269 = arith.constant 0 : i32
        %dma_wait3A_270 = tpu.memref_slice %arg3[%dma_wait3A_268, %dma_wait3A_269] : memref<1000000x64xf32, #tpu.memory_space<hbm>> -> memref<1000000x64xf32, #tpu.memory_space<hbm>>
        tpu.wait_indirect_dma semaphore(%arg39 : memref<!tpu.dma_semaphore, #tpu.memory_space<semaphore_mem>>) src(%dma_wait3A_270 : memref<1000000x64xf32, #tpu.memory_space<hbm>>) dst(%dma_wait3A_265 : memref<128x64xf32, #tpu.memory_space<vmem>>)
        %ge3A_271 = arith.constant 2 : i32
        %ge3A_272 = arith.cmpi sge, %add3A_167, %ge3A_271 : i32
        %convert_element_type3A_273 = arith.extui %ge3A_272 : i1 to i32
        %cond3A_274 = arith.constant 0 : i32
        %cond3A_275 = arith.cmpi ne, %convert_element_type3A_273, %cond3A_274 : i32
        scf.if %cond3A_275 {
          %sub3A_337 = arith.constant 2 : i32
          %sub3A_338 = arith.subi %add3A_167, %sub3A_337 : i32
          %add3A_339 = arith.constant 2 : i32
          %add3A_340 = arith.addi %mul3A_4, %add3A_339 : i32
          %dma_wait3A_341 = arith.constant 0 : i32
          %dma_wait3A_342 = arith.constant 0 : i32
          %dma_wait3A_343 = arith.constant 0 : i32
          %dma_wait3A_344 = tpu.memref_slice %arg4[%sub3A_338, %dma_wait3A_341, %add3A_340, %dma_wait3A_342, %dma_wait3A_343] : memref<50x8x128x8x128xf32, #tpu.memory_space<hbm>> -> memref<1x8x1x8x128xf32, #tpu.memory_space<hbm>>
          %dma_wait3A_345 = tpu.memref_squeeze %dma_wait3A_344 : memref<1x8x1x8x128xf32, #tpu.memory_space<hbm>> -> memref<8x1x8x128xf32, #tpu.memory_space<hbm>>
          %dma_wait3A_346 = arith.constant 0 : i32
          %dma_wait3A_347 = arith.constant 0 : i32
          %dma_wait3A_348 = arith.constant 0 : i32
          %dma_wait3A_349 = tpu.memref_slice %arg4[%sub3A_338, %dma_wait3A_346, %add3A_340, %dma_wait3A_347, %dma_wait3A_348] : memref<50x8x128x8x128xf32, #tpu.memory_space<hbm>> -> memref<1x8x1x8x128xf32, #tpu.memory_space<hbm>>
          %dma_wait3A_350 = tpu.memref_squeeze %dma_wait3A_349 : memref<1x8x1x8x128xf32, #tpu.memory_space<hbm>> -> memref<8x1x8x128xf32, #tpu.memory_space<hbm>>
          tpu.wait_dma2 semaphore(%arg43 : memref<!tpu.dma_semaphore, #tpu.memory_space<semaphore_mem>>) src(%arg23 : memref<8x1x8x128xf32, #tpu.memory_space<vmem>>) dst(%dma_wait3A_350 : memref<8x1x8x128xf32, #tpu.memory_space<hbm>>)
        } else {
        }
        %parallel_loop3A_276 = arith.constant 0 : i32
        %parallel_loop3A_277 = arith.constant 128 : i32
        %parallel_loop3A_278 = arith.constant 1 : i32
        scf.for %parallel_loop3A_337 = %parallel_loop3A_276 to %parallel_loop3A_277 step %parallel_loop3A_278  : i32 {
          %parallel_loop3A_338 = arith.constant 7 : i32
          %parallel_loop3A_339 = arith.shrsi %parallel_loop3A_337, %parallel_loop3A_338 : i32
          %parallel_loop3A_340 = vector.broadcast %parallel_loop3A_339 : i32 to vector<16xi32>
          %parallel_loop3A_341 = arith.constant 127 : i32
          %parallel_loop3A_342 = arith.andi %parallel_loop3A_337, %parallel_loop3A_341 : i32
          %parallel_loop3A_343 = vector.broadcast %parallel_loop3A_342 : i32 to vector<16xi32>
          %parallel_loop3A_344 = arith.index_cast %parallel_loop3A_337 : i32 to index
          %parallel_loop3A_345 = arith.constant 0 : index
          %parallel_loop3A_346 = tpu.vector_load %arg19[%parallel_loop3A_344, %parallel_loop3A_345] {strides = array<i32>} : memref<128x64xf32, #tpu.memory_space<vmem>>, vector<16xf32>,
          tpu.vector_store_idx %arg23[%shift_right_arithmetic3A_9, %parallel_loop3A_340, %and3A_32, %parallel_loop3A_343], %parallel_loop3A_346 : memref<8x1x8x128xf32, #tpu.memory_space<vmem>>[vector<16xi32>, vector<16xi32>, vector<16xi32>, vector<16xi32>], vector<16xf32>,
          %parallel_loop3A_347 = arith.index_cast %parallel_loop3A_337 : i32 to index
          %parallel_loop3A_348 = arith.constant 16 : index
          %parallel_loop3A_349 = tpu.vector_load %arg19[%parallel_loop3A_347, %parallel_loop3A_348] {strides = array<i32>} : memref<128x64xf32, #tpu.memory_space<vmem>>, vector<16xf32>,
          tpu.vector_store_idx %arg23[%shift_right_arithmetic3A_15, %parallel_loop3A_340, %and3A_38, %parallel_loop3A_343], %parallel_loop3A_349 : memref<8x1x8x128xf32, #tpu.memory_space<vmem>>[vector<16xi32>, vector<16xi32>, vector<16xi32>, vector<16xi32>], vector<16xf32>,
          %parallel_loop3A_350 = arith.index_cast %parallel_loop3A_337 : i32 to index
          %parallel_loop3A_351 = arith.constant 32 : index
          %parallel_loop3A_352 = tpu.vector_load %arg19[%parallel_loop3A_350, %parallel_loop3A_351] {strides = array<i32>} : memref<128x64xf32, #tpu.memory_space<vmem>>, vector<16xf32>,
          tpu.vector_store_idx %arg23[%shift_right_arithmetic3A_21, %parallel_loop3A_340, %and3A_44, %parallel_loop3A_343], %parallel_loop3A_352 : memref<8x1x8x128xf32, #tpu.memory_space<vmem>>[vector<16xi32>, vector<16xi32>, vector<16xi32>, vector<16xi32>], vector<16xf32>,
          %parallel_loop3A_353 = arith.index_cast %parallel_loop3A_337 : i32 to index
          %parallel_loop3A_354 = arith.constant 48 : index
          %parallel_loop3A_355 = tpu.vector_load %arg19[%parallel_loop3A_353, %parallel_loop3A_354] {strides = array<i32>} : memref<128x64xf32, #tpu.memory_space<vmem>>, vector<16xf32>,
          tpu.vector_store_idx %arg23[%shift_right_arithmetic3A_27, %parallel_loop3A_340, %and3A_50, %parallel_loop3A_343], %parallel_loop3A_355 : memref<8x1x8x128xf32, #tpu.memory_space<vmem>>[vector<16xi32>, vector<16xi32>, vector<16xi32>, vector<16xi32>], vector<16xf32>,
        } {sc.loop_unroll_factor = 8 : i64, sc.parallel_access}
        %sub3A_279 = arith.constant 1 : i32
        %sub3A_280 = arith.subi %add3A_167, %sub3A_279 : i32
        %add3A_281 = arith.constant 2 : i32
        %add3A_282 = arith.addi %mul3A_4, %add3A_281 : i32
        %dma_start3A_283 = arith.constant 0 : i32
        %dma_start3A_284 = arith.constant 0 : i32
        %dma_start3A_285 = arith.constant 0 : i32
        %dma_start3A_286 = tpu.memref_slice %arg4[%sub3A_280, %dma_start3A_283, %add3A_282, %dma_start3A_284, %dma_start3A_285] : memref<50x8x128x8x128xf32, #tpu.memory_space<hbm>> -> memref<1x8x1x8x128xf32, #tpu.memory_space<hbm>>
        %dma_start3A_287 = tpu.memref_squeeze %dma_start3A_286 : memref<1x8x1x8x128xf32, #tpu.memory_space<hbm>> -> memref<8x1x8x128xf32, #tpu.memory_space<hbm>>
        %dma_start3A_288 = arith.constant 0 : i32
        %dma_start3A_289 = arith.constant 0 : i32
        %dma_start3A_290 = arith.constant 0 : i32
        %dma_start3A_291 = tpu.memref_slice %arg4[%sub3A_280, %dma_start3A_288, %add3A_282, %dma_start3A_289, %dma_start3A_290] : memref<50x8x128x8x128xf32, #tpu.memory_space<hbm>> -> memref<1x8x1x8x128xf32, #tpu.memory_space<hbm>>
        %dma_start3A_292 = tpu.memref_squeeze %dma_start3A_291 : memref<1x8x1x8x128xf32, #tpu.memory_space<hbm>> -> memref<8x1x8x128xf32, #tpu.memory_space<hbm>>
        tpu.enqueue_dma source(%arg23 : memref<8x1x8x128xf32, #tpu.memory_space<vmem>>) target(%dma_start3A_292 : memref<8x1x8x128xf32, #tpu.memory_space<hbm>>) target_semaphore(%arg43 : memref<!tpu.dma_semaphore, #tpu.memory_space<semaphore_mem>>)
        %add3A_293 = arith.constant 1 : i32
        %add3A_294 = arith.addi %add3A_167, %add3A_293 : i32
        %lt3A_295 = arith.constant 50 : i32
        %lt3A_296 = arith.cmpi slt, %add3A_294, %lt3A_295 : i32
        %convert_element_type3A_297 = arith.extui %lt3A_296 : i1 to i32
        %cond3A_298 = arith.constant 0 : i32
        %cond3A_299 = arith.cmpi ne, %convert_element_type3A_297, %cond3A_298 : i32
        scf.if %cond3A_299 {
          %add3A_337 = arith.constant 1 : i32
          %add3A_338 = arith.addi %add3A_167, %add3A_337 : i32
          %add3A_339 = arith.constant 256 : i32
          %add3A_340 = arith.addi %mul3A_2, %add3A_339 : i32
          %dma_start3A_341 = tpu.memref_slice %arg2[%add3A_338, %add3A_340] : memref<50x16384xi32, #tpu.memory_space<hbm>> -> memref<1x128xi32, #tpu.memory_space<hbm>>
          %dma_start3A_342 = tpu.memref_squeeze %dma_start3A_341 : memref<1x128xi32, #tpu.memory_space<hbm>> -> memref<128xi32, #tpu.memory_space<hbm>>
          %dma_start3A_343 = tpu.memref_slice %arg2[%add3A_338, %add3A_340] : memref<50x16384xi32, #tpu.memory_space<hbm>> -> memref<1x128xi32, #tpu.memory_space<hbm>>
          %dma_start3A_344 = tpu.memref_squeeze %dma_start3A_343 : memref<1x128xi32, #tpu.memory_space<hbm>> -> memref<128xi32, #tpu.memory_space<hbm>>
          tpu.enqueue_dma source(%dma_start3A_344 : memref<128xi32, #tpu.memory_space<hbm>>) target(%arg11 : memref<128xi32, #tpu.memory_space<vmem>>) target_semaphore(%arg31 : memref<!tpu.dma_semaphore, #tpu.memory_space<semaphore_mem>>)
        } else {
        }
        %dma_wait3A_300 = arith.constant 0 : i32
        %dma_wait3A_301 = arith.constant 0 : i32
        %dma_wait3A_302 = tpu.memref_slice %arg20[%dma_wait3A_300, %dma_wait3A_301] : memref<128x64xf32, #tpu.memory_space<vmem>> -> memref<128x64xf32, #tpu.memory_space<vmem>>
        %dma_wait3A_303 = arith.constant 0 : i32
        %dma_wait3A_304 = tpu.memref_slice %arg12[%dma_wait3A_303] : memref<128xi32, #tpu.memory_space<vmem>> -> memref<128xi32, #tpu.memory_space<vmem>>
        %dma_wait3A_305 = arith.constant 0 : i32
        %dma_wait3A_306 = arith.constant 0 : i32
        %dma_wait3A_307 = tpu.memref_slice %arg3[%dma_wait3A_305, %dma_wait3A_306] : memref<1000000x64xf32, #tpu.memory_space<hbm>> -> memref<1000000x64xf32, #tpu.memory_space<hbm>>
        tpu.wait_indirect_dma semaphore(%arg40 : memref<!tpu.dma_semaphore, #tpu.memory_space<semaphore_mem>>) src(%dma_wait3A_307 : memref<1000000x64xf32, #tpu.memory_space<hbm>>) dst(%dma_wait3A_302 : memref<128x64xf32, #tpu.memory_space<vmem>>)
        %ge3A_308 = arith.constant 2 : i32
        %ge3A_309 = arith.cmpi sge, %add3A_167, %ge3A_308 : i32
        %convert_element_type3A_310 = arith.extui %ge3A_309 : i1 to i32
        %cond3A_311 = arith.constant 0 : i32
        %cond3A_312 = arith.cmpi ne, %convert_element_type3A_310, %cond3A_311 : i32
        scf.if %cond3A_312 {
          %sub3A_337 = arith.constant 2 : i32
          %sub3A_338 = arith.subi %add3A_167, %sub3A_337 : i32
          %add3A_339 = arith.constant 3 : i32
          %add3A_340 = arith.addi %mul3A_4, %add3A_339 : i32
          %dma_wait3A_341 = arith.constant 0 : i32
          %dma_wait3A_342 = arith.constant 0 : i32
          %dma_wait3A_343 = arith.constant 0 : i32
          %dma_wait3A_344 = tpu.memref_slice %arg4[%sub3A_338, %dma_wait3A_341, %add3A_340, %dma_wait3A_342, %dma_wait3A_343] : memref<50x8x128x8x128xf32, #tpu.memory_space<hbm>> -> memref<1x8x1x8x128xf32, #tpu.memory_space<hbm>>
          %dma_wait3A_345 = tpu.memref_squeeze %dma_wait3A_344 : memref<1x8x1x8x128xf32, #tpu.memory_space<hbm>> -> memref<8x1x8x128xf32, #tpu.memory_space<hbm>>
          %dma_wait3A_346 = arith.constant 0 : i32
          %dma_wait3A_347 = arith.constant 0 : i32
          %dma_wait3A_348 = arith.constant 0 : i32
          %dma_wait3A_349 = tpu.memref_slice %arg4[%sub3A_338, %dma_wait3A_346, %add3A_340, %dma_wait3A_347, %dma_wait3A_348] : memref<50x8x128x8x128xf32, #tpu.memory_space<hbm>> -> memref<1x8x1x8x128xf32, #tpu.memory_space<hbm>>
          %dma_wait3A_350 = tpu.memref_squeeze %dma_wait3A_349 : memref<1x8x1x8x128xf32, #tpu.memory_space<hbm>> -> memref<8x1x8x128xf32, #tpu.memory_space<hbm>>
          tpu.wait_dma2 semaphore(%arg44 : memref<!tpu.dma_semaphore, #tpu.memory_space<semaphore_mem>>) src(%arg24 : memref<8x1x8x128xf32, #tpu.memory_space<vmem>>) dst(%dma_wait3A_350 : memref<8x1x8x128xf32, #tpu.memory_space<hbm>>)
        } else {
        }
        %parallel_loop3A_313 = arith.constant 0 : i32
        %parallel_loop3A_314 = arith.constant 128 : i32
        %parallel_loop3A_315 = arith.constant 1 : i32
        scf.for %parallel_loop3A_337 = %parallel_loop3A_313 to %parallel_loop3A_314 step %parallel_loop3A_315  : i32 {
          %parallel_loop3A_338 = arith.constant 7 : i32
          %parallel_loop3A_339 = arith.shrsi %parallel_loop3A_337, %parallel_loop3A_338 : i32
          %parallel_loop3A_340 = vector.broadcast %parallel_loop3A_339 : i32 to vector<16xi32>
          %parallel_loop3A_341 = arith.constant 127 : i32
          %parallel_loop3A_342 = arith.andi %parallel_loop3A_337, %parallel_loop3A_341 : i32
          %parallel_loop3A_343 = vector.broadcast %parallel_loop3A_342 : i32 to vector<16xi32>
          %parallel_loop3A_344 = arith.index_cast %parallel_loop3A_337 : i32 to index
          %parallel_loop3A_345 = arith.constant 0 : index
          %parallel_loop3A_346 = tpu.vector_load %arg20[%parallel_loop3A_344, %parallel_loop3A_345] {strides = array<i32>} : memref<128x64xf32, #tpu.memory_space<vmem>>, vector<16xf32>,
          tpu.vector_store_idx %arg24[%shift_right_arithmetic3A_9, %parallel_loop3A_340, %and3A_32, %parallel_loop3A_343], %parallel_loop3A_346 : memref<8x1x8x128xf32, #tpu.memory_space<vmem>>[vector<16xi32>, vector<16xi32>, vector<16xi32>, vector<16xi32>], vector<16xf32>,
          %parallel_loop3A_347 = arith.index_cast %parallel_loop3A_337 : i32 to index
          %parallel_loop3A_348 = arith.constant 16 : index
          %parallel_loop3A_349 = tpu.vector_load %arg20[%parallel_loop3A_347, %parallel_loop3A_348] {strides = array<i32>} : memref<128x64xf32, #tpu.memory_space<vmem>>, vector<16xf32>,
          tpu.vector_store_idx %arg24[%shift_right_arithmetic3A_15, %parallel_loop3A_340, %and3A_38, %parallel_loop3A_343], %parallel_loop3A_349 : memref<8x1x8x128xf32, #tpu.memory_space<vmem>>[vector<16xi32>, vector<16xi32>, vector<16xi32>, vector<16xi32>], vector<16xf32>,
          %parallel_loop3A_350 = arith.index_cast %parallel_loop3A_337 : i32 to index
          %parallel_loop3A_351 = arith.constant 32 : index
          %parallel_loop3A_352 = tpu.vector_load %arg20[%parallel_loop3A_350, %parallel_loop3A_351] {strides = array<i32>} : memref<128x64xf32, #tpu.memory_space<vmem>>, vector<16xf32>,
          tpu.vector_store_idx %arg24[%shift_right_arithmetic3A_21, %parallel_loop3A_340, %and3A_44, %parallel_loop3A_343], %parallel_loop3A_352 : memref<8x1x8x128xf32, #tpu.memory_space<vmem>>[vector<16xi32>, vector<16xi32>, vector<16xi32>, vector<16xi32>], vector<16xf32>,
          %parallel_loop3A_353 = arith.index_cast %parallel_loop3A_337 : i32 to index
          %parallel_loop3A_354 = arith.constant 48 : index
          %parallel_loop3A_355 = tpu.vector_load %arg20[%parallel_loop3A_353, %parallel_loop3A_354] {strides = array<i32>} : memref<128x64xf32, #tpu.memory_space<vmem>>, vector<16xf32>,
          tpu.vector_store_idx %arg24[%shift_right_arithmetic3A_27, %parallel_loop3A_340, %and3A_50, %parallel_loop3A_343], %parallel_loop3A_355 : memref<8x1x8x128xf32, #tpu.memory_space<vmem>>[vector<16xi32>, vector<16xi32>, vector<16xi32>, vector<16xi32>], vector<16xf32>,
        } {sc.loop_unroll_factor = 8 : i64, sc.parallel_access}
        %sub3A_316 = arith.constant 1 : i32
        %sub3A_317 = arith.subi %add3A_167, %sub3A_316 : i32
        %add3A_318 = arith.constant 3 : i32
        %add3A_319 = arith.addi %mul3A_4, %add3A_318 : i32
        %dma_start3A_320 = arith.constant 0 : i32
        %dma_start3A_321 = arith.constant 0 : i32
        %dma_start3A_322 = arith.constant 0 : i32
        %dma_start3A_323 = tpu.memref_slice %arg4[%sub3A_317, %dma_start3A_320, %add3A_319, %dma_start3A_321, %dma_start3A_322] : memref<50x8x128x8x128xf32, #tpu.memory_space<hbm>> -> memref<1x8x1x8x128xf32, #tpu.memory_space<hbm>>
        %dma_start3A_324 = tpu.memref_squeeze %dma_start3A_323 : memref<1x8x1x8x128xf32, #tpu.memory_space<hbm>> -> memref<8x1x8x128xf32, #tpu.memory_space<hbm>>
        %dma_start3A_325 = arith.constant 0 : i32
        %dma_start3A_326 = arith.constant 0 : i32
        %dma_start3A_327 = arith.constant 0 : i32
        %dma_start3A_328 = tpu.memref_slice %arg4[%sub3A_317, %dma_start3A_325, %add3A_319, %dma_start3A_326, %dma_start3A_327] : memref<50x8x128x8x128xf32, #tpu.memory_space<hbm>> -> memref<1x8x1x8x128xf32, #tpu.memory_space<hbm>>
        %dma_start3A_329 = tpu.memref_squeeze %dma_start3A_328 : memref<1x8x1x8x128xf32, #tpu.memory_space<hbm>> -> memref<8x1x8x128xf32, #tpu.memory_space<hbm>>
        tpu.enqueue_dma source(%arg24 : memref<8x1x8x128xf32, #tpu.memory_space<vmem>>) target(%dma_start3A_329 : memref<8x1x8x128xf32, #tpu.memory_space<hbm>>) target_semaphore(%arg44 : memref<!tpu.dma_semaphore, #tpu.memory_space<semaphore_mem>>)
        %add3A_330 = arith.constant 1 : i32
        %add3A_331 = arith.addi %add3A_167, %add3A_330 : i32
        %lt3A_332 = arith.constant 50 : i32
        %lt3A_333 = arith.cmpi slt, %add3A_331, %lt3A_332 : i32
        %convert_element_type3A_334 = arith.extui %lt3A_333 : i1 to i32
        %cond3A_335 = arith.constant 0 : i32
        %cond3A_336 = arith.cmpi ne, %convert_element_type3A_334, %cond3A_335 : i32
        scf.if %cond3A_336 {
          %add3A_337 = arith.constant 1 : i32
          %add3A_338 = arith.addi %add3A_167, %add3A_337 : i32
          %add3A_339 = arith.constant 384 : i32
          %add3A_340 = arith.addi %mul3A_2, %add3A_339 : i32
          %dma_start3A_341 = tpu.memref_slice %arg2[%add3A_338, %add3A_340] : memref<50x16384xi32, #tpu.memory_space<hbm>> -> memref<1x128xi32, #tpu.memory_space<hbm>>
          %dma_start3A_342 = tpu.memref_squeeze %dma_start3A_341 : memref<1x128xi32, #tpu.memory_space<hbm>> -> memref<128xi32, #tpu.memory_space<hbm>>
          %dma_start3A_343 = tpu.memref_slice %arg2[%add3A_338, %add3A_340] : memref<50x16384xi32, #tpu.memory_space<hbm>> -> memref<1x128xi32, #tpu.memory_space<hbm>>
          %dma_start3A_344 = tpu.memref_squeeze %dma_start3A_343 : memref<1x128xi32, #tpu.memory_space<hbm>> -> memref<128xi32, #tpu.memory_space<hbm>>
          tpu.enqueue_dma source(%dma_start3A_344 : memref<128xi32, #tpu.memory_space<hbm>>) target(%arg12 : memref<128xi32, #tpu.memory_space<vmem>>) target_semaphore(%arg32 : memref<!tpu.dma_semaphore, #tpu.memory_space<semaphore_mem>>)
        } else {
        }
      } else {
      }
      %add3A_176 = arith.constant 1 : i32
      %add3A_177 = arith.addi %add3A_165, %add3A_176 : i32
      %lt3A_178 = arith.constant 50 : i32
      %lt3A_179 = arith.cmpi slt, %add3A_177, %lt3A_178 : i32
      %convert_element_type3A_180 = arith.extui %lt3A_179 : i1 to i32
      %cond3A_181 = arith.constant 0 : i32
      %cond3A_182 = arith.cmpi ne, %convert_element_type3A_180, %cond3A_181 : i32
      scf.if %cond3A_182 {
        %add3A_191 = arith.constant 0 : i32
        %add3A_192 = arith.addi %mul3A_2, %add3A_191 : i32
        %dma_wait3A_193 = tpu.memref_slice %arg2[%add3A_177, %add3A_192] : memref<50x16384xi32, #tpu.memory_space<hbm>> -> memref<1x128xi32, #tpu.memory_space<hbm>>
        %dma_wait3A_194 = tpu.memref_squeeze %dma_wait3A_193 : memref<1x128xi32, #tpu.memory_space<hbm>> -> memref<128xi32, #tpu.memory_space<hbm>>
        %dma_wait3A_195 = tpu.memref_slice %arg2[%add3A_177, %add3A_192] : memref<50x16384xi32, #tpu.memory_space<hbm>> -> memref<1x128xi32, #tpu.memory_space<hbm>>
        %dma_wait3A_196 = tpu.memref_squeeze %dma_wait3A_195 : memref<1x128xi32, #tpu.memory_space<hbm>> -> memref<128xi32, #tpu.memory_space<hbm>>
        tpu.wait_dma2 semaphore(%arg29 : memref<!tpu.dma_semaphore, #tpu.memory_space<semaphore_mem>>) src(%dma_wait3A_196 : memref<128xi32, #tpu.memory_space<hbm>>) dst(%arg9 : memref<128xi32, #tpu.memory_space<vmem>>)
        %dma_start3A_197 = arith.constant 0 : i32
        %dma_start3A_198 = arith.constant 0 : i32
        %dma_start3A_199 = tpu.memref_slice %arg17[%dma_start3A_197, %dma_start3A_198] : memref<128x64xf32, #tpu.memory_space<vmem>> -> memref<128x64xf32, #tpu.memory_space<vmem>>
        %dma_start3A_200 = arith.constant 0 : i32
        %dma_start3A_201 = tpu.memref_slice %arg9[%dma_start3A_200] : memref<128xi32, #tpu.memory_space<vmem>> -> memref<128xi32, #tpu.memory_space<vmem>>
        %dma_start3A_202 = arith.constant 0 : i32
        %dma_start3A_203 = arith.constant 0 : i32
        %dma_start3A_204 = tpu.memref_slice %arg3[%dma_start3A_202, %dma_start3A_203] : memref<1000000x64xf32, #tpu.memory_space<hbm>> -> memref<1000000x64xf32, #tpu.memory_space<hbm>>
        tpu.enqueue_indirect_dma source(%dma_start3A_204 : memref<1000000x64xf32, #tpu.memory_space<hbm>>) target(%dma_start3A_199 : memref<128x64xf32, #tpu.memory_space<vmem>>) offsets(%dma_start3A_201 : memref<128xi32, #tpu.memory_space<vmem>>) semaphore(%arg37 : memref<!tpu.dma_semaphore, #tpu.memory_space<semaphore_mem>>)
        %add3A_205 = arith.constant 128 : i32
        %add3A_206 = arith.addi %mul3A_2, %add3A_205 : i32
        %dma_wait3A_207 = tpu.memref_slice %arg2[%add3A_177, %add3A_206] : memref<50x16384xi32, #tpu.memory_space<hbm>> -> memref<1x128xi32, #tpu.memory_space<hbm>>
        %dma_wait3A_208 = tpu.memref_squeeze %dma_wait3A_207 : memref<1x128xi32, #tpu.memory_space<hbm>> -> memref<128xi32, #tpu.memory_space<hbm>>
        %dma_wait3A_209 = tpu.memref_slice %arg2[%add3A_177, %add3A_206] : memref<50x16384xi32, #tpu.memory_space<hbm>> -> memref<1x128xi32, #tpu.memory_space<hbm>>
        %dma_wait3A_210 = tpu.memref_squeeze %dma_wait3A_209 : memref<1x128xi32, #tpu.memory_space<hbm>> -> memref<128xi32, #tpu.memory_space<hbm>>
        tpu.wait_dma2 semaphore(%arg30 : memref<!tpu.dma_semaphore, #tpu.memory_space<semaphore_mem>>) src(%dma_wait3A_210 : memref<128xi32, #tpu.memory_space<hbm>>) dst(%arg10 : memref<128xi32, #tpu.memory_space<vmem>>)
        %dma_start3A_211 = arith.constant 0 : i32
        %dma_start3A_212 = arith.constant 0 : i32
        %dma_start3A_213 = tpu.memref_slice %arg18[%dma_start3A_211, %dma_start3A_212] : memref<128x64xf32, #tpu.memory_space<vmem>> -> memref<128x64xf32, #tpu.memory_space<vmem>>
        %dma_start3A_214 = arith.constant 0 : i32
        %dma_start3A_215 = tpu.memref_slice %arg10[%dma_start3A_214] : memref<128xi32, #tpu.memory_space<vmem>> -> memref<128xi32, #tpu.memory_space<vmem>>
        %dma_start3A_216 = arith.constant 0 : i32
        %dma_start3A_217 = arith.constant 0 : i32
        %dma_start3A_218 = tpu.memref_slice %arg3[%dma_start3A_216, %dma_start3A_217] : memref<1000000x64xf32, #tpu.memory_space<hbm>> -> memref<1000000x64xf32, #tpu.memory_space<hbm>>
        tpu.enqueue_indirect_dma source(%dma_start3A_218 : memref<1000000x64xf32, #tpu.memory_space<hbm>>) target(%dma_start3A_213 : memref<128x64xf32, #tpu.memory_space<vmem>>) offsets(%dma_start3A_215 : memref<128xi32, #tpu.memory_space<vmem>>) semaphore(%arg38 : memref<!tpu.dma_semaphore, #tpu.memory_space<semaphore_mem>>)
        %add3A_219 = arith.constant 256 : i32
        %add3A_220 = arith.addi %mul3A_2, %add3A_219 : i32
        %dma_wait3A_221 = tpu.memref_slice %arg2[%add3A_177, %add3A_220] : memref<50x16384xi32, #tpu.memory_space<hbm>> -> memref<1x128xi32, #tpu.memory_space<hbm>>
        %dma_wait3A_222 = tpu.memref_squeeze %dma_wait3A_221 : memref<1x128xi32, #tpu.memory_space<hbm>> -> memref<128xi32, #tpu.memory_space<hbm>>
        %dma_wait3A_223 = tpu.memref_slice %arg2[%add3A_177, %add3A_220] : memref<50x16384xi32, #tpu.memory_space<hbm>> -> memref<1x128xi32, #tpu.memory_space<hbm>>
        %dma_wait3A_224 = tpu.memref_squeeze %dma_wait3A_223 : memref<1x128xi32, #tpu.memory_space<hbm>> -> memref<128xi32, #tpu.memory_space<hbm>>
        tpu.wait_dma2 semaphore(%arg31 : memref<!tpu.dma_semaphore, #tpu.memory_space<semaphore_mem>>) src(%dma_wait3A_224 : memref<128xi32, #tpu.memory_space<hbm>>) dst(%arg11 : memref<128xi32, #tpu.memory_space<vmem>>)
        %dma_start3A_225 = arith.constant 0 : i32
        %dma_start3A_226 = arith.constant 0 : i32
        %dma_start3A_227 = tpu.memref_slice %arg19[%dma_start3A_225, %dma_start3A_226] : memref<128x64xf32, #tpu.memory_space<vmem>> -> memref<128x64xf32, #tpu.memory_space<vmem>>
        %dma_start3A_228 = arith.constant 0 : i32
        %dma_start3A_229 = tpu.memref_slice %arg11[%dma_start3A_228] : memref<128xi32, #tpu.memory_space<vmem>> -> memref<128xi32, #tpu.memory_space<vmem>>
        %dma_start3A_230 = arith.constant 0 : i32
        %dma_start3A_231 = arith.constant 0 : i32
        %dma_start3A_232 = tpu.memref_slice %arg3[%dma_start3A_230, %dma_start3A_231] : memref<1000000x64xf32, #tpu.memory_space<hbm>> -> memref<1000000x64xf32, #tpu.memory_space<hbm>>
        tpu.enqueue_indirect_dma source(%dma_start3A_232 : memref<1000000x64xf32, #tpu.memory_space<hbm>>) target(%dma_start3A_227 : memref<128x64xf32, #tpu.memory_space<vmem>>) offsets(%dma_start3A_229 : memref<128xi32, #tpu.memory_space<vmem>>) semaphore(%arg39 : memref<!tpu.dma_semaphore, #tpu.memory_space<semaphore_mem>>)
        %add3A_233 = arith.constant 384 : i32
        %add3A_234 = arith.addi %mul3A_2, %add3A_233 : i32
        %dma_wait3A_235 = tpu.memref_slice %arg2[%add3A_177, %add3A_234] : memref<50x16384xi32, #tpu.memory_space<hbm>> -> memref<1x128xi32, #tpu.memory_space<hbm>>
        %dma_wait3A_236 = tpu.memref_squeeze %dma_wait3A_235 : memref<1x128xi32, #tpu.memory_space<hbm>> -> memref<128xi32, #tpu.memory_space<hbm>>
        %dma_wait3A_237 = tpu.memref_slice %arg2[%add3A_177, %add3A_234] : memref<50x16384xi32, #tpu.memory_space<hbm>> -> memref<1x128xi32, #tpu.memory_space<hbm>>
        %dma_wait3A_238 = tpu.memref_squeeze %dma_wait3A_237 : memref<1x128xi32, #tpu.memory_space<hbm>> -> memref<128xi32, #tpu.memory_space<hbm>>
        tpu.wait_dma2 semaphore(%arg32 : memref<!tpu.dma_semaphore, #tpu.memory_space<semaphore_mem>>) src(%dma_wait3A_238 : memref<128xi32, #tpu.memory_space<hbm>>) dst(%arg12 : memref<128xi32, #tpu.memory_space<vmem>>)
        %dma_start3A_239 = arith.constant 0 : i32
        %dma_start3A_240 = arith.constant 0 : i32
        %dma_start3A_241 = tpu.memref_slice %arg20[%dma_start3A_239, %dma_start3A_240] : memref<128x64xf32, #tpu.memory_space<vmem>> -> memref<128x64xf32, #tpu.memory_space<vmem>>
        %dma_start3A_242 = arith.constant 0 : i32
        %dma_start3A_243 = tpu.memref_slice %arg12[%dma_start3A_242] : memref<128xi32, #tpu.memory_space<vmem>> -> memref<128xi32, #tpu.memory_space<vmem>>
        %dma_start3A_244 = arith.constant 0 : i32
        %dma_start3A_245 = arith.constant 0 : i32
        %dma_start3A_246 = tpu.memref_slice %arg3[%dma_start3A_244, %dma_start3A_245] : memref<1000000x64xf32, #tpu.memory_space<hbm>> -> memref<1000000x64xf32, #tpu.memory_space<hbm>>
        tpu.enqueue_indirect_dma source(%dma_start3A_246 : memref<1000000x64xf32, #tpu.memory_space<hbm>>) target(%dma_start3A_241 : memref<128x64xf32, #tpu.memory_space<vmem>>) offsets(%dma_start3A_243 : memref<128xi32, #tpu.memory_space<vmem>>) semaphore(%arg40 : memref<!tpu.dma_semaphore, #tpu.memory_space<semaphore_mem>>)
      } else {
      }
      %ge3A_183 = arith.constant 1 : i32
      %ge3A_184 = arith.cmpi sge, %add3A_177, %ge3A_183 : i32
      %le3A_185 = arith.constant 50 : i32
      %le3A_186 = arith.cmpi sle, %add3A_177, %le3A_185 : i32
      %and3A_187 = arith.andi %ge3A_184, %le3A_186 : i1
      %convert_element_type3A_188 = arith.extui %and3A_187 : i1 to i32
      %cond3A_189 = arith.constant 0 : i32
      %cond3A_190 = arith.cmpi ne, %convert_element_type3A_188, %cond3A_189 : i32
      scf.if %cond3A_190 {
        %dma_wait3A_191 = arith.constant 0 : i32
        %dma_wait3A_192 = arith.constant 0 : i32
        %dma_wait3A_193 = tpu.memref_slice %arg13[%dma_wait3A_191, %dma_wait3A_192] : memref<128x64xf32, #tpu.memory_space<vmem>> -> memref<128x64xf32, #tpu.memory_space<vmem>>
        %dma_wait3A_194 = arith.constant 0 : i32
        %dma_wait3A_195 = tpu.memref_slice %arg5[%dma_wait3A_194] : memref<128xi32, #tpu.memory_space<vmem>> -> memref<128xi32, #tpu.memory_space<vmem>>
        %dma_wait3A_196 = arith.constant 0 : i32
        %dma_wait3A_197 = arith.constant 0 : i32
        %dma_wait3A_198 = tpu.memref_slice %arg3[%dma_wait3A_196, %dma_wait3A_197] : memref<1000000x64xf32, #tpu.memory_space<hbm>> -> memref<1000000x64xf32, #tpu.memory_space<hbm>>
        tpu.wait_indirect_dma semaphore(%arg33 : memref<!tpu.dma_semaphore, #tpu.memory_space<semaphore_mem>>) src(%dma_wait3A_198 : memref<1000000x64xf32, #tpu.memory_space<hbm>>) dst(%dma_wait3A_193 : memref<128x64xf32, #tpu.memory_space<vmem>>)
        %ge3A_199 = arith.constant 2 : i32
        %ge3A_200 = arith.cmpi sge, %add3A_177, %ge3A_199 : i32
        %convert_element_type3A_201 = arith.extui %ge3A_200 : i1 to i32
        %cond3A_202 = arith.constant 0 : i32
        %cond3A_203 = arith.cmpi ne, %convert_element_type3A_201, %cond3A_202 : i32
        scf.if %cond3A_203 {
          %sub3A_337 = arith.constant 2 : i32
          %sub3A_338 = arith.subi %add3A_177, %sub3A_337 : i32
          %add3A_339 = arith.constant 0 : i32
          %add3A_340 = arith.addi %mul3A_4, %add3A_339 : i32
          %dma_wait3A_341 = arith.constant 0 : i32
          %dma_wait3A_342 = arith.constant 0 : i32
          %dma_wait3A_343 = arith.constant 0 : i32
          %dma_wait3A_344 = tpu.memref_slice %arg4[%sub3A_338, %dma_wait3A_341, %add3A_340, %dma_wait3A_342, %dma_wait3A_343] : memref<50x8x128x8x128xf32, #tpu.memory_space<hbm>> -> memref<1x8x1x8x128xf32, #tpu.memory_space<hbm>>
          %dma_wait3A_345 = tpu.memref_squeeze %dma_wait3A_344 : memref<1x8x1x8x128xf32, #tpu.memory_space<hbm>> -> memref<8x1x8x128xf32, #tpu.memory_space<hbm>>
          %dma_wait3A_346 = arith.constant 0 : i32
          %dma_wait3A_347 = arith.constant 0 : i32
          %dma_wait3A_348 = arith.constant 0 : i32
          %dma_wait3A_349 = tpu.memref_slice %arg4[%sub3A_338, %dma_wait3A_346, %add3A_340, %dma_wait3A_347, %dma_wait3A_348] : memref<50x8x128x8x128xf32, #tpu.memory_space<hbm>> -> memref<1x8x1x8x128xf32, #tpu.memory_space<hbm>>
          %dma_wait3A_350 = tpu.memref_squeeze %dma_wait3A_349 : memref<1x8x1x8x128xf32, #tpu.memory_space<hbm>> -> memref<8x1x8x128xf32, #tpu.memory_space<hbm>>
          tpu.wait_dma2 semaphore(%arg41 : memref<!tpu.dma_semaphore, #tpu.memory_space<semaphore_mem>>) src(%arg21 : memref<8x1x8x128xf32, #tpu.memory_space<vmem>>) dst(%dma_wait3A_350 : memref<8x1x8x128xf32, #tpu.memory_space<hbm>>)
        } else {
        }
        %parallel_loop3A = arith.constant 0 : i32
        %parallel_loop3A_204 = arith.constant 128 : i32
        %parallel_loop3A_205 = arith.constant 1 : i32
        scf.for %parallel_loop3A_337 = %parallel_loop3A to %parallel_loop3A_204 step %parallel_loop3A_205  : i32 {
          %parallel_loop3A_338 = arith.constant 7 : i32
          %parallel_loop3A_339 = arith.shrsi %parallel_loop3A_337, %parallel_loop3A_338 : i32
          %parallel_loop3A_340 = vector.broadcast %parallel_loop3A_339 : i32 to vector<16xi32>
          %parallel_loop3A_341 = arith.constant 127 : i32
          %parallel_loop3A_342 = arith.andi %parallel_loop3A_337, %parallel_loop3A_341 : i32
          %parallel_loop3A_343 = vector.broadcast %parallel_loop3A_342 : i32 to vector<16xi32>
          %parallel_loop3A_344 = arith.index_cast %parallel_loop3A_337 : i32 to index
          %parallel_loop3A_345 = arith.constant 0 : index
          %parallel_loop3A_346 = tpu.vector_load %arg13[%parallel_loop3A_344, %parallel_loop3A_345] {strides = array<i32>} : memref<128x64xf32, #tpu.memory_space<vmem>>, vector<16xf32>,
          tpu.vector_store_idx %arg21[%shift_right_arithmetic3A_9, %parallel_loop3A_340, %and3A_32, %parallel_loop3A_343], %parallel_loop3A_346 : memref<8x1x8x128xf32, #tpu.memory_space<vmem>>[vector<16xi32>, vector<16xi32>, vector<16xi32>, vector<16xi32>], vector<16xf32>,
          %parallel_loop3A_347 = arith.index_cast %parallel_loop3A_337 : i32 to index
          %parallel_loop3A_348 = arith.constant 16 : index
          %parallel_loop3A_349 = tpu.vector_load %arg13[%parallel_loop3A_347, %parallel_loop3A_348] {strides = array<i32>} : memref<128x64xf32, #tpu.memory_space<vmem>>, vector<16xf32>,
          tpu.vector_store_idx %arg21[%shift_right_arithmetic3A_15, %parallel_loop3A_340, %and3A_38, %parallel_loop3A_343], %parallel_loop3A_349 : memref<8x1x8x128xf32, #tpu.memory_space<vmem>>[vector<16xi32>, vector<16xi32>, vector<16xi32>, vector<16xi32>], vector<16xf32>,
          %parallel_loop3A_350 = arith.index_cast %parallel_loop3A_337 : i32 to index
          %parallel_loop3A_351 = arith.constant 32 : index
          %parallel_loop3A_352 = tpu.vector_load %arg13[%parallel_loop3A_350, %parallel_loop3A_351] {strides = array<i32>} : memref<128x64xf32, #tpu.memory_space<vmem>>, vector<16xf32>,
          tpu.vector_store_idx %arg21[%shift_right_arithmetic3A_21, %parallel_loop3A_340, %and3A_44, %parallel_loop3A_343], %parallel_loop3A_352 : memref<8x1x8x128xf32, #tpu.memory_space<vmem>>[vector<16xi32>, vector<16xi32>, vector<16xi32>, vector<16xi32>], vector<16xf32>,
          %parallel_loop3A_353 = arith.index_cast %parallel_loop3A_337 : i32 to index
          %parallel_loop3A_354 = arith.constant 48 : index
          %parallel_loop3A_355 = tpu.vector_load %arg13[%parallel_loop3A_353, %parallel_loop3A_354] {strides = array<i32>} : memref<128x64xf32, #tpu.memory_space<vmem>>, vector<16xf32>,
          tpu.vector_store_idx %arg21[%shift_right_arithmetic3A_27, %parallel_loop3A_340, %and3A_50, %parallel_loop3A_343], %parallel_loop3A_355 : memref<8x1x8x128xf32, #tpu.memory_space<vmem>>[vector<16xi32>, vector<16xi32>, vector<16xi32>, vector<16xi32>], vector<16xf32>,
        } {sc.loop_unroll_factor = 8 : i64, sc.parallel_access}
        %sub3A = arith.constant 1 : i32
        %sub3A_206 = arith.subi %add3A_177, %sub3A : i32
        %add3A_207 = arith.constant 0 : i32
        %add3A_208 = arith.addi %mul3A_4, %add3A_207 : i32
        %dma_start3A_209 = arith.constant 0 : i32
        %dma_start3A_210 = arith.constant 0 : i32
        %dma_start3A_211 = arith.constant 0 : i32
        %dma_start3A_212 = tpu.memref_slice %arg4[%sub3A_206, %dma_start3A_209, %add3A_208, %dma_start3A_210, %dma_start3A_211] : memref<50x8x128x8x128xf32, #tpu.memory_space<hbm>> -> memref<1x8x1x8x128xf32, #tpu.memory_space<hbm>>
        %dma_start3A_213 = tpu.memref_squeeze %dma_start3A_212 : memref<1x8x1x8x128xf32, #tpu.memory_space<hbm>> -> memref<8x1x8x128xf32, #tpu.memory_space<hbm>>
        %dma_start3A_214 = arith.constant 0 : i32
        %dma_start3A_215 = arith.constant 0 : i32
        %dma_start3A_216 = arith.constant 0 : i32
        %dma_start3A_217 = tpu.memref_slice %arg4[%sub3A_206, %dma_start3A_214, %add3A_208, %dma_start3A_215, %dma_start3A_216] : memref<50x8x128x8x128xf32, #tpu.memory_space<hbm>> -> memref<1x8x1x8x128xf32, #tpu.memory_space<hbm>>
        %dma_start3A_218 = tpu.memref_squeeze %dma_start3A_217 : memref<1x8x1x8x128xf32, #tpu.memory_space<hbm>> -> memref<8x1x8x128xf32, #tpu.memory_space<hbm>>
        tpu.enqueue_dma source(%arg21 : memref<8x1x8x128xf32, #tpu.memory_space<vmem>>) target(%dma_start3A_218 : memref<8x1x8x128xf32, #tpu.memory_space<hbm>>) target_semaphore(%arg41 : memref<!tpu.dma_semaphore, #tpu.memory_space<semaphore_mem>>)
        %add3A_219 = arith.constant 1 : i32
        %add3A_220 = arith.addi %add3A_177, %add3A_219 : i32
        %lt3A_221 = arith.constant 50 : i32
        %lt3A_222 = arith.cmpi slt, %add3A_220, %lt3A_221 : i32
        %convert_element_type3A_223 = arith.extui %lt3A_222 : i1 to i32
        %cond3A_224 = arith.constant 0 : i32
        %cond3A_225 = arith.cmpi ne, %convert_element_type3A_223, %cond3A_224 : i32
        scf.if %cond3A_225 {
          %add3A_337 = arith.constant 1 : i32
          %add3A_338 = arith.addi %add3A_177, %add3A_337 : i32
          %add3A_339 = arith.constant 0 : i32
          %add3A_340 = arith.addi %mul3A_2, %add3A_339 : i32
          %dma_start3A_341 = tpu.memref_slice %arg2[%add3A_338, %add3A_340] : memref<50x16384xi32, #tpu.memory_space<hbm>> -> memref<1x128xi32, #tpu.memory_space<hbm>>
          %dma_start3A_342 = tpu.memref_squeeze %dma_start3A_341 : memref<1x128xi32, #tpu.memory_space<hbm>> -> memref<128xi32, #tpu.memory_space<hbm>>
          %dma_start3A_343 = tpu.memref_slice %arg2[%add3A_338, %add3A_340] : memref<50x16384xi32, #tpu.memory_space<hbm>> -> memref<1x128xi32, #tpu.memory_space<hbm>>
          %dma_start3A_344 = tpu.memref_squeeze %dma_start3A_343 : memref<1x128xi32, #tpu.memory_space<hbm>> -> memref<128xi32, #tpu.memory_space<hbm>>
          tpu.enqueue_dma source(%dma_start3A_344 : memref<128xi32, #tpu.memory_space<hbm>>) target(%arg5 : memref<128xi32, #tpu.memory_space<vmem>>) target_semaphore(%arg25 : memref<!tpu.dma_semaphore, #tpu.memory_space<semaphore_mem>>)
        } else {
        }
        %dma_wait3A_226 = arith.constant 0 : i32
        %dma_wait3A_227 = arith.constant 0 : i32
        %dma_wait3A_228 = tpu.memref_slice %arg14[%dma_wait3A_226, %dma_wait3A_227] : memref<128x64xf32, #tpu.memory_space<vmem>> -> memref<128x64xf32, #tpu.memory_space<vmem>>
        %dma_wait3A_229 = arith.constant 0 : i32
        %dma_wait3A_230 = tpu.memref_slice %arg6[%dma_wait3A_229] : memref<128xi32, #tpu.memory_space<vmem>> -> memref<128xi32, #tpu.memory_space<vmem>>
        %dma_wait3A_231 = arith.constant 0 : i32
        %dma_wait3A_232 = arith.constant 0 : i32
        %dma_wait3A_233 = tpu.memref_slice %arg3[%dma_wait3A_231, %dma_wait3A_232] : memref<1000000x64xf32, #tpu.memory_space<hbm>> -> memref<1000000x64xf32, #tpu.memory_space<hbm>>
        tpu.wait_indirect_dma semaphore(%arg34 : memref<!tpu.dma_semaphore, #tpu.memory_space<semaphore_mem>>) src(%dma_wait3A_233 : memref<1000000x64xf32, #tpu.memory_space<hbm>>) dst(%dma_wait3A_228 : memref<128x64xf32, #tpu.memory_space<vmem>>)
        %ge3A_234 = arith.constant 2 : i32
        %ge3A_235 = arith.cmpi sge, %add3A_177, %ge3A_234 : i32
        %convert_element_type3A_236 = arith.extui %ge3A_235 : i1 to i32
        %cond3A_237 = arith.constant 0 : i32
        %cond3A_238 = arith.cmpi ne, %convert_element_type3A_236, %cond3A_237 : i32
        scf.if %cond3A_238 {
          %sub3A_337 = arith.constant 2 : i32
          %sub3A_338 = arith.subi %add3A_177, %sub3A_337 : i32
          %add3A_339 = arith.constant 1 : i32
          %add3A_340 = arith.addi %mul3A_4, %add3A_339 : i32
          %dma_wait3A_341 = arith.constant 0 : i32
          %dma_wait3A_342 = arith.constant 0 : i32
          %dma_wait3A_343 = arith.constant 0 : i32
          %dma_wait3A_344 = tpu.memref_slice %arg4[%sub3A_338, %dma_wait3A_341, %add3A_340, %dma_wait3A_342, %dma_wait3A_343] : memref<50x8x128x8x128xf32, #tpu.memory_space<hbm>> -> memref<1x8x1x8x128xf32, #tpu.memory_space<hbm>>
          %dma_wait3A_345 = tpu.memref_squeeze %dma_wait3A_344 : memref<1x8x1x8x128xf32, #tpu.memory_space<hbm>> -> memref<8x1x8x128xf32, #tpu.memory_space<hbm>>
          %dma_wait3A_346 = arith.constant 0 : i32
          %dma_wait3A_347 = arith.constant 0 : i32
          %dma_wait3A_348 = arith.constant 0 : i32
          %dma_wait3A_349 = tpu.memref_slice %arg4[%sub3A_338, %dma_wait3A_346, %add3A_340, %dma_wait3A_347, %dma_wait3A_348] : memref<50x8x128x8x128xf32, #tpu.memory_space<hbm>> -> memref<1x8x1x8x128xf32, #tpu.memory_space<hbm>>
          %dma_wait3A_350 = tpu.memref_squeeze %dma_wait3A_349 : memref<1x8x1x8x128xf32, #tpu.memory_space<hbm>> -> memref<8x1x8x128xf32, #tpu.memory_space<hbm>>
          tpu.wait_dma2 semaphore(%arg42 : memref<!tpu.dma_semaphore, #tpu.memory_space<semaphore_mem>>) src(%arg22 : memref<8x1x8x128xf32, #tpu.memory_space<vmem>>) dst(%dma_wait3A_350 : memref<8x1x8x128xf32, #tpu.memory_space<hbm>>)
        } else {
        }
        %parallel_loop3A_239 = arith.constant 0 : i32
        %parallel_loop3A_240 = arith.constant 128 : i32
        %parallel_loop3A_241 = arith.constant 1 : i32
        scf.for %parallel_loop3A_337 = %parallel_loop3A_239 to %parallel_loop3A_240 step %parallel_loop3A_241  : i32 {
          %parallel_loop3A_338 = arith.constant 7 : i32
          %parallel_loop3A_339 = arith.shrsi %parallel_loop3A_337, %parallel_loop3A_338 : i32
          %parallel_loop3A_340 = vector.broadcast %parallel_loop3A_339 : i32 to vector<16xi32>
          %parallel_loop3A_341 = arith.constant 127 : i32
          %parallel_loop3A_342 = arith.andi %parallel_loop3A_337, %parallel_loop3A_341 : i32
          %parallel_loop3A_343 = vector.broadcast %parallel_loop3A_342 : i32 to vector<16xi32>
          %parallel_loop3A_344 = arith.index_cast %parallel_loop3A_337 : i32 to index
          %parallel_loop3A_345 = arith.constant 0 : index
          %parallel_loop3A_346 = tpu.vector_load %arg14[%parallel_loop3A_344, %parallel_loop3A_345] {strides = array<i32>} : memref<128x64xf32, #tpu.memory_space<vmem>>, vector<16xf32>,
          tpu.vector_store_idx %arg22[%shift_right_arithmetic3A_9, %parallel_loop3A_340, %and3A_32, %parallel_loop3A_343], %parallel_loop3A_346 : memref<8x1x8x128xf32, #tpu.memory_space<vmem>>[vector<16xi32>, vector<16xi32>, vector<16xi32>, vector<16xi32>], vector<16xf32>,
          %parallel_loop3A_347 = arith.index_cast %parallel_loop3A_337 : i32 to index
          %parallel_loop3A_348 = arith.constant 16 : index
          %parallel_loop3A_349 = tpu.vector_load %arg14[%parallel_loop3A_347, %parallel_loop3A_348] {strides = array<i32>} : memref<128x64xf32, #tpu.memory_space<vmem>>, vector<16xf32>,
          tpu.vector_store_idx %arg22[%shift_right_arithmetic3A_15, %parallel_loop3A_340, %and3A_38, %parallel_loop3A_343], %parallel_loop3A_349 : memref<8x1x8x128xf32, #tpu.memory_space<vmem>>[vector<16xi32>, vector<16xi32>, vector<16xi32>, vector<16xi32>], vector<16xf32>,
          %parallel_loop3A_350 = arith.index_cast %parallel_loop3A_337 : i32 to index
          %parallel_loop3A_351 = arith.constant 32 : index
          %parallel_loop3A_352 = tpu.vector_load %arg14[%parallel_loop3A_350, %parallel_loop3A_351] {strides = array<i32>} : memref<128x64xf32, #tpu.memory_space<vmem>>, vector<16xf32>,
          tpu.vector_store_idx %arg22[%shift_right_arithmetic3A_21, %parallel_loop3A_340, %and3A_44, %parallel_loop3A_343], %parallel_loop3A_352 : memref<8x1x8x128xf32, #tpu.memory_space<vmem>>[vector<16xi32>, vector<16xi32>, vector<16xi32>, vector<16xi32>], vector<16xf32>,
          %parallel_loop3A_353 = arith.index_cast %parallel_loop3A_337 : i32 to index
          %parallel_loop3A_354 = arith.constant 48 : index
          %parallel_loop3A_355 = tpu.vector_load %arg14[%parallel_loop3A_353, %parallel_loop3A_354] {strides = array<i32>} : memref<128x64xf32, #tpu.memory_space<vmem>>, vector<16xf32>,
          tpu.vector_store_idx %arg22[%shift_right_arithmetic3A_27, %parallel_loop3A_340, %and3A_50, %parallel_loop3A_343], %parallel_loop3A_355 : memref<8x1x8x128xf32, #tpu.memory_space<vmem>>[vector<16xi32>, vector<16xi32>, vector<16xi32>, vector<16xi32>], vector<16xf32>,
        } {sc.loop_unroll_factor = 8 : i64, sc.parallel_access}
        %sub3A_242 = arith.constant 1 : i32
        %sub3A_243 = arith.subi %add3A_177, %sub3A_242 : i32
        %add3A_244 = arith.constant 1 : i32
        %add3A_245 = arith.addi %mul3A_4, %add3A_244 : i32
        %dma_start3A_246 = arith.constant 0 : i32
        %dma_start3A_247 = arith.constant 0 : i32
        %dma_start3A_248 = arith.constant 0 : i32
        %dma_start3A_249 = tpu.memref_slice %arg4[%sub3A_243, %dma_start3A_246, %add3A_245, %dma_start3A_247, %dma_start3A_248] : memref<50x8x128x8x128xf32, #tpu.memory_space<hbm>> -> memref<1x8x1x8x128xf32, #tpu.memory_space<hbm>>
        %dma_start3A_250 = tpu.memref_squeeze %dma_start3A_249 : memref<1x8x1x8x128xf32, #tpu.memory_space<hbm>> -> memref<8x1x8x128xf32, #tpu.memory_space<hbm>>
        %dma_start3A_251 = arith.constant 0 : i32
        %dma_start3A_252 = arith.constant 0 : i32
        %dma_start3A_253 = arith.constant 0 : i32
        %dma_start3A_254 = tpu.memref_slice %arg4[%sub3A_243, %dma_start3A_251, %add3A_245, %dma_start3A_252, %dma_start3A_253] : memref<50x8x128x8x128xf32, #tpu.memory_space<hbm>> -> memref<1x8x1x8x128xf32, #tpu.memory_space<hbm>>
        %dma_start3A_255 = tpu.memref_squeeze %dma_start3A_254 : memref<1x8x1x8x128xf32, #tpu.memory_space<hbm>> -> memref<8x1x8x128xf32, #tpu.memory_space<hbm>>
        tpu.enqueue_dma source(%arg22 : memref<8x1x8x128xf32, #tpu.memory_space<vmem>>) target(%dma_start3A_255 : memref<8x1x8x128xf32, #tpu.memory_space<hbm>>) target_semaphore(%arg42 : memref<!tpu.dma_semaphore, #tpu.memory_space<semaphore_mem>>)
        %add3A_256 = arith.constant 1 : i32
        %add3A_257 = arith.addi %add3A_177, %add3A_256 : i32
        %lt3A_258 = arith.constant 50 : i32
        %lt3A_259 = arith.cmpi slt, %add3A_257, %lt3A_258 : i32
        %convert_element_type3A_260 = arith.extui %lt3A_259 : i1 to i32
        %cond3A_261 = arith.constant 0 : i32
        %cond3A_262 = arith.cmpi ne, %convert_element_type3A_260, %cond3A_261 : i32
        scf.if %cond3A_262 {
          %add3A_337 = arith.constant 1 : i32
          %add3A_338 = arith.addi %add3A_177, %add3A_337 : i32
          %add3A_339 = arith.constant 128 : i32
          %add3A_340 = arith.addi %mul3A_2, %add3A_339 : i32
          %dma_start3A_341 = tpu.memref_slice %arg2[%add3A_338, %add3A_340] : memref<50x16384xi32, #tpu.memory_space<hbm>> -> memref<1x128xi32, #tpu.memory_space<hbm>>
          %dma_start3A_342 = tpu.memref_squeeze %dma_start3A_341 : memref<1x128xi32, #tpu.memory_space<hbm>> -> memref<128xi32, #tpu.memory_space<hbm>>
          %dma_start3A_343 = tpu.memref_slice %arg2[%add3A_338, %add3A_340] : memref<50x16384xi32, #tpu.memory_space<hbm>> -> memref<1x128xi32, #tpu.memory_space<hbm>>
          %dma_start3A_344 = tpu.memref_squeeze %dma_start3A_343 : memref<1x128xi32, #tpu.memory_space<hbm>> -> memref<128xi32, #tpu.memory_space<hbm>>
          tpu.enqueue_dma source(%dma_start3A_344 : memref<128xi32, #tpu.memory_space<hbm>>) target(%arg6 : memref<128xi32, #tpu.memory_space<vmem>>) target_semaphore(%arg26 : memref<!tpu.dma_semaphore, #tpu.memory_space<semaphore_mem>>)
        } else {
        }
        %dma_wait3A_263 = arith.constant 0 : i32
        %dma_wait3A_264 = arith.constant 0 : i32
        %dma_wait3A_265 = tpu.memref_slice %arg15[%dma_wait3A_263, %dma_wait3A_264] : memref<128x64xf32, #tpu.memory_space<vmem>> -> memref<128x64xf32, #tpu.memory_space<vmem>>
        %dma_wait3A_266 = arith.constant 0 : i32
        %dma_wait3A_267 = tpu.memref_slice %arg7[%dma_wait3A_266] : memref<128xi32, #tpu.memory_space<vmem>> -> memref<128xi32, #tpu.memory_space<vmem>>
        %dma_wait3A_268 = arith.constant 0 : i32
        %dma_wait3A_269 = arith.constant 0 : i32
        %dma_wait3A_270 = tpu.memref_slice %arg3[%dma_wait3A_268, %dma_wait3A_269] : memref<1000000x64xf32, #tpu.memory_space<hbm>> -> memref<1000000x64xf32, #tpu.memory_space<hbm>>
        tpu.wait_indirect_dma semaphore(%arg35 : memref<!tpu.dma_semaphore, #tpu.memory_space<semaphore_mem>>) src(%dma_wait3A_270 : memref<1000000x64xf32, #tpu.memory_space<hbm>>) dst(%dma_wait3A_265 : memref<128x64xf32, #tpu.memory_space<vmem>>)
        %ge3A_271 = arith.constant 2 : i32
        %ge3A_272 = arith.cmpi sge, %add3A_177, %ge3A_271 : i32
        %convert_element_type3A_273 = arith.extui %ge3A_272 : i1 to i32
        %cond3A_274 = arith.constant 0 : i32
        %cond3A_275 = arith.cmpi ne, %convert_element_type3A_273, %cond3A_274 : i32
        scf.if %cond3A_275 {
          %sub3A_337 = arith.constant 2 : i32
          %sub3A_338 = arith.subi %add3A_177, %sub3A_337 : i32
          %add3A_339 = arith.constant 2 : i32
          %add3A_340 = arith.addi %mul3A_4, %add3A_339 : i32
          %dma_wait3A_341 = arith.constant 0 : i32
          %dma_wait3A_342 = arith.constant 0 : i32
          %dma_wait3A_343 = arith.constant 0 : i32
          %dma_wait3A_344 = tpu.memref_slice %arg4[%sub3A_338, %dma_wait3A_341, %add3A_340, %dma_wait3A_342, %dma_wait3A_343] : memref<50x8x128x8x128xf32, #tpu.memory_space<hbm>> -> memref<1x8x1x8x128xf32, #tpu.memory_space<hbm>>
          %dma_wait3A_345 = tpu.memref_squeeze %dma_wait3A_344 : memref<1x8x1x8x128xf32, #tpu.memory_space<hbm>> -> memref<8x1x8x128xf32, #tpu.memory_space<hbm>>
          %dma_wait3A_346 = arith.constant 0 : i32
          %dma_wait3A_347 = arith.constant 0 : i32
          %dma_wait3A_348 = arith.constant 0 : i32
          %dma_wait3A_349 = tpu.memref_slice %arg4[%sub3A_338, %dma_wait3A_346, %add3A_340, %dma_wait3A_347, %dma_wait3A_348] : memref<50x8x128x8x128xf32, #tpu.memory_space<hbm>> -> memref<1x8x1x8x128xf32, #tpu.memory_space<hbm>>
          %dma_wait3A_350 = tpu.memref_squeeze %dma_wait3A_349 : memref<1x8x1x8x128xf32, #tpu.memory_space<hbm>> -> memref<8x1x8x128xf32, #tpu.memory_space<hbm>>
          tpu.wait_dma2 semaphore(%arg43 : memref<!tpu.dma_semaphore, #tpu.memory_space<semaphore_mem>>) src(%arg23 : memref<8x1x8x128xf32, #tpu.memory_space<vmem>>) dst(%dma_wait3A_350 : memref<8x1x8x128xf32, #tpu.memory_space<hbm>>)
        } else {
        }
        %parallel_loop3A_276 = arith.constant 0 : i32
        %parallel_loop3A_277 = arith.constant 128 : i32
        %parallel_loop3A_278 = arith.constant 1 : i32
        scf.for %parallel_loop3A_337 = %parallel_loop3A_276 to %parallel_loop3A_277 step %parallel_loop3A_278  : i32 {
          %parallel_loop3A_338 = arith.constant 7 : i32
          %parallel_loop3A_339 = arith.shrsi %parallel_loop3A_337, %parallel_loop3A_338 : i32
          %parallel_loop3A_340 = vector.broadcast %parallel_loop3A_339 : i32 to vector<16xi32>
          %parallel_loop3A_341 = arith.constant 127 : i32
          %parallel_loop3A_342 = arith.andi %parallel_loop3A_337, %parallel_loop3A_341 : i32
          %parallel_loop3A_343 = vector.broadcast %parallel_loop3A_342 : i32 to vector<16xi32>
          %parallel_loop3A_344 = arith.index_cast %parallel_loop3A_337 : i32 to index
          %parallel_loop3A_345 = arith.constant 0 : index
          %parallel_loop3A_346 = tpu.vector_load %arg15[%parallel_loop3A_344, %parallel_loop3A_345] {strides = array<i32>} : memref<128x64xf32, #tpu.memory_space<vmem>>, vector<16xf32>,
          tpu.vector_store_idx %arg23[%shift_right_arithmetic3A_9, %parallel_loop3A_340, %and3A_32, %parallel_loop3A_343], %parallel_loop3A_346 : memref<8x1x8x128xf32, #tpu.memory_space<vmem>>[vector<16xi32>, vector<16xi32>, vector<16xi32>, vector<16xi32>], vector<16xf32>,
          %parallel_loop3A_347 = arith.index_cast %parallel_loop3A_337 : i32 to index
          %parallel_loop3A_348 = arith.constant 16 : index
          %parallel_loop3A_349 = tpu.vector_load %arg15[%parallel_loop3A_347, %parallel_loop3A_348] {strides = array<i32>} : memref<128x64xf32, #tpu.memory_space<vmem>>, vector<16xf32>,
          tpu.vector_store_idx %arg23[%shift_right_arithmetic3A_15, %parallel_loop3A_340, %and3A_38, %parallel_loop3A_343], %parallel_loop3A_349 : memref<8x1x8x128xf32, #tpu.memory_space<vmem>>[vector<16xi32>, vector<16xi32>, vector<16xi32>, vector<16xi32>], vector<16xf32>,
          %parallel_loop3A_350 = arith.index_cast %parallel_loop3A_337 : i32 to index
          %parallel_loop3A_351 = arith.constant 32 : index
          %parallel_loop3A_352 = tpu.vector_load %arg15[%parallel_loop3A_350, %parallel_loop3A_351] {strides = array<i32>} : memref<128x64xf32, #tpu.memory_space<vmem>>, vector<16xf32>,
          tpu.vector_store_idx %arg23[%shift_right_arithmetic3A_21, %parallel_loop3A_340, %and3A_44, %parallel_loop3A_343], %parallel_loop3A_352 : memref<8x1x8x128xf32, #tpu.memory_space<vmem>>[vector<16xi32>, vector<16xi32>, vector<16xi32>, vector<16xi32>], vector<16xf32>,
          %parallel_loop3A_353 = arith.index_cast %parallel_loop3A_337 : i32 to index
          %parallel_loop3A_354 = arith.constant 48 : index
          %parallel_loop3A_355 = tpu.vector_load %arg15[%parallel_loop3A_353, %parallel_loop3A_354] {strides = array<i32>} : memref<128x64xf32, #tpu.memory_space<vmem>>, vector<16xf32>,
          tpu.vector_store_idx %arg23[%shift_right_arithmetic3A_27, %parallel_loop3A_340, %and3A_50, %parallel_loop3A_343], %parallel_loop3A_355 : memref<8x1x8x128xf32, #tpu.memory_space<vmem>>[vector<16xi32>, vector<16xi32>, vector<16xi32>, vector<16xi32>], vector<16xf32>,
        } {sc.loop_unroll_factor = 8 : i64, sc.parallel_access}
        %sub3A_279 = arith.constant 1 : i32
        %sub3A_280 = arith.subi %add3A_177, %sub3A_279 : i32
        %add3A_281 = arith.constant 2 : i32
        %add3A_282 = arith.addi %mul3A_4, %add3A_281 : i32
        %dma_start3A_283 = arith.constant 0 : i32
        %dma_start3A_284 = arith.constant 0 : i32
        %dma_start3A_285 = arith.constant 0 : i32
        %dma_start3A_286 = tpu.memref_slice %arg4[%sub3A_280, %dma_start3A_283, %add3A_282, %dma_start3A_284, %dma_start3A_285] : memref<50x8x128x8x128xf32, #tpu.memory_space<hbm>> -> memref<1x8x1x8x128xf32, #tpu.memory_space<hbm>>
        %dma_start3A_287 = tpu.memref_squeeze %dma_start3A_286 : memref<1x8x1x8x128xf32, #tpu.memory_space<hbm>> -> memref<8x1x8x128xf32, #tpu.memory_space<hbm>>
        %dma_start3A_288 = arith.constant 0 : i32
        %dma_start3A_289 = arith.constant 0 : i32
        %dma_start3A_290 = arith.constant 0 : i32
        %dma_start3A_291 = tpu.memref_slice %arg4[%sub3A_280, %dma_start3A_288, %add3A_282, %dma_start3A_289, %dma_start3A_290] : memref<50x8x128x8x128xf32, #tpu.memory_space<hbm>> -> memref<1x8x1x8x128xf32, #tpu.memory_space<hbm>>
        %dma_start3A_292 = tpu.memref_squeeze %dma_start3A_291 : memref<1x8x1x8x128xf32, #tpu.memory_space<hbm>> -> memref<8x1x8x128xf32, #tpu.memory_space<hbm>>
        tpu.enqueue_dma source(%arg23 : memref<8x1x8x128xf32, #tpu.memory_space<vmem>>) target(%dma_start3A_292 : memref<8x1x8x128xf32, #tpu.memory_space<hbm>>) target_semaphore(%arg43 : memref<!tpu.dma_semaphore, #tpu.memory_space<semaphore_mem>>)
        %add3A_293 = arith.constant 1 : i32
        %add3A_294 = arith.addi %add3A_177, %add3A_293 : i32
        %lt3A_295 = arith.constant 50 : i32
        %lt3A_296 = arith.cmpi slt, %add3A_294, %lt3A_295 : i32
        %convert_element_type3A_297 = arith.extui %lt3A_296 : i1 to i32
        %cond3A_298 = arith.constant 0 : i32
        %cond3A_299 = arith.cmpi ne, %convert_element_type3A_297, %cond3A_298 : i32
        scf.if %cond3A_299 {
          %add3A_337 = arith.constant 1 : i32
          %add3A_338 = arith.addi %add3A_177, %add3A_337 : i32
          %add3A_339 = arith.constant 256 : i32
          %add3A_340 = arith.addi %mul3A_2, %add3A_339 : i32
          %dma_start3A_341 = tpu.memref_slice %arg2[%add3A_338, %add3A_340] : memref<50x16384xi32, #tpu.memory_space<hbm>> -> memref<1x128xi32, #tpu.memory_space<hbm>>
          %dma_start3A_342 = tpu.memref_squeeze %dma_start3A_341 : memref<1x128xi32, #tpu.memory_space<hbm>> -> memref<128xi32, #tpu.memory_space<hbm>>
          %dma_start3A_343 = tpu.memref_slice %arg2[%add3A_338, %add3A_340] : memref<50x16384xi32, #tpu.memory_space<hbm>> -> memref<1x128xi32, #tpu.memory_space<hbm>>
          %dma_start3A_344 = tpu.memref_squeeze %dma_start3A_343 : memref<1x128xi32, #tpu.memory_space<hbm>> -> memref<128xi32, #tpu.memory_space<hbm>>
          tpu.enqueue_dma source(%dma_start3A_344 : memref<128xi32, #tpu.memory_space<hbm>>) target(%arg7 : memref<128xi32, #tpu.memory_space<vmem>>) target_semaphore(%arg27 : memref<!tpu.dma_semaphore, #tpu.memory_space<semaphore_mem>>)
        } else {
        }
        %dma_wait3A_300 = arith.constant 0 : i32
        %dma_wait3A_301 = arith.constant 0 : i32
        %dma_wait3A_302 = tpu.memref_slice %arg16[%dma_wait3A_300, %dma_wait3A_301] : memref<128x64xf32, #tpu.memory_space<vmem>> -> memref<128x64xf32, #tpu.memory_space<vmem>>
        %dma_wait3A_303 = arith.constant 0 : i32
        %dma_wait3A_304 = tpu.memref_slice %arg8[%dma_wait3A_303] : memref<128xi32, #tpu.memory_space<vmem>> -> memref<128xi32, #tpu.memory_space<vmem>>
        %dma_wait3A_305 = arith.constant 0 : i32
        %dma_wait3A_306 = arith.constant 0 : i32
        %dma_wait3A_307 = tpu.memref_slice %arg3[%dma_wait3A_305, %dma_wait3A_306] : memref<1000000x64xf32, #tpu.memory_space<hbm>> -> memref<1000000x64xf32, #tpu.memory_space<hbm>>
        tpu.wait_indirect_dma semaphore(%arg36 : memref<!tpu.dma_semaphore, #tpu.memory_space<semaphore_mem>>) src(%dma_wait3A_307 : memref<1000000x64xf32, #tpu.memory_space<hbm>>) dst(%dma_wait3A_302 : memref<128x64xf32, #tpu.memory_space<vmem>>)
        %ge3A_308 = arith.constant 2 : i32
        %ge3A_309 = arith.cmpi sge, %add3A_177, %ge3A_308 : i32
        %convert_element_type3A_310 = arith.extui %ge3A_309 : i1 to i32
        %cond3A_311 = arith.constant 0 : i32
        %cond3A_312 = arith.cmpi ne, %convert_element_type3A_310, %cond3A_311 : i32
        scf.if %cond3A_312 {
          %sub3A_337 = arith.constant 2 : i32
          %sub3A_338 = arith.subi %add3A_177, %sub3A_337 : i32
          %add3A_339 = arith.constant 3 : i32
          %add3A_340 = arith.addi %mul3A_4, %add3A_339 : i32
          %dma_wait3A_341 = arith.constant 0 : i32
          %dma_wait3A_342 = arith.constant 0 : i32
          %dma_wait3A_343 = arith.constant 0 : i32
          %dma_wait3A_344 = tpu.memref_slice %arg4[%sub3A_338, %dma_wait3A_341, %add3A_340, %dma_wait3A_342, %dma_wait3A_343] : memref<50x8x128x8x128xf32, #tpu.memory_space<hbm>> -> memref<1x8x1x8x128xf32, #tpu.memory_space<hbm>>
          %dma_wait3A_345 = tpu.memref_squeeze %dma_wait3A_344 : memref<1x8x1x8x128xf32, #tpu.memory_space<hbm>> -> memref<8x1x8x128xf32, #tpu.memory_space<hbm>>
          %dma_wait3A_346 = arith.constant 0 : i32
          %dma_wait3A_347 = arith.constant 0 : i32
          %dma_wait3A_348 = arith.constant 0 : i32
          %dma_wait3A_349 = tpu.memref_slice %arg4[%sub3A_338, %dma_wait3A_346, %add3A_340, %dma_wait3A_347, %dma_wait3A_348] : memref<50x8x128x8x128xf32, #tpu.memory_space<hbm>> -> memref<1x8x1x8x128xf32, #tpu.memory_space<hbm>>
          %dma_wait3A_350 = tpu.memref_squeeze %dma_wait3A_349 : memref<1x8x1x8x128xf32, #tpu.memory_space<hbm>> -> memref<8x1x8x128xf32, #tpu.memory_space<hbm>>
          tpu.wait_dma2 semaphore(%arg44 : memref<!tpu.dma_semaphore, #tpu.memory_space<semaphore_mem>>) src(%arg24 : memref<8x1x8x128xf32, #tpu.memory_space<vmem>>) dst(%dma_wait3A_350 : memref<8x1x8x128xf32, #tpu.memory_space<hbm>>)
        } else {
        }
        %parallel_loop3A_313 = arith.constant 0 : i32
        %parallel_loop3A_314 = arith.constant 128 : i32
        %parallel_loop3A_315 = arith.constant 1 : i32
        scf.for %parallel_loop3A_337 = %parallel_loop3A_313 to %parallel_loop3A_314 step %parallel_loop3A_315  : i32 {
          %parallel_loop3A_338 = arith.constant 7 : i32
          %parallel_loop3A_339 = arith.shrsi %parallel_loop3A_337, %parallel_loop3A_338 : i32
          %parallel_loop3A_340 = vector.broadcast %parallel_loop3A_339 : i32 to vector<16xi32>
          %parallel_loop3A_341 = arith.constant 127 : i32
          %parallel_loop3A_342 = arith.andi %parallel_loop3A_337, %parallel_loop3A_341 : i32
          %parallel_loop3A_343 = vector.broadcast %parallel_loop3A_342 : i32 to vector<16xi32>
          %parallel_loop3A_344 = arith.index_cast %parallel_loop3A_337 : i32 to index
          %parallel_loop3A_345 = arith.constant 0 : index
          %parallel_loop3A_346 = tpu.vector_load %arg16[%parallel_loop3A_344, %parallel_loop3A_345] {strides = array<i32>} : memref<128x64xf32, #tpu.memory_space<vmem>>, vector<16xf32>,
          tpu.vector_store_idx %arg24[%shift_right_arithmetic3A_9, %parallel_loop3A_340, %and3A_32, %parallel_loop3A_343], %parallel_loop3A_346 : memref<8x1x8x128xf32, #tpu.memory_space<vmem>>[vector<16xi32>, vector<16xi32>, vector<16xi32>, vector<16xi32>], vector<16xf32>,
          %parallel_loop3A_347 = arith.index_cast %parallel_loop3A_337 : i32 to index
          %parallel_loop3A_348 = arith.constant 16 : index
          %parallel_loop3A_349 = tpu.vector_load %arg16[%parallel_loop3A_347, %parallel_loop3A_348] {strides = array<i32>} : memref<128x64xf32, #tpu.memory_space<vmem>>, vector<16xf32>,
          tpu.vector_store_idx %arg24[%shift_right_arithmetic3A_15, %parallel_loop3A_340, %and3A_38, %parallel_loop3A_343], %parallel_loop3A_349 : memref<8x1x8x128xf32, #tpu.memory_space<vmem>>[vector<16xi32>, vector<16xi32>, vector<16xi32>, vector<16xi32>], vector<16xf32>,
          %parallel_loop3A_350 = arith.index_cast %parallel_loop3A_337 : i32 to index
          %parallel_loop3A_351 = arith.constant 32 : index
          %parallel_loop3A_352 = tpu.vector_load %arg16[%parallel_loop3A_350, %parallel_loop3A_351] {strides = array<i32>} : memref<128x64xf32, #tpu.memory_space<vmem>>, vector<16xf32>,
          tpu.vector_store_idx %arg24[%shift_right_arithmetic3A_21, %parallel_loop3A_340, %and3A_44, %parallel_loop3A_343], %parallel_loop3A_352 : memref<8x1x8x128xf32, #tpu.memory_space<vmem>>[vector<16xi32>, vector<16xi32>, vector<16xi32>, vector<16xi32>], vector<16xf32>,
          %parallel_loop3A_353 = arith.index_cast %parallel_loop3A_337 : i32 to index
          %parallel_loop3A_354 = arith.constant 48 : index
          %parallel_loop3A_355 = tpu.vector_load %arg16[%parallel_loop3A_353, %parallel_loop3A_354] {strides = array<i32>} : memref<128x64xf32, #tpu.memory_space<vmem>>, vector<16xf32>,
          tpu.vector_store_idx %arg24[%shift_right_arithmetic3A_27, %parallel_loop3A_340, %and3A_50, %parallel_loop3A_343], %parallel_loop3A_355 : memref<8x1x8x128xf32, #tpu.memory_space<vmem>>[vector<16xi32>, vector<16xi32>, vector<16xi32>, vector<16xi32>], vector<16xf32>,
        } {sc.loop_unroll_factor = 8 : i64, sc.parallel_access}
        %sub3A_316 = arith.constant 1 : i32
        %sub3A_317 = arith.subi %add3A_177, %sub3A_316 : i32
        %add3A_318 = arith.constant 3 : i32
        %add3A_319 = arith.addi %mul3A_4, %add3A_318 : i32
        %dma_start3A_320 = arith.constant 0 : i32
        %dma_start3A_321 = arith.constant 0 : i32
        %dma_start3A_322 = arith.constant 0 : i32
        %dma_start3A_323 = tpu.memref_slice %arg4[%sub3A_317, %dma_start3A_320, %add3A_319, %dma_start3A_321, %dma_start3A_322] : memref<50x8x128x8x128xf32, #tpu.memory_space<hbm>> -> memref<1x8x1x8x128xf32, #tpu.memory_space<hbm>>
        %dma_start3A_324 = tpu.memref_squeeze %dma_start3A_323 : memref<1x8x1x8x128xf32, #tpu.memory_space<hbm>> -> memref<8x1x8x128xf32, #tpu.memory_space<hbm>>
        %dma_start3A_325 = arith.constant 0 : i32
        %dma_start3A_326 = arith.constant 0 : i32
        %dma_start3A_327 = arith.constant 0 : i32
        %dma_start3A_328 = tpu.memref_slice %arg4[%sub3A_317, %dma_start3A_325, %add3A_319, %dma_start3A_326, %dma_start3A_327] : memref<50x8x128x8x128xf32, #tpu.memory_space<hbm>> -> memref<1x8x1x8x128xf32, #tpu.memory_space<hbm>>
        %dma_start3A_329 = tpu.memref_squeeze %dma_start3A_328 : memref<1x8x1x8x128xf32, #tpu.memory_space<hbm>> -> memref<8x1x8x128xf32, #tpu.memory_space<hbm>>
        tpu.enqueue_dma source(%arg24 : memref<8x1x8x128xf32, #tpu.memory_space<vmem>>) target(%dma_start3A_329 : memref<8x1x8x128xf32, #tpu.memory_space<hbm>>) target_semaphore(%arg44 : memref<!tpu.dma_semaphore, #tpu.memory_space<semaphore_mem>>)
        %add3A_330 = arith.constant 1 : i32
        %add3A_331 = arith.addi %add3A_177, %add3A_330 : i32
        %lt3A_332 = arith.constant 50 : i32
        %lt3A_333 = arith.cmpi slt, %add3A_331, %lt3A_332 : i32
        %convert_element_type3A_334 = arith.extui %lt3A_333 : i1 to i32
        %cond3A_335 = arith.constant 0 : i32
        %cond3A_336 = arith.cmpi ne, %convert_element_type3A_334, %cond3A_335 : i32
        scf.if %cond3A_336 {
          %add3A_337 = arith.constant 1 : i32
          %add3A_338 = arith.addi %add3A_177, %add3A_337 : i32
          %add3A_339 = arith.constant 384 : i32
          %add3A_340 = arith.addi %mul3A_2, %add3A_339 : i32
          %dma_start3A_341 = tpu.memref_slice %arg2[%add3A_338, %add3A_340] : memref<50x16384xi32, #tpu.memory_space<hbm>> -> memref<1x128xi32, #tpu.memory_space<hbm>>
          %dma_start3A_342 = tpu.memref_squeeze %dma_start3A_341 : memref<1x128xi32, #tpu.memory_space<hbm>> -> memref<128xi32, #tpu.memory_space<hbm>>
          %dma_start3A_343 = tpu.memref_slice %arg2[%add3A_338, %add3A_340] : memref<50x16384xi32, #tpu.memory_space<hbm>> -> memref<1x128xi32, #tpu.memory_space<hbm>>
          %dma_start3A_344 = tpu.memref_squeeze %dma_start3A_343 : memref<1x128xi32, #tpu.memory_space<hbm>> -> memref<128xi32, #tpu.memory_space<hbm>>
          tpu.enqueue_dma source(%dma_start3A_344 : memref<128xi32, #tpu.memory_space<hbm>>) target(%arg8 : memref<128xi32, #tpu.memory_space<vmem>>) target_semaphore(%arg28 : memref<!tpu.dma_semaphore, #tpu.memory_space<semaphore_mem>>)
        } else {
        }
      } else {
      }
    }
    %scan3A_109 = arith.constant 26 : i32
    %add3A_110 = arith.constant 0 : i32
    %add3A_111 = arith.addi %mul3A_4, %add3A_110 : i32
    %dma_wait3A = arith.constant 49 : i32
    %dma_wait3A_112 = arith.constant 0 : i32
    %dma_wait3A_113 = arith.constant 0 : i32
    %dma_wait3A_114 = arith.constant 0 : i32
    %dma_wait3A_115 = tpu.memref_slice %arg4[%dma_wait3A, %dma_wait3A_112, %add3A_111, %dma_wait3A_113, %dma_wait3A_114] : memref<50x8x128x8x128xf32, #tpu.memory_space<hbm>> -> memref<1x8x1x8x128xf32, #tpu.memory_space<hbm>>
    %dma_wait3A_116 = tpu.memref_squeeze %dma_wait3A_115 : memref<1x8x1x8x128xf32, #tpu.memory_space<hbm>> -> memref<8x1x8x128xf32, #tpu.memory_space<hbm>>
    %dma_wait3A_117 = arith.constant 0 : i32
    %dma_wait3A_118 = arith.constant 0 : i32
    %dma_wait3A_119 = arith.constant 0 : i32
    %dma_wait3A_120 = tpu.memref_slice %arg4[%dma_wait3A, %dma_wait3A_117, %add3A_111, %dma_wait3A_118, %dma_wait3A_119] : memref<50x8x128x8x128xf32, #tpu.memory_space<hbm>> -> memref<1x8x1x8x128xf32, #tpu.memory_space<hbm>>
    %dma_wait3A_121 = tpu.memref_squeeze %dma_wait3A_120 : memref<1x8x1x8x128xf32, #tpu.memory_space<hbm>> -> memref<8x1x8x128xf32, #tpu.memory_space<hbm>>
    tpu.wait_dma2 semaphore(%arg41 : memref<!tpu.dma_semaphore, #tpu.memory_space<semaphore_mem>>) src(%arg21 : memref<8x1x8x128xf32, #tpu.memory_space<vmem>>) dst(%dma_wait3A_121 : memref<8x1x8x128xf32, #tpu.memory_space<hbm>>)
    %add3A_122 = arith.constant 1 : i32
    %add3A_123 = arith.addi %mul3A_4, %add3A_122 : i32
    %dma_wait3A_124 = arith.constant 49 : i32
    %dma_wait3A_125 = arith.constant 0 : i32
    %dma_wait3A_126 = arith.constant 0 : i32
    %dma_wait3A_127 = arith.constant 0 : i32
    %dma_wait3A_128 = tpu.memref_slice %arg4[%dma_wait3A_124, %dma_wait3A_125, %add3A_123, %dma_wait3A_126, %dma_wait3A_127] : memref<50x8x128x8x128xf32, #tpu.memory_space<hbm>> -> memref<1x8x1x8x128xf32, #tpu.memory_space<hbm>>
    %dma_wait3A_129 = tpu.memref_squeeze %dma_wait3A_128 : memref<1x8x1x8x128xf32, #tpu.memory_space<hbm>> -> memref<8x1x8x128xf32, #tpu.memory_space<hbm>>
    %dma_wait3A_130 = arith.constant 0 : i32
    %dma_wait3A_131 = arith.constant 0 : i32
    %dma_wait3A_132 = arith.constant 0 : i32
    %dma_wait3A_133 = tpu.memref_slice %arg4[%dma_wait3A_124, %dma_wait3A_130, %add3A_123, %dma_wait3A_131, %dma_wait3A_132] : memref<50x8x128x8x128xf32, #tpu.memory_space<hbm>> -> memref<1x8x1x8x128xf32, #tpu.memory_space<hbm>>
    %dma_wait3A_134 = tpu.memref_squeeze %dma_wait3A_133 : memref<1x8x1x8x128xf32, #tpu.memory_space<hbm>> -> memref<8x1x8x128xf32, #tpu.memory_space<hbm>>
    tpu.wait_dma2 semaphore(%arg42 : memref<!tpu.dma_semaphore, #tpu.memory_space<semaphore_mem>>) src(%arg22 : memref<8x1x8x128xf32, #tpu.memory_space<vmem>>) dst(%dma_wait3A_134 : memref<8x1x8x128xf32, #tpu.memory_space<hbm>>)
    %add3A_135 = arith.constant 2 : i32
    %add3A_136 = arith.addi %mul3A_4, %add3A_135 : i32
    %dma_wait3A_137 = arith.constant 49 : i32
    %dma_wait3A_138 = arith.constant 0 : i32
    %dma_wait3A_139 = arith.constant 0 : i32
    %dma_wait3A_140 = arith.constant 0 : i32
    %dma_wait3A_141 = tpu.memref_slice %arg4[%dma_wait3A_137, %dma_wait3A_138, %add3A_136, %dma_wait3A_139, %dma_wait3A_140] : memref<50x8x128x8x128xf32, #tpu.memory_space<hbm>> -> memref<1x8x1x8x128xf32, #tpu.memory_space<hbm>>
    %dma_wait3A_142 = tpu.memref_squeeze %dma_wait3A_141 : memref<1x8x1x8x128xf32, #tpu.memory_space<hbm>> -> memref<8x1x8x128xf32, #tpu.memory_space<hbm>>
    %dma_wait3A_143 = arith.constant 0 : i32
    %dma_wait3A_144 = arith.constant 0 : i32
    %dma_wait3A_145 = arith.constant 0 : i32
    %dma_wait3A_146 = tpu.memref_slice %arg4[%dma_wait3A_137, %dma_wait3A_143, %add3A_136, %dma_wait3A_144, %dma_wait3A_145] : memref<50x8x128x8x128xf32, #tpu.memory_space<hbm>> -> memref<1x8x1x8x128xf32, #tpu.memory_space<hbm>>
    %dma_wait3A_147 = tpu.memref_squeeze %dma_wait3A_146 : memref<1x8x1x8x128xf32, #tpu.memory_space<hbm>> -> memref<8x1x8x128xf32, #tpu.memory_space<hbm>>
    tpu.wait_dma2 semaphore(%arg43 : memref<!tpu.dma_semaphore, #tpu.memory_space<semaphore_mem>>) src(%arg23 : memref<8x1x8x128xf32, #tpu.memory_space<vmem>>) dst(%dma_wait3A_147 : memref<8x1x8x128xf32, #tpu.memory_space<hbm>>)
    %add3A_148 = arith.constant 3 : i32
    %add3A_149 = arith.addi %mul3A_4, %add3A_148 : i32
    %dma_wait3A_150 = arith.constant 49 : i32
    %dma_wait3A_151 = arith.constant 0 : i32
    %dma_wait3A_152 = arith.constant 0 : i32
    %dma_wait3A_153 = arith.constant 0 : i32
    %dma_wait3A_154 = tpu.memref_slice %arg4[%dma_wait3A_150, %dma_wait3A_151, %add3A_149, %dma_wait3A_152, %dma_wait3A_153] : memref<50x8x128x8x128xf32, #tpu.memory_space<hbm>> -> memref<1x8x1x8x128xf32, #tpu.memory_space<hbm>>
    %dma_wait3A_155 = tpu.memref_squeeze %dma_wait3A_154 : memref<1x8x1x8x128xf32, #tpu.memory_space<hbm>> -> memref<8x1x8x128xf32, #tpu.memory_space<hbm>>
    %dma_wait3A_156 = arith.constant 0 : i32
    %dma_wait3A_157 = arith.constant 0 : i32
    %dma_wait3A_158 = arith.constant 0 : i32
    %dma_wait3A_159 = tpu.memref_slice %arg4[%dma_wait3A_150, %dma_wait3A_156, %add3A_149, %dma_wait3A_157, %dma_wait3A_158] : memref<50x8x128x8x128xf32, #tpu.memory_space<hbm>> -> memref<1x8x1x8x128xf32, #tpu.memory_space<hbm>>
    %dma_wait3A_160 = tpu.memref_squeeze %dma_wait3A_159 : memref<1x8x1x8x128xf32, #tpu.memory_space<hbm>> -> memref<8x1x8x128xf32, #tpu.memory_space<hbm>>
    tpu.wait_dma2 semaphore(%arg44 : memref<!tpu.dma_semaphore, #tpu.memory_space<semaphore_mem>>) src(%arg24 : memref<8x1x8x128xf32, #tpu.memory_space<vmem>>) dst(%dma_wait3A_160 : memref<8x1x8x128xf32, #tpu.memory_space<hbm>>)
    return
  }
}

</mosaic_0001>

<sc_bundles>
// kernel: _emb5.3.cloned.1.call-start
scs
__scs_entry_jumppad:
0x0: {  	(pc) =	sbr.rel $0x88, $3  }
0x1: {  	(tag) =	ssettag $0x0;
	lr =	simm.s32 $0x1  }
0x2: {  	[smem:$0x3F9F] =	sst lr;
	_ =	strace $0xD0000000  }
0x3: {  	_ = 	snop  }
0x4: {  	_ = 	snop  }
0x5: {  	_ = 	snop  }
0x6: {  	_ = 	snop  }
0x7: {  	_ = 	snop  }
__scs_overlays_trampoline_lowered:
0x8: {  	[smem:$0x3FAE] =	sst s0  }
0x9: {  	[smem:$0x3FAF] =	sst s1  }
0xa: {  	[smem:$0x3FB0] =	sst s2  }
0xb: {  	[smem:$0x3FB1] =	sst s3  }
0xc: {  	[smem:$0x3FB2] =	sst s4  }
0xd: {  	[smem:$0x3FB3] =	sst s5  }
0xe: {  	[smem:$0x3FB4] =	sst s6  }
0xf: {  	[smem:$0x3FB5] =	sst s7  }
0x10: {  	[smem:$0x3FB6] =	sst s8  }
0x11: {  	[smem:$0x3FB7] =	sst s9;
	s0 =	simm.s32 @!p0 $0x0  }
0x12: {  	s1 =	sld [smem:$0x3F9D];
	s0 =	simm.s32 @p0 $0x1  }
0x13: {  	[smem:$0x3FB8] =	sst s0;
	s0 =	simm.s32 @!p1 $0x0  }
0x14: {  	s2 =	sld [smem:$0x3F9C];
	s0 =	simm.s32 @p1 $0x1  }
0x15: {  	[smem:$0x3FB9] =	sst s0;
	s0 =	simm.s32 @!p2 $0x0  }
0x16: {  	s3 =	sld [smem:$0x3FDB];
	s0 =	simm.s32 @p2 $0x1  }
0x17: {  	s4 =	simm.s32 $0x1BF5;
	[smem:$0x3FBB] =	sst s0  }
0x18: {  	s0 =	sld [smem:$0x3F9E];
	_ =	swait.ge [sflag:s4], $0x0  }
0x19: {  	s7 =	sld [smem:$0x3F9F]  }
0x1a: {  	s8 =	sadd.s32 $0xFFFFE003, lr  }
0x1b: {  	s9 =	sadd.s32 $0xFFFFFEF7, lr;
	s5 =	simm.s32 $0xFFFFFFFF;
	p2 =	slt.u32 s8, $0xFFFFF086  }
0x1c: {  	p1 =	slt.u32 s9, $0xF7A;
	s5 =	simm.s32 @!p2 $0x0  }
0x1d: {  	s5 =	simm.s32 @p1 $0x1;
	p0 =	seq.s32 s7, s2  }
0x1e: {  	s7 =	smul.u32 @!p0 $0xF7A, s2;
	p2 =	seq.s32 @!p0 s5, $0x0  }
0x1f: {  	s9 =	smul.u32 $0xF7A, s1;
	s8 =	simm.s32 @!p0 $0x1BF5;
	p2 =	por !p2, p0  }
0x20: {  	[sflag:s8] =	ssyncset.s32 @!p0 $0xFFFFF086;
	s6 =	sadd.s32 @!p0 s3, s7;
	s7 =	simm.s32 @!p0 $0x108  }
0x21: {  	s3 =	sadd.s32 s3, s9;
	s6 =	sadd.s32 @!p0 $0x88, s6;
	s7 =	simm.s32 @p2 $0x1082  }
0x22: {  	[simem:s7], [sflag:s8] =	dma.local @!p0 [hbm:s6], $0xF7A  }
0x23: {  	s9 =	sor.u32 $0xD0000000, s2;
	s6 =	simm.s32 $0x108;
	_ =	swait.ge @!p0 [sflag:s8], $0x0  }
0x24: {  	s3 =	sadd.s32 $0x88, s3;
	s6 =	simm.s32 @!p1 $0x1082;
	[sflag:s4] =	ssyncset.s32 $0xFFFFF086  }
0x25: {  	[simem:s6], [sflag:s4] =	dma.local [hbm:s3], $0xF7A  }
0x26: {  	[smem:$0x3F9F] =	sst s1;
	(tag) =	ssettag s2;
	_ =	strace s9  }
0x27: {  	s1 =	sld [smem:$0x3FAF]  }
0x28: {  	s2 =	sld [smem:$0x3FB0]  }
0x29: {  	s4 =	sld [smem:$0x3FB2]  }
0x2a: {  	p0 =	seq.s32 s5, $0x0;
	s5 =	sld [smem:$0x3FB3]  }
0x2b: {  	s6 =	sld [smem:$0x3FB4]  }
0x2c: {  	s7 =	sld [smem:$0x3FB5]  }
0x2d: {  	s3 =	simm.s32 $0x108;
	s8 =	sld [smem:$0x3FB6]  }
0x2e: {  	s3 =	simm.s32 @!p0 $0x1082;
	s9 =	sld [smem:$0x3FB7]  }
0x2f: {  	lr =	sadd.s32 s0, s3;
	s0 =	sld [smem:$0x3FAE]  }
0x30: {  	s3 =	sld [smem:$0x3FB1]  }
0x31: {  	[smem:$0x3FBA] =	sst s10  }
0x32: {  	s10 =	sld [smem:$0x3FB8];
	_ =	sdelay $0x3  }
0x33: {  	p0 =	seq.s32 s10, $0x1;
	s10 =	sld [smem:$0x3FBA];
	_ =	sdelay $0x3  }
0x34: {  	[smem:$0x3FBA] =	sst s10  }
0x35: {  	s10 =	sld [smem:$0x3FB9];
	_ =	sdelay $0x3  }
0x36: {  	p1 =	seq.s32 s10, $0x1;
	s10 =	sld [smem:$0x3FBA];
	_ =	sdelay $0x3  }
0x37: {  	[smem:$0x3FBA] =	sst s10  }
0x38: {  	s10 =	sld [smem:$0x3FBB]  }
0x39: {  	_ = 	snop;
	(pc) =	sbr.ind lr, $3  }
0x3a: {  	_ = 	snop  }
0x3b: {  	_ = 	snop  }
0x3c: {  	p2 =	seq.s32 s10, $0x1;
	s10 =	sld [smem:$0x3FBA]  }
0x3d: {  	_ =	shalt  }
0x3e: {  	_ =	shalt  }
0x3f: {  	_ =	shalt  }
0x40: {  	_ =	shalt  }
0x41: {  	_ =	shalt  }
0x42: {  	_ =	shalt  }
0x43: {  	_ =	shalt  }
0x44: {  	_ =	shalt  }
0x45: {  	_ =	shalt  }
0x46: {  	_ =	shalt  }
0x47: {  	_ =	shalt  }
0x48: {  	_ =	shalt  }
0x49: {  	_ =	shalt  }
0x4a: {  	_ =	shalt  }
0x4b: {  	_ =	shalt  }
0x4c: {  	_ =	shalt  }
0x4d: {  	_ =	shalt  }
0x4e: {  	_ =	shalt  }
0x4f: {  	_ =	shalt  }
0x50: {  	_ =	shalt  }
0x51: {  	_ =	shalt  }
0x52: {  	_ =	shalt  }
0x53: {  	_ =	shalt  }
0x54: {  	_ =	shalt  }
0x55: {  	_ =	shalt  }
0x56: {  	_ =	shalt  }
0x57: {  	_ =	shalt  }
0x58: {  	_ =	shalt  }
0x59: {  	_ =	shalt  }
0x5a: {  	_ =	shalt  }
0x5b: {  	_ =	shalt  }
0x5c: {  	_ =	shalt  }
0x5d: {  	_ =	shalt  }
0x5e: {  	_ =	shalt  }
0x5f: {  	_ =	shalt  }
0x60: {  	_ =	shalt  }
0x61: {  	_ =	shalt  }
0x62: {  	_ =	shalt  }
0x63: {  	_ =	shalt  }
0x64: {  	_ =	shalt  }
0x65: {  	_ =	shalt  }
0x66: {  	_ =	shalt  }
0x67: {  	_ =	shalt  }
0x68: {  	_ =	shalt  }
0x69: {  	_ =	shalt  }
0x6a: {  	_ =	shalt  }
0x6b: {  	_ =	shalt  }
0x6c: {  	_ =	shalt  }
0x6d: {  	_ =	shalt  }
0x6e: {  	_ =	shalt  }
0x6f: {  	_ =	shalt  }
0x70: {  	_ =	shalt  }
0x71: {  	_ =	shalt  }
0x72: {  	_ =	shalt  }
0x73: {  	_ =	shalt  }
0x74: {  	_ =	shalt  }
0x75: {  	_ =	shalt  }
0x76: {  	_ =	shalt  }
0x77: {  	_ =	shalt  }
0x78: {  	_ =	shalt  }
0x79: {  	_ =	shalt  }
0x7a: {  	_ =	shalt  }
0x7b: {  	_ =	shalt  }
0x7c: {  	_ =	shalt  }
0x7d: {  	_ =	shalt  }
0x7e: {  	_ =	shalt  }
0x7f: {  	_ =	shalt  }
0x80: {  	_ =	shalt  }
0x81: {  	_ =	shalt  }
0x82: {  	_ =	shalt  }
0x83: {  	_ =	shalt  }
0x84: {  	_ =	shalt  }
0x85: {  	_ =	shalt  }
0x86: {  	_ =	shalt  }
0x87: {  	_ =	shalt  }
.Lfunc_end0:
.L_simem_size_0:
called_computation_lowered:
.L_overlay_start_0:
0x88: {  	s2 =	sld [smem:$0x3FD9]  }
0x89: {  	s3 =	sld [smem:$0x3FFE];
	_ =	sdelay $0x1  }
0x8a: {  	s1 =	srdreg.scid  }
0x8b: {  	s0 =	sand.u32 $0x1, s1  }
0x8c: {  	s17 =	sshll.u32 s0, $0xA;
	s2 =	sadd.s32 s3, s2  }
0x8d: {  	s2 =	sadd.s32 s2, s17  }
0x8e: {  	[smem:$0x3FC6] =	sst s2  }
0x8f: {  	_ = 	snop  }
0x90: {  	s2 =	sld [smem:$0x3FD0];
	(tm) =	ssettm $0x1  }
0x91: {  	s18 =	sld [smem:$0x3FFB];
	_ =	sdelay $0x3  }
0x92: {  	_ =	strace s18  }
0x93: {  	s3 =	sld [smem:$0x3FFC];
	_ =	sdelay $0x3  }
0x94: {  	_ =	strace s3  }
0x95: {  	s3 =	sld [smem:$0x3FFD];
	_ =	sdelay $0x3  }
0x96: {  	_ =	strace s3  }
0x97: {  	_ =	strace $0x8FFFFFFF  }
0x98: {  	s19 =	sld [smem:$0x3FDB];
	_ =	sdelay $0x1  }
0x99: {  	s4 =	simm.s32 $_scs_section_size  }
0x9a: {  	s5 =	simm.s32 $_size__tile_overlayer_lowered;
	s6 =	simm.s32 $_tile_overlayer_lowered  }
0x9b: {  	s22 =	simm.s32 $0x1BFF;
	s21 =	sshll.u32 s6, $0x1;
	s3 =	sadd.s32 s4, s19  }
0x9c: {  	s7 =	simm.s32 $0x0;
	s20 =	sshll.u32 s5, $0x1;
	s5 =	sadd.s32 s21, s3  }
0x9d: {  	[timem:s7], [sflag:s22] =	dma.local [hbm:s5], s20  }
0x9e: {  	_ =	swait.ge [sflag:s22], s20  }
0x9f: {  	s4 =	ssub.s32 $0x0, s20;
	[sflag:s22] =	ssyncset.done $0x0  }
0xa0: {  	[sflag:s22] =	ssyncadd.s32 s4;
	_ =	sdelay $0x1  }
0xa1: {  	s23 =	simm.s32 $0x1B8B  }
0xa2: {  	_ =	swait.ge [sflag:s23], $0x1  }
0xa3: {  	[sflag:s23] =	ssyncset.done $0x0  }
0xa4: {  	s25 =	simm.s32 $0x1B8E;
	s24 =	sld [smem:$0x3FFE];
	[sflag:s23] =	ssyncadd.s32 $0xFFFFFFFF  }
0xa5: {  	s26 =	simm.s32 $execute0_lowered;
	[smem:$0x3FD2] =	sst s25  }
0xa6: {  	s5 =	sshll.u32 s26, $0x1;
	_ =	strace $0x80000046;
	[dreg:$0x1] =	wrdreg $0xFFFFFFFF  }
0xa7: {  	s28 =	simm.s32 $_size_execute0_lowered;
	s3 =	sadd.s32 s3, s5;
	[dreg:$0x0] =	wrdreg $0x0  }
0xa8: {  	s5 =	sshll.u32 s28, $0x1;
	[dreg:$0x2] =	wrdreg s3  }
0xa9: {  	[dreg:$0x3] =	wrdreg s5  }
0xaa: {  	[dreg:$0x4] =	wrdreg $0xC0  }
0xab: {  	_ =	task [dreg:s7], $0x5FFFF  }
0xac: {  	[dreg:$0x1] =	wrdreg $0xFFFFFFFF  }
0xad: {  	[dreg:$0x0] =	wrdreg $0x60  }
0xae: {  	[dreg:$0x2] =	wrdreg s24  }
0xaf: {  	[dreg:$0x3] =	wrdreg s2  }
0xb0: {  	[dreg:$0x4] =	wrdreg $0x9  }
0xb1: {  	_ =	task.clear_ibuf [dreg:s7], $0x5FFFF;
	_ =	strace $0x90000046  }
0xb2: {  	s29 =	simm.s32 $0x9;
	_ =	strace $0x80000048  }
0xb3: {  	_ =	swait.ge [sflag:s29], $0x1  }
0xb4: {  	[sflag:s29] =	ssyncadd.s32 $0xFFFFFFFF  }
0xb5: {  	_ =	strace $0x90000048  }
0xb6: {  	_ =	sfence  }
0xb7: {  	s30 =	sld [smem:$0x0];
	_ =	sdelay $0x2  }
0xb8: {  	s31 =	sshll.u32 s1, $0xD;
	s1 =	sshrl.u32 s1, $0x2  }
0xb9: {  	s3 =	sand.u32 $0x4000, s31;
	s1 =	sadd.s32 s1, s30  }
0xba: {  	s0 =	sor.u32 s3, s0;
	s1 =	sshll.u32 s1, $0x11  }
0xbb: {  	s0 =	sor.u32 s1, s0  }
0xbc: {  	s0 =	sadd.s32 $0x8F2B, s0  }
0xbd: {  	[sflag:s0] =	ssyncadd.remote.s32 $0x1  }
0xbe: {  	_ =	sfence.sel $0xFFFF  }
0xbf: {  	[dreg:$0x0] =	wrdreg $0xFFFFFFFF;
	(pc) =	sbr.abs _section_cstart, $3  }
0xc0: {  	[dreg:$0x1] =	wrdreg $0xFFFFFFFF  }
0xc1: {  	_ =	task.clear_ibuf [dreg:s7], $0x2FFFF;
	_ =	strace $0x9FFFFFFF  }
0xc2: {  	(tm) =	ssettm $0x7FFFFFFF  }
0xc3: {  	_ =	shalt  }
tec
execute0_lowered:
.L_overlay_start_1:
0x0: {  	(tag) =	ssettag $0x1  }
0x1: {  	s0 =	rddreg [dreg:$0x0]  }
0x2: {  	s1 =	rddreg [dreg:$0x1]  }
0x3: {  	s3 =	simm.s32 $0x0;
	s2 =	srdreg.scid;
	s5 =	stileid.u32  }
0x4: {  	s28 =	simm.s32 $0x200;
	s29 =	simm.s32 $0x10400;
	s30 =	simm.s32 $0x400  }
0x5: {  	s31 =	simm.s32 $0x20000;
	s10 =	simm.s32 $0xF;
	s11 =	simm.s32 $0x13  }
0x6: {  	s14 =	simm.s32 $0x14400;
	s15 =	simm.s32 $0x10;
	s12 =	simm.s32 $0x8  }
0x7: {  	[smem:$0x7FF] =	sst s3;
	s4 =	sadd.s32 $0x600, s0;
	s2 =	sand.u32 $0x1, s2  }
0x8: {  	s6 =	sshll.u32 s5, $0x1;
	s5 =	sadd.s32 $0xF42A00, s0;
	s16 =	ssub.s32 $0x2, s2  }
0x9: {  	_ =	strace $0x80000047;
	s2 =	sor.u32 s2, s6;
	s17 =	sshrl.u32 s16, $0x1  }
0xa: {  	v0 =	vlaneseq.u32;
	s8 =	sshll.u32 s2, $0x9;
	s7 =	sshll.u32 s2, $0x6;
	s9 =	sshll.u32 s2, $0xC  }
0xb: {  	v0 =	vmul.u32 $0x80, v0;
	s0 =	ssub.s32 s16, s17;
	s7 =	sadd.s32 s4, s7;
	s18 =	sor.u32 $0x80, s8  }
0xc: {  	v1 =	vimm.s32 $0x0;
	vm0 =	vcmask $0x300;
	s21 =	sor.u32 $0x100, s8;
	[dreg:$0x3] =	wrdreg s8;
	s13 =	sor.u32 $0x180, s8  }
0xd: {  	v1 =	vsel vm0, $0x3, v1;
	v2 =	vor.u32 $0x800, v0;
	s16 =	simm.s32 $0x14;
	s17 =	simm.s32 $0x16400;
	[dreg:$0x5] =	wrdreg s18  }
0xe: {  	v3 =	vor.u32 $0x1000, v0;
	v4 =	vor.u32 $0x1800, v0;
	v5 =	vor.u32 $0x1, v0;
	s8 =	simm.s32 $0x7;
	s19 =	sadd.s32 $0x800, s7;
	[dreg:$0x8] =	wrdreg s21  }
0xf: {  	v6 =	vor.u32 $0x801, v0;
	v7 =	vor.u32 $0x1001, v0;
	v8 =	vor.u32 $0x1801, v0;
	s20 =	sshrl.u32 s18, $0x3;
	s22 =	sadd.s32 $0x810, s7;
	[dreg:$0x4] =	wrdreg s7  }
0x10: {  	v9 =	vor.u32 $0x2, v0;
	v10 =	vor.u32 $0x802, v0;
	v11 =	vor.u32 $0x1002, v0;
	s23 =	sshrl.u32 s13, $0x3;
	s24 =	sadd.s32 $0x820, s7;
	[dreg:$0x6] =	wrdreg s19  }
0x11: {  	v12 =	vor.u32 $0x1802, v0;
	v13 =	vor.u32 $0x3, v0;
	v14 =	vor.u32 $0x803, v0;
	s26 =	sadd.s32 $0x830, s7;
	s0 =	smax.u32 s0, $0x1;
	[dreg:$0x9] =	wrdreg s22  }
0x12: {  	v15 =	vor.u32 $0x1003, v0;
	v16 =	vor.u32 $0x1803, v0;
	v17 =	vor.u32 $0x4, v0;
	s18 =	simm.s32 $0x6;
	s7 =	simm.s32 $0x0;
	[dreg:$0xb] =	wrdreg s24  }
.Ltmp0:
0x13: {  	v18 =	vor.u32 $0x804, v0;
	v19 =	vor.u32 $0x1004, v0;
	v20 =	vor.u32 $0x1804, v0;
	s2 =	sadd.s32 s4, s20;
	[dreg:$0xd] =	wrdreg s26;
	(pc) =	sbr.rel .LBB2_1-.Ltmp0, $4  }
0x14: {  	v21 =	vor.u32 $0x5, v0;
	v22 =	vor.u32 $0x805, v0;
	v23 =	vor.u32 $0x1005, v0;
	s25 =	sadd.s32 s4, s23;
	[dreg:$0xe] =	wrdreg s0;
	s0 =	simm.s32 $0xE  }
0x15: {  	v24 =	vor.u32 $0x1805, v0;
	v25 =	vor.u32 $0x6, v0;
	v26 =	vor.u32 $0x806, v0;
	s19 =	simm.s32 $0x5;
	[dreg:$0x7] =	wrdreg s2;
	s2 =	sshrl.u32 s21, $0x3  }
0x16: {  	v27 =	vor.u32 $0x1006, v0;
	v28 =	vor.u32 $0x1806, v0;
	v29 =	vor.u32 $0x7, v0;
	[dreg:$0xc] =	wrdreg s25;
	s21 =	simm.s32 $0x80;
	s2 =	sadd.s32 s4, s2  }
0x17: {  	v30 =	vor.u32 $0x807, v0;
	v31 =	vor.u32 $0x1007, v0;
	v32 =	vor.u32 $0x1807, v0;
	s25 =	simm.s32 $0x12400;
	[dreg:$0xa] =	wrdreg s2;
	s2 =	simm.s32 $0x12  }
.LBB2_48:
0x18: {  	s6 =	simm.s32 $0x11  }
0x19: {  	_ =	swait.ge [sflag:s6], $0x2000  }
0x1a: {  	[sflag:s6] =	ssyncset.done $0x0  }
0x1b: {  	[sflag:s6] =	ssyncadd.s32 $0xFFFFE000  }
0x1c: {  	_ =	swait.ge [sflag:s2], $0x2000  }
0x1d: {  	[sflag:s2] =	ssyncset.done $0x0  }
0x1e: {  	[sflag:s2] =	ssyncadd.s32 $0xFFFFE000  }
0x1f: {  	_ =	swait.ge [sflag:s11], $0x2000  }
0x20: {  	[sflag:s11] =	ssyncset.done $0x0  }
0x21: {  	[sflag:s11] =	ssyncadd.s32 $0xFFFFE000  }
0x22: {  	_ =	swait.ge [sflag:s16], $0x2000  }
0x23: {  	s7 =	rddreg [dreg:$0xf]  }
0x24: {  	s26 =	rddreg [dreg:$0xe];
	s7 =	sadd.s32 $0x1, s7  }
0x25: {  	p0 =	sne.s32 s7, s26  }
.Ltmp1:
0x26: {  	_ = 	snop;
	(pc) =	sbr.rel @!p0 .LBB2_49-.Ltmp1, $3  }
0x27: {  	_ =	sdelay $0x1  }
0x28: {  	[sflag:s16] =	ssyncset.done $0x0  }
0x29: {  	s28 =	simm.s32 $0x200;
	[sflag:s16] =	ssyncadd.s32 $0xFFFFE000  }
.LBB2_1:
0x2a: {  	[dreg:$0xf] =	wrdreg s7  }
0x2b: {  	s6 =	rddreg [dreg:$0x4]  }
0x2c: {  	[tilespmem:s3], [sflag:$0x1] =	stream.linear.gather [hbm4b:s6+s3], $0x80, $0x38;
	[tilespmem:$0x18400] =	vst v63  }
0x2d: {  	s7 =	rddreg [dreg:$0x6]  }
0x2e: {  	[tilespmem:s28], [sflag:$0x5] =	stream.linear.gather [hbm4b:s7+s3], $0x80, $0x38;
	[tilespmem:$0x18400] =	vst v63  }
0x2f: {  	s20 =	rddreg [dreg:$0x7]  }
0x30: {  	[tilespmem:s21], [sflag:$0x2] =	stream.linear.gather [hbm4b:s20+s3], $0x80, $0x38;
	[tilespmem:$0x18400] =	vst v63  }
0x31: {  	s22 =	rddreg [dreg:$0x9];
	s23 =	simm.s32 $0x280  }
0x32: {  	[tilespmem:s23], [sflag:$0x6] =	stream.linear.gather [hbm4b:s22+s3], $0x80, $0x38;
	[tilespmem:$0x18400] =	vst v63  }
0x33: {  	s24 =	rddreg [dreg:$0xa];
	s26 =	simm.s32 $0x100  }
0x34: {  	[tilespmem:s26], [sflag:$0x3] =	stream.linear.gather [hbm4b:s24+s3], $0x80, $0x38;
	[tilespmem:$0x18400] =	vst v63  }
0x35: {  	s7 =	rddreg [dreg:$0xb];
	s20 =	simm.s32 $0x300  }
0x36: {  	[tilespmem:s20], [sflag:$0x7] =	stream.linear.gather [hbm4b:s7+s3], $0x80, $0x38;
	[tilespmem:$0x18400] =	vst v63  }
.Ltmp2:
0x37: {  	_ = 	snop;
	(pc) =	sbr.rel .LBB2_2-.Ltmp2, $4  }
0x38: {  	s22 =	rddreg [dreg:$0xc];
	s23 =	simm.s32 $0x180  }
0x39: {  	[tilespmem:s23], [sflag:$0x4] =	stream.linear.gather [hbm4b:s22+s3], $0x80, $0x38;
	[tilespmem:$0x18400] =	vst v63  }
0x3a: {  	s24 =	rddreg [dreg:$0xd];
	s26 =	simm.s32 $0x380;
	s22 =	simm.s32 $0x0  }
0x3b: {  	[tilespmem:s26], [sflag:$0x8] =	stream.linear.gather [hbm4b:s24+s3], $0x80, $0x38;
	[tilespmem:$0x18400] =	vst v63  }
.LBB2_46:
0x3c: {  	_ =	sdelay $0x2  }
0x3d: {  	v53 =	vshrl.u32 v53, $0x3  }
0x3e: {  	v55 =	vmov s20;
	v56 =	vld [tilespmem:s6+$0xFFFFFFF0];
	v35 =	vor.u32 v16, v35;
	[tilespmem:v41+s17+$0x0] =	vst.idx.msk $0xffff, v40;
	v57 =	vshrl.u32 v54, $0x3  }
0x3f: {  	v59 =	vld [tilespmem:s6+$0x30];
	v34 =	vor.u32 v20, v34;
	[tilespmem:v43+s17+$0x0] =	vst.idx.msk $0xffff, v42;
	v60 =	vshrl.u32 v44, $0x3;
	v58 =	vshrl.u32 v55, $0x3  }
0x40: {  	[tilespmem:v48+s17+$0x0] =	vst.idx.msk $0xffff, v46;
	v37 =	vor.u32 v24, v37;
	v62 =	vshrl.u32 v47, $0x3;
	v61 =	vld [tilespmem:s6+$0x70];
	v41 =	vshll.u32 v58, v1  }
0x41: {  	[tilespmem:v51+s17+$0x0] =	vst.idx.msk $0xffff, v49;
	v36 =	vor.u32 v28, v36;
	v45 =	vbroadcast v45, $0x0;
	v63 =	vld [tilespmem:s6+$0xB0];
	v41 =	vbroadcast v41, $0x0  }
0x42: {  	v33 =	vor.u32 v4, v33;
	[tilespmem:v52+s17+$0x0] =	vst.idx.msk $0xffff, v50;
	s23 =	sadd.s32 $0x200, s6;
	v38 =	vshrl.u32 v38, $0x3;
	v55 =	vshll.u32 v53, v1;
	v48 =	vld [tilespmem:s6+$0xFFFFFF30]  }
0x43: {  	v40 =	vshll.u32 v57, v1;
	v49 =	vld [tilespmem:s23+$0xC0];
	v47 =	vbroadcast v55, $0x0;
	v50 =	vor.u32 v29, v41;
	[tilespmem:v35+s17+$0x0] =	vst.idx.msk $0xffff, v56  }
0x44: {  	v42 =	vshll.u32 v60, v1;
	v40 =	vbroadcast v40, $0x0;
	v35 =	vld [tilespmem:s23+$0xFFFFFF00];
	v56 =	vor.u32 v0, v45;
	[tilespmem:v34+s17+$0x0] =	vst.idx.msk $0xffff, v59  }
0x45: {  	v57 =	vld [tilespmem:s23+$0xFFFFFF40];
	v44 =	vshll.u32 v62, v1;
	v42 =	vbroadcast v42, $0x0;
	v58 =	vor.u32 v5, v47;
	[tilespmem:v37+s17+$0x0] =	vst.idx.msk $0xffff, v61  }
0x46: {  	v38 =	vshll.u32 v38, v1;
	v44 =	vbroadcast v44, $0x0;
	v60 =	vor.u32 v9, v40;
	v59 =	vld [tilespmem:s23+$0xFFFFFF80];
	[tilespmem:v36+s17+$0x0] =	vst.idx.msk $0xffff, v63  }
0x47: {  	v38 =	vbroadcast v38, $0x0;
	v62 =	vor.u32 v13, v42;
	v61 =	vld [tilespmem:s23+$0xFFFFFFC0];
	[tilespmem:v33+s17+$0x0] =	vst.idx.msk $0xffff, v48  }
0x48: {  	v39 =	vshrl.u32 v39, $0x3;
	v33 =	vld [tilespmem:s23+$0x0];
	v63 =	vor.u32 v17, v44;
	[tilespmem:v50+s17+$0x0] =	vst.idx.msk $0xffff, v49  }
0x49: {  	v39 =	vshll.u32 v39, v1;
	v34 =	vld [tilespmem:s23+$0x40];
	[tilespmem:v56+s17+$0x0] =	vst.idx.msk $0xffff, v35;
	v56 =	vor.u32 v21, v38  }
0x4a: {  	[tilespmem:v58+s17+$0x0] =	vst.idx.msk $0xffff, v57;
	v35 =	vbroadcast v39, $0x0;
	v49 =	vor.u32 v30, v41;
	v39 =	vld [tilespmem:s23+$0xD0]  }
0x4b: {  	[tilespmem:v60+s17+$0x0] =	vst.idx.msk $0xffff, v59;
	v59 =	vld [tilespmem:s23+$0xFFFFFF50];
	v60 =	vor.u32 v6, v47  }
0x4c: {  	v57 =	vld [tilespmem:s23+$0x80];
	[tilespmem:v62+s17+$0x0] =	vst.idx.msk $0xffff, v61;
	v58 =	vor.u32 v25, v35  }
0x4d: {  	v61 =	vld [tilespmem:s23+$0xFFFFFF90];
	v62 =	vor.u32 v10, v40;
	[tilespmem:v63+s17+$0x0] =	vst.idx.msk $0xffff, v33  }
0x4e: {  	v63 =	vor.u32 v14, v42;
	v33 =	vld [tilespmem:s23+$0xFFFFFFD0];
	[tilespmem:v56+s17+$0x0] =	vst.idx.msk $0xffff, v34  }
0x4f: {  	v56 =	vor.u32 v18, v44;
	[tilespmem:v49+s17+$0x0] =	vst.idx.msk $0xffff, v39;
	v49 =	vld [tilespmem:s23+$0x10]  }
0x50: {  	[tilespmem:v60+s17+$0x0] =	vst.idx.msk $0xffff, v59;
	v39 =	vor.u32 v31, v41;
	v34 =	vld [tilespmem:s23+$0xE0]  }
0x51: {  	[tilespmem:v58+s17+$0x0] =	vst.idx.msk $0xffff, v57;
	v57 =	vld [tilespmem:s23+$0x50];
	v58 =	vor.u32 v22, v38  }
0x52: {  	[tilespmem:v62+s17+$0x0] =	vst.idx.msk $0xffff, v61;
	v61 =	vld [tilespmem:s23+$0xFFFFFF10];
	v62 =	vor.u32 v2, v45  }
0x53: {  	v60 =	vor.u32 v26, v35;
	[tilespmem:v63+s17+$0x0] =	vst.idx.msk $0xffff, v33;
	v59 =	vld [tilespmem:s23+$0x90]  }
0x54: {  	v53 =	vor.u32 v7, v47;
	v63 =	vld [tilespmem:s23+$0xFFFFFF60];
	[tilespmem:v56+s17+$0x0] =	vst.idx.msk $0xffff, v49  }
0x55: {  	v55 =	vor.u32 v11, v40;
	v54 =	vor.u32 v32, v41;
	v41 =	vld [tilespmem:s23+$0xFFFFFFA0];
	[tilespmem:v39+s17+$0x0] =	vst.idx.msk $0xffff, v34  }
0x56: {  	v56 =	vld [tilespmem:s23+$0xFFFFFFE0];
	[tilespmem:v58+s17+$0x0] =	vst.idx.msk $0xffff, v57;
	v57 =	vor.u32 v15, v42  }
0x57: {  	[tilespmem:v62+s17+$0x0] =	vst.idx.msk $0xffff, v61;
	v34 =	vld [tilespmem:s23+$0xF0]  }
0x58: {  	v58 =	vld [tilespmem:s23+$0x20];
	[tilespmem:v60+s17+$0x0] =	vst.idx.msk $0xffff, v59;
	v59 =	vor.u32 v19, v44  }
0x59: {  	v61 =	vor.u32 v23, v38;
	[tilespmem:v53+s17+$0x0] =	vst.idx.msk $0xffff, v63;
	v60 =	vld [tilespmem:s23+$0x60]  }
0x5a: {  	v47 =	vor.u32 v8, v47;
	[tilespmem:v55+s17+$0x0] =	vst.idx.msk $0xffff, v41;
	v55 =	vld [tilespmem:s23+$0xFFFFFF70]  }
0x5b: {  	v63 =	vor.u32 v27, v35;
	v62 =	vld [tilespmem:s23+$0xA0];
	[tilespmem:v57+s17+$0x0] =	vst.idx.msk $0xffff, v56  }
0x5c: {  	v53 =	vld [tilespmem:s23+$0xFFFFFF20];
	[tilespmem:v54+s17+$0x0] =	vst.idx.msk $0xffff, v34;
	v54 =	vor.u32 v3, v45  }
0x5d: {  	v40 =	vor.u32 v12, v40;
	v56 =	vld [tilespmem:s23+$0xFFFFFFB0];
	[tilespmem:v59+s17+$0x0] =	vst.idx.msk $0xffff, v58  }
0x5e: {  	v42 =	vor.u32 v16, v42;
	v57 =	vld [tilespmem:s23+$0xFFFFFFF0];
	[tilespmem:v61+s17+$0x0] =	vst.idx.msk $0xffff, v60  }
0x5f: {  	v59 =	vor.u32 v20, v44;
	[tilespmem:v47+s17+$0x0] =	vst.idx.msk $0xffff, v55;
	v58 =	vld [tilespmem:s23+$0x30]  }
0x60: {  	v38 =	vor.u32 v24, v38;
	[tilespmem:v63+s17+$0x0] =	vst.idx.msk $0xffff, v62;
	v60 =	vld [tilespmem:s23+$0x70]  }
0x61: {  	v35 =	vor.u32 v28, v35;
	v61 =	vld [tilespmem:s23+$0xB0];
	[tilespmem:v54+s17+$0x0] =	vst.idx.msk $0xffff, v53  }
0x62: {  	v63 =	vor.u32 v4, v45;
	[tilespmem:v40+s17+$0x0] =	vst.idx.msk $0xffff, v56;
	v62 =	vld [tilespmem:s23+$0xFFFFFF30]  }
0x63: {  	[tilespmem:v42+s17+$0x0] =	vst.idx.msk $0xffff, v57  }
0x64: {  	p0 =	seq.s32 s22, $0x18;
	[tilespmem:v59+s17+$0x0] =	vst.idx.msk $0xffff, v58  }
0x65: {  	s6 =	sshll.u32 @!p0 s24, $0xE;
	[tilespmem:v38+s17+$0x0] =	vst.idx.msk $0xffff, v60  }
0x66: {  	s6 =	sor.u32 @!p0 s13, s6;
	[tilespmem:v35+s17+$0x0] =	vst.idx.msk $0xffff, v61  }
0x67: {  	s26 =	sadd.s32 $0x180, s26;
	s6 =	sshrl.u32 @!p0 s6, $0x3;
	[tilespmem:v63+s17+$0x0] =	vst.idx.msk $0xffff, v62  }
0x68: {  	[hbm4b:s26+s30] =	stream.strided.scatter [tilespmem:s17], [sflag:$0x14], $0x2000, s31, s30, $0x38;
	[tilespmem:$0x18400] =	vst v63  }
0x69: {  	s7 =	simm.s32 @!p0 $0x0;
	s20 =	simm.s32 @!p0 $0x180;
	s6 =	sadd.s32 @!p0 s4, s6  }
0x6a: {  	[tilespmem:s20], [sflag:$0x4] =	stream.linear.gather @!p0 [hbm4b:s6+s7], $0x80, $0x38;
	[tilespmem:$0x18400] =	vst v63  }
.LBB2_47:
0x6b: {  	s22 =	sadd.s32 $0x1, s22  }
.LBB2_2:
0x6c: {  	p0 =	seq.s32 s22, $0x19  }
0x6d: {  	s6 =	simm.s32 @!p0 $0x1  }
0x6e: {  	_ =	swait.ge @!p0 [sflag:s6], $0x80  }
0x6f: {  	s7 =	simm.s32 @!p0 $0x0;
	[sflag:s6] =	ssyncset.done @!p0 $0x0  }
0x70: {  	s20 =	simm.s32 @!p0 $0x400;
	[sflag:s6] =	ssyncadd.s32 @!p0 $0xFFFFFF80;
	s6 =	simm.s32 @!p0 $0x80  }
0x71: {  	[tilespmem:s20], [sflag:$0x9] =	stream.indirect.gather @!p0 [hbm4b:s5+s6], $0x40, s7, s6, $0xb8;
	[tilespmem:$0x18400] =	vst v63  }
0x72: {  	s7 =	simm.s32 @!p0 $0x2  }
0x73: {  	_ =	swait.ge @!p0 [sflag:s7], $0x80  }
0x74: {  	[sflag:s7] =	ssyncset.done @!p0 $0x0  }
0x75: {  	[sflag:s7] =	ssyncadd.s32 @!p0 $0xFFFFFF80;
	s7 =	simm.s32 @!p0 $0x2400  }
0x76: {  	[tilespmem:s7], [sflag:$0xA] =	stream.indirect.gather @!p0 [hbm4b:s5+s6], $0x40, s6, s6, $0xb8;
	[tilespmem:$0x18400] =	vst v63  }
0x77: {  	s7 =	simm.s32 @!p0 $0x3  }
0x78: {  	_ =	swait.ge @!p0 [sflag:s7], $0x80  }
0x79: {  	[sflag:s7] =	ssyncset.done @!p0 $0x0  }
0x7a: {  	s20 =	simm.s32 @!p0 $0x4400;
	[sflag:s7] =	ssyncadd.s32 @!p0 $0xFFFFFF80;
	s7 =	simm.s32 @!p0 $0x100  }
0x7b: {  	[tilespmem:s20], [sflag:$0xB] =	stream.indirect.gather @!p0 [hbm4b:s5+s6], $0x40, s7, s6, $0xb8;
	[tilespmem:$0x18400] =	vst v63  }
0x7c: {  	s7 =	simm.s32 @!p0 $0x4  }
0x7d: {  	_ =	swait.ge @!p0 [sflag:s7], $0x80  }
0x7e: {  	s24 =	sshll.u32 s22, $0x1;
	[sflag:s7] =	ssyncset.done @!p0 $0x0  }
0x7f: {  	s20 =	simm.s32 @!p0 $0x6400;
	[sflag:s7] =	ssyncadd.s32 @!p0 $0xFFFFFF80;
	s7 =	simm.s32 @!p0 $0x180  }
0x80: {  	[tilespmem:s20], [sflag:$0xC] =	stream.indirect.gather @!p0 [hbm4b:s5+s6], $0x40, s7, s6, $0xb8;
	[tilespmem:$0x18400] =	vst v63  }
0x81: {  	s6 =	sadd.s32 @!p0 $0xFFFFFFFE, s24  }
0x82: {  	p1 =	sgt.u32 @!p0 s6, $0x31  }
0x83: {  	p1 =	por p0, !p1  }
.Ltmp3:
0x84: {  	_ = 	snop;
	(pc) =	sbr.rel @!p1 .LBB2_25-.Ltmp3, $1  }
0x85: {  	_ =	sdelay $0x3  }
0x86: {  	s6 =	simm.s32 $0x0;
	s20 =	simm.s32 $0x1;
	s7 =	simm.s32 $0x2  }
0x87: {  	s23 =	simm.s32 $0xD;
	s26 =	simm.s32 $0x3;
	v33 =	vmov s6;
	v34 =	vmov s20;
	v35 =	vmov s7;
	s7 =	simm.s32 $0x4  }
0x88: {  	_ =	swait.ge [sflag:s23], $0x2000;
	s20 =	simm.s32 $0x7;
	v36 =	vmov s26;
	s26 =	simm.s32 $0x5;
	v33 =	vshrl.u32 v33, $0x3;
	v37 =	vmov s7  }
0x89: {  	p1 =	seq.s32 s22, $0x0;
	[sflag:s23] =	ssyncset.done $0x0;
	v38 =	vmov s20;
	v39 =	vmov s26;
	v34 =	vshrl.u32 v34, $0x3  }
0x8a: {  	s7 =	simm.s32 @!p1 $0x11;
	v35 =	vshrl.u32 v35, $0x3;
	v36 =	vshrl.u32 v36, $0x3;
	[sflag:s23] =	ssyncadd.s32 $0xFFFFE000;
	v38 =	vshrl.u32 v38, $0x3  }
0x8b: {  	v33 =	vshll.u32 v33, v1;
	v37 =	vshrl.u32 v37, $0x3;
	_ =	swait.ge @!p1 [sflag:s7], $0x2000;
	v38 =	vshll.u32 v38, v1  }
0x8c: {  	s23 =	simm.s32 $0x6;
	v34 =	vshll.u32 v34, v1;
	v52 =	vshll.u32 v35, v1;
	[sflag:s7] =	ssyncset.done @!p1 $0x0;
	v38 =	vbroadcast v38, $0x0  }
0x8d: {  	v53 =	vshll.u32 v36, v1;
	v40 =	vmov s23;
	s23 =	simm.s32 $0x8500;
	v33 =	vbroadcast v33, $0x0;
	[sflag:s7] =	ssyncadd.s32 @!p1 $0xFFFFE000  }
0x8e: {  	v55 =	vshrl.u32 v39, $0x3;
	v45 =	vbroadcast v34, $0x0;
	v41 =	vld [tilespmem:s23+$0xC0];
	v42 =	vor.u32 v29, v38  }
0x8f: {  	v52 =	vbroadcast v52, $0x0;
	v35 =	vbroadcast v53, $0x0;
	v44 =	vor.u32 v0, v33;
	v43 =	vld [tilespmem:s23+$0xFFFFFF00]  }
0x90: {  	v54 =	vshll.u32 v37, v1;
	v36 =	vshll.u32 v55, v1;
	v47 =	vor.u32 v5, v45;
	v46 =	vld [tilespmem:s23+$0xFFFFFF40]  }
0x91: {  	v34 =	vbroadcast v54, $0x0;
	v40 =	vshrl.u32 v40, $0x3;
	v49 =	vor.u32 v9, v52;
	v48 =	vld [tilespmem:s23+$0xFFFFFF80]  }
0x92: {  	v37 =	vbroadcast v36, $0x0;
	v50 =	vor.u32 v13, v35;
	v56 =	vshll.u32 v40, v1;
	v39 =	vld [tilespmem:s23+$0xFFFFFFC0]  }
0x93: {  	v51 =	vld [tilespmem:s23+$0x0];
	v53 =	vor.u32 v17, v34;
	v36 =	vbroadcast v56, $0x0;
	[tilespmem:v42+s29+$0x0] =	vst.idx.msk $0xffff, v41  }
0x94: {  	v59 =	vld [tilespmem:s23+$0x40];
	v60 =	vor.u32 v21, v37;
	[tilespmem:v44+s29+$0x0] =	vst.idx.msk $0xffff, v43  }
0x95: {  	v61 =	vld [tilespmem:s23+$0x80];
	v62 =	vor.u32 v25, v36;
	[tilespmem:v47+s29+$0x0] =	vst.idx.msk $0xffff, v46  }
0x96: {  	v58 =	vor.u32 v30, v38;
	[tilespmem:v49+s29+$0x0] =	vst.idx.msk $0xffff, v48;
	v57 =	vld [tilespmem:s23+$0xD0]  }
0x97: {  	v63 =	vor.u32 v6, v45;
	[tilespmem:v50+s29+$0x0] =	vst.idx.msk $0xffff, v39;
	v47 =	vld [tilespmem:s23+$0xFFFFFF50]  }
0x98: {  	v55 =	vor.u32 v10, v52;
	[tilespmem:v53+s29+$0x0] =	vst.idx.msk $0xffff, v51;
	v54 =	vld [tilespmem:s23+$0xFFFFFF90]  }
0x99: {  	v56 =	vor.u32 v14, v35;
	[tilespmem:v60+s29+$0x0] =	vst.idx.msk $0xffff, v59;
	v50 =	vld [tilespmem:s23+$0xFFFFFFD0]  }
0x9a: {  	v46 =	vor.u32 v22, v37;
	v44 =	vld [tilespmem:s23+$0x50];
	[tilespmem:v62+s29+$0x0] =	vst.idx.msk $0xffff, v61  }
0x9b: {  	v59 =	vor.u32 v18, v34;
	[tilespmem:v58+s29+$0x0] =	vst.idx.msk $0xffff, v57;
	v58 =	vld [tilespmem:s23+$0x10]  }
0x9c: {  	v57 =	vor.u32 v31, v38;
	[tilespmem:v63+s29+$0x0] =	vst.idx.msk $0xffff, v47;
	v40 =	vld [tilespmem:s23+$0xE0]  }
0x9d: {  	v61 =	vld [tilespmem:s23+$0xFFFFFF10];
	v62 =	vor.u32 v2, v33;
	[tilespmem:v55+s29+$0x0] =	vst.idx.msk $0xffff, v54  }
0x9e: {  	v60 =	vor.u32 v26, v36;
	v63 =	vld [tilespmem:s23+$0x90];
	[tilespmem:v56+s29+$0x0] =	vst.idx.msk $0xffff, v50  }
0x9f: {  	v51 =	vor.u32 v7, v45;
	[tilespmem:v46+s29+$0x0] =	vst.idx.msk $0xffff, v44;
	v50 =	vld [tilespmem:s23+$0xFFFFFF60]  }
0xa0: {  	v56 =	vor.u32 v11, v52;
	v55 =	vld [tilespmem:s23+$0xFFFFFFA0];
	[tilespmem:v59+s29+$0x0] =	vst.idx.msk $0xffff, v58  }
0xa1: {  	v58 =	vor.u32 v15, v35;
	[tilespmem:v57+s29+$0x0] =	vst.idx.msk $0xffff, v40;
	v57 =	vld [tilespmem:s23+$0xFFFFFFE0]  }
0xa2: {  	v38 =	vor.u32 v32, v38;
	[tilespmem:v62+s29+$0x0] =	vst.idx.msk $0xffff, v61;
	v54 =	vld [tilespmem:s23+$0xF0]  }
0xa3: {  	s7 =	simm.s32 $0x9;
	[tilespmem:v60+s29+$0x0] =	vst.idx.msk $0xffff, v63;
	v60 =	vor.u32 v19, v34;
	v59 =	vld [tilespmem:s23+$0x20]  }
0xa4: {  	s26 =	simm.s32 $0x8;
	v41 =	vor.u32 v23, v37;
	v53 =	vmov s7;
	[tilespmem:v51+s29+$0x0] =	vst.idx.msk $0xffff, v50;
	v40 =	vld [tilespmem:s23+$0x60]  }
0xa5: {  	v43 =	vor.u32 v27, v36;
	s7 =	simm.s32 $0xC;
	v48 =	vor.u32 v3, v33;
	v63 =	vmov s26;
	v42 =	vld [tilespmem:s23+$0xA0];
	[tilespmem:v56+s29+$0x0] =	vst.idx.msk $0xffff, v55  }
0xa6: {  	s20 =	simm.s32 $0xA;
	v47 =	vmov s7;
	v52 =	vor.u32 v12, v52;
	v46 =	vld [tilespmem:s23+$0xFFFFFF20];
	s26 =	simm.s32 $0xB;
	v39 =	vshrl.u32 v63, $0x3;
	[tilespmem:v58+s29+$0x0] =	vst.idx.msk $0xffff, v57  }
0xa7: {  	v44 =	vmov s26;
	s26 =	simm.s32 $0xE;
	v51 =	vor.u32 v8, v45;
	v49 =	vld [tilespmem:s23+$0xFFFFFF70];
	[tilespmem:v38+s29+$0x0] =	vst.idx.msk $0xffff, v54;
	v54 =	vmov s20;
	s20 =	simm.s32 $0xD  }
0xa8: {  	s6 =	simm.s32 $0x10;
	s7 =	simm.s32 $0xF;
	v45 =	vshll.u32 v39, v1;
	v39 =	vmov s26;
	v50 =	vld [tilespmem:s23+$0xFFFFFFB0];
	[tilespmem:v60+s29+$0x0] =	vst.idx.msk $0xffff, v59;
	v38 =	vmov s20  }
.LBB2_4:
0xa9: {  	p2 =	slt.u32 s6, $0x78;
	v53 =	vshrl.u32 v53, $0x3;
	v55 =	vmov s7;
	v56 =	vld [tilespmem:s23+$0xFFFFFFF0];
	v35 =	vor.u32 v16, v35;
	[tilespmem:v41+s29+$0x0] =	vst.idx.msk $0xffff, v40  }
0xaa: {  	v40 =	vshrl.u32 v54, $0x3;
	v34 =	vor.u32 v20, v34;
	v41 =	vshrl.u32 v55, $0x3;
	v54 =	vld [tilespmem:s23+$0x30];
	[tilespmem:v43+s29+$0x0] =	vst.idx.msk $0xffff, v42  }
0xab: {  	v37 =	vor.u32 v24, v37;
	v42 =	vshrl.u32 v44, $0x3;
	v41 =	vshll.u32 v41, v1;
	[tilespmem:v48+s29+$0x0] =	vst.idx.msk $0xffff, v46;
	v43 =	vld [tilespmem:s23+$0x70]  }
0xac: {  	v36 =	vor.u32 v28, v36;
	v44 =	vshrl.u32 v47, $0x3;
	v41 =	vbroadcast v41, $0x0;
	[tilespmem:v51+s29+$0x0] =	vst.idx.msk $0xffff, v49;
	v46 =	vld [tilespmem:s23+$0xB0]  }
0xad: {  	v47 =	vshll.u32 v53, v1;
	v49 =	vor.u32 v4, v33;
	v33 =	vbroadcast v45, $0x0;
	v48 =	vld [tilespmem:s23+$0xFFFFFF30];
	[tilespmem:v52+s29+$0x0] =	vst.idx.msk $0xffff, v50;
	s23 =	sadd.s32 $0x200, s23  }
0xae: {  	v40 =	vshll.u32 v40, v1;
	v45 =	vbroadcast v47, $0x0;
	v47 =	vld [tilespmem:s23+$0xC0];
	v50 =	vor.u32 v29, v41;
	[tilespmem:v35+s29+$0x0] =	vst.idx.msk $0xffff, v56  }
0xaf: {  	v55 =	vbroadcast v40, $0x0;
	v52 =	vor.u32 v0, v33;
	v35 =	vshll.u32 v42, v1;
	v51 =	vld [tilespmem:s23+$0xFFFFFF00];
	[tilespmem:v34+s29+$0x0] =	vst.idx.msk $0xffff, v54  }
0xb0: {  	v42 =	vor.u32 v5, v45;
	v35 =	vbroadcast v35, $0x0;
	v34 =	vshll.u32 v44, v1;
	v40 =	vld [tilespmem:s23+$0xFFFFFF40];
	[tilespmem:v37+s29+$0x0] =	vst.idx.msk $0xffff, v43  }
0xb1: {  	v44 =	vor.u32 v9, v55;
	v34 =	vbroadcast v34, $0x0;
	v37 =	vshrl.u32 v38, $0x3;
	v43 =	vld [tilespmem:s23+$0xFFFFFF80];
	[tilespmem:v36+s29+$0x0] =	vst.idx.msk $0xffff, v46  }
0xb2: {  	v39 =	vshrl.u32 v39, $0x3;
	v46 =	vor.u32 v13, v35;
	v36 =	vshll.u32 v37, v1;
	v38 =	vld [tilespmem:s23+$0xFFFFFFC0];
	[tilespmem:v49+s29+$0x0] =	vst.idx.msk $0xffff, v48  }
0xb3: {  	v49 =	vor.u32 v17, v34;
	v37 =	vbroadcast v36, $0x0;
	v36 =	vshll.u32 v39, v1;
	v48 =	vld [tilespmem:s23+$0x0];
	[tilespmem:v50+s29+$0x0] =	vst.idx.msk $0xffff, v47  }
0xb4: {  	v36 =	vbroadcast v36, $0x0;
	v47 =	vor.u32 v30, v41;
	[tilespmem:v52+s29+$0x0] =	vst.idx.msk $0xffff, v51;
	v39 =	vld [tilespmem:s23+$0xD0]  }
0xb5: {  	[tilespmem:v42+s29+$0x0] =	vst.idx.msk $0xffff, v40;
	v40 =	vld [tilespmem:s23+$0x40];
	v42 =	vor.u32 v21, v37  }
0xb6: {  	[tilespmem:v44+s29+$0x0] =	vst.idx.msk $0xffff, v43;
	v43 =	vld [tilespmem:s23+$0x80];
	v44 =	vor.u32 v25, v36  }
0xb7: {  	v51 =	vor.u32 v6, v45;
	v50 =	vld [tilespmem:s23+$0xFFFFFF50];
	[tilespmem:v46+s29+$0x0] =	vst.idx.msk $0xffff, v38  }
0xb8: {  	v46 =	vor.u32 v10, v55;
	v38 =	vld [tilespmem:s23+$0xFFFFFF90];
	[tilespmem:v49+s29+$0x0] =	vst.idx.msk $0xffff, v48  }
0xb9: {  	v49 =	vor.u32 v14, v35;
	v48 =	vld [tilespmem:s23+$0xFFFFFFD0];
	[tilespmem:v47+s29+$0x0] =	vst.idx.msk $0xffff, v39  }
0xba: {  	[tilespmem:v42+s29+$0x0] =	vst.idx.msk $0xffff, v40;
	v39 =	vld [tilespmem:s23+$0xE0];
	v40 =	vor.u32 v31, v41  }
0xbb: {  	v47 =	vor.u32 v18, v34;
	v42 =	vld [tilespmem:s23+$0x10];
	[tilespmem:v44+s29+$0x0] =	vst.idx.msk $0xffff, v43  }
0xbc: {  	v44 =	vor.u32 v22, v37;
	[tilespmem:v51+s29+$0x0] =	vst.idx.msk $0xffff, v50;
	v43 =	vld [tilespmem:s23+$0x50]  }
0xbd: {  	[tilespmem:v46+s29+$0x0] =	vst.idx.msk $0xffff, v38;
	v38 =	vld [tilespmem:s23+$0x90];
	v46 =	vor.u32 v26, v36  }
0xbe: {  	v51 =	vor.u32 v2, v33;
	v50 =	vld [tilespmem:s23+$0xFFFFFF10];
	[tilespmem:v49+s29+$0x0] =	vst.idx.msk $0xffff, v48  }
0xbf: {  	v49 =	vor.u32 v7, v45;
	v48 =	vld [tilespmem:s23+$0xFFFFFF60];
	[tilespmem:v40+s29+$0x0] =	vst.idx.msk $0xffff, v39  }
0xc0: {  	[tilespmem:v47+s29+$0x0] =	vst.idx.msk $0xffff, v42;
	v39 =	vld [tilespmem:s23+$0xF0];
	v47 =	vor.u32 v32, v41  }
0xc1: {  	v56 =	vor.u32 v11, v55;
	v52 =	vld [tilespmem:s23+$0xFFFFFFA0];
	[tilespmem:v44+s29+$0x0] =	vst.idx.msk $0xffff, v43  }
0xc2: {  	v58 =	vor.u32 v15, v35;
	v57 =	vld [tilespmem:s23+$0xFFFFFFE0];
	[tilespmem:v46+s29+$0x0] =	vst.idx.msk $0xffff, v38  }
0xc3: {  	v60 =	vor.u32 v19, v34;
	[tilespmem:v51+s29+$0x0] =	vst.idx.msk $0xffff, v50;
	v59 =	vld [tilespmem:s23+$0x20]  }
.Ltmp4:
0xc4: {  	s7 =	sadd.s32 $0x1, s6;
	v41 =	vor.u32 v23, v37;
	v38 =	vmov s6;
	[tilespmem:v49+s29+$0x0] =	vst.idx.msk $0xffff, v48;
	v40 =	vld [tilespmem:s23+$0x60];
	(pc) =	sbr.rel @p2 .LBB2_4-.Ltmp4, $4  }
0xc5: {  	s20 =	sadd.s32 $0x3, s6;
	v53 =	vmov s7;
	s7 =	sadd.s32 $0x2, s6;
	v43 =	vor.u32 v27, v36;
	v50 =	vshrl.u32 v38, $0x3;
	v42 =	vld [tilespmem:s23+$0xA0];
	[tilespmem:v47+s29+$0x0] =	vst.idx.msk $0xffff, v39  }
0xc6: {  	v54 =	vmov s7;
	s7 =	sadd.s32 $0x4, s6;
	v44 =	vmov s20;
	s20 =	sadd.s32 $0x5, s6;
	v48 =	vor.u32 v3, v33;
	v46 =	vld [tilespmem:s23+$0xFFFFFF20];
	[tilespmem:v56+s29+$0x0] =	vst.idx.msk $0xffff, v52  }
0xc7: {  	v38 =	vmov s20;
	v51 =	vor.u32 v8, v45;
	v47 =	vmov s7;
	s7 =	sadd.s32 $0x6, s6;
	v49 =	vld [tilespmem:s23+$0xFFFFFF70];
	[tilespmem:v58+s29+$0x0] =	vst.idx.msk $0xffff, v57  }
0xc8: {  	v45 =	vshll.u32 v50, v1;
	v39 =	vmov s7;
	s7 =	sadd.s32 $0x7, s6;
	s6 =	sadd.s32 $0x8, s6;
	v52 =	vor.u32 v12, v55;
	v50 =	vld [tilespmem:s23+$0xFFFFFFB0];
	[tilespmem:v60+s29+$0x0] =	vst.idx.msk $0xffff, v59  }
0xc9: {  	_ =	sdelay $0x2  }
0xca: {  	v53 =	vshrl.u32 v53, $0x3  }
0xcb: {  	v55 =	vmov s7;
	v56 =	vld [tilespmem:s23+$0xFFFFFFF0];
	v35 =	vor.u32 v16, v35;
	[tilespmem:v41+s29+$0x0] =	vst.idx.msk $0xffff, v40;
	v57 =	vshrl.u32 v54, $0x3  }
0xcc: {  	v59 =	vld [tilespmem:s23+$0x30];
	v34 =	vor.u32 v20, v34;
	v60 =	vshrl.u32 v44, $0x3;
	v58 =	vshrl.u32 v55, $0x3;
	[tilespmem:v43+s29+$0x0] =	vst.idx.msk $0xffff, v42  }
0xcd: {  	v37 =	vor.u32 v24, v37;
	v62 =	vshrl.u32 v47, $0x3;
	v61 =	vld [tilespmem:s23+$0x70];
	v41 =	vshll.u32 v58, v1;
	[tilespmem:v48+s29+$0x0] =	vst.idx.msk $0xffff, v46  }
0xce: {  	v36 =	vor.u32 v28, v36;
	v45 =	vbroadcast v45, $0x0;
	v63 =	vld [tilespmem:s23+$0xB0];
	v41 =	vbroadcast v41, $0x0;
	[tilespmem:v51+s29+$0x0] =	vst.idx.msk $0xffff, v49  }
0xcf: {  	v33 =	vor.u32 v4, v33;
	s6 =	sadd.s32 $0x200, s23;
	v38 =	vshrl.u32 v38, $0x3;
	v55 =	vshll.u32 v53, v1;
	v48 =	vld [tilespmem:s23+$0xFFFFFF30];
	[tilespmem:v52+s29+$0x0] =	vst.idx.msk $0xffff, v50  }
0xd0: {  	v40 =	vshll.u32 v57, v1;
	v47 =	vbroadcast v55, $0x0;
	v49 =	vld [tilespmem:s6+$0xC0];
	v50 =	vor.u32 v29, v41;
	[tilespmem:v35+s29+$0x0] =	vst.idx.msk $0xffff, v56  }
0xd1: {  	v42 =	vshll.u32 v60, v1;
	v40 =	vbroadcast v40, $0x0;
	v35 =	vld [tilespmem:s6+$0xFFFFFF00];
	v56 =	vor.u32 v0, v45;
	[tilespmem:v34+s29+$0x0] =	vst.idx.msk $0xffff, v59  }
0xd2: {  	v57 =	vld [tilespmem:s6+$0xFFFFFF40];
	v44 =	vshll.u32 v62, v1;
	v42 =	vbroadcast v42, $0x0;
	v58 =	vor.u32 v5, v47;
	[tilespmem:v37+s29+$0x0] =	vst.idx.msk $0xffff, v61  }
0xd3: {  	v38 =	vshll.u32 v38, v1;
	v44 =	vbroadcast v44, $0x0;
	v60 =	vor.u32 v9, v40;
	v59 =	vld [tilespmem:s6+$0xFFFFFF80];
	[tilespmem:v36+s29+$0x0] =	vst.idx.msk $0xffff, v63  }
0xd4: {  	v38 =	vbroadcast v38, $0x0;
	v62 =	vor.u32 v13, v42;
	v61 =	vld [tilespmem:s6+$0xFFFFFFC0];
	[tilespmem:v33+s29+$0x0] =	vst.idx.msk $0xffff, v48  }
0xd5: {  	v39 =	vshrl.u32 v39, $0x3;
	v63 =	vor.u32 v17, v44;
	v33 =	vld [tilespmem:s6+$0x0];
	[tilespmem:v50+s29+$0x0] =	vst.idx.msk $0xffff, v49  }
0xd6: {  	v39 =	vshll.u32 v39, v1;
	v34 =	vld [tilespmem:s6+$0x40];
	[tilespmem:v56+s29+$0x0] =	vst.idx.msk $0xffff, v35;
	v56 =	vor.u32 v21, v38  }
0xd7: {  	[tilespmem:v58+s29+$0x0] =	vst.idx.msk $0xffff, v57;
	v35 =	vbroadcast v39, $0x0;
	v49 =	vor.u32 v30, v41;
	v39 =	vld [tilespmem:s6+$0xD0]  }
0xd8: {  	[tilespmem:v60+s29+$0x0] =	vst.idx.msk $0xffff, v59;
	v59 =	vld [tilespmem:s6+$0xFFFFFF50];
	v60 =	vor.u32 v6, v47  }
0xd9: {  	v57 =	vld [tilespmem:s6+$0x80];
	[tilespmem:v62+s29+$0x0] =	vst.idx.msk $0xffff, v61;
	v58 =	vor.u32 v25, v35  }
0xda: {  	v61 =	vld [tilespmem:s6+$0xFFFFFF90];
	v62 =	vor.u32 v10, v40;
	[tilespmem:v63+s29+$0x0] =	vst.idx.msk $0xffff, v33  }
0xdb: {  	v33 =	vld [tilespmem:s6+$0xFFFFFFD0];
	v63 =	vor.u32 v14, v42;
	[tilespmem:v56+s29+$0x0] =	vst.idx.msk $0xffff, v34  }
0xdc: {  	v56 =	vor.u32 v18, v44;
	[tilespmem:v49+s29+$0x0] =	vst.idx.msk $0xffff, v39;
	v49 =	vld [tilespmem:s6+$0x10]  }
0xdd: {  	[tilespmem:v60+s29+$0x0] =	vst.idx.msk $0xffff, v59;
	v39 =	vor.u32 v31, v41;
	v34 =	vld [tilespmem:s6+$0xE0]  }
0xde: {  	[tilespmem:v58+s29+$0x0] =	vst.idx.msk $0xffff, v57;
	v57 =	vld [tilespmem:s6+$0x50];
	v58 =	vor.u32 v22, v38  }
0xdf: {  	[tilespmem:v62+s29+$0x0] =	vst.idx.msk $0xffff, v61;
	v61 =	vld [tilespmem:s6+$0xFFFFFF10];
	v62 =	vor.u32 v2, v45  }
0xe0: {  	v60 =	vor.u32 v26, v35;
	v59 =	vld [tilespmem:s6+$0x90];
	[tilespmem:v63+s29+$0x0] =	vst.idx.msk $0xffff, v33  }
0xe1: {  	v55 =	vor.u32 v11, v40;
	v54 =	vor.u32 v32, v41;
	v41 =	vld [tilespmem:s6+$0xFFFFFFA0];
	[tilespmem:v56+s29+$0x0] =	vst.idx.msk $0xffff, v49  }
0xe2: {  	v53 =	vor.u32 v7, v47;
	v63 =	vld [tilespmem:s6+$0xFFFFFF60];
	[tilespmem:v39+s29+$0x0] =	vst.idx.msk $0xffff, v34  }
0xe3: {  	v56 =	vld [tilespmem:s6+$0xFFFFFFE0];
	[tilespmem:v58+s29+$0x0] =	vst.idx.msk $0xffff, v57;
	v57 =	vor.u32 v15, v42  }
0xe4: {  	[tilespmem:v62+s29+$0x0] =	vst.idx.msk $0xffff, v61;
	v34 =	vld [tilespmem:s6+$0xF0]  }
0xe5: {  	v58 =	vld [tilespmem:s6+$0x20];
	[tilespmem:v60+s29+$0x0] =	vst.idx.msk $0xffff, v59;
	v59 =	vor.u32 v19, v44  }
0xe6: {  	v61 =	vor.u32 v23, v38;
	[tilespmem:v55+s29+$0x0] =	vst.idx.msk $0xffff, v41;
	v60 =	vld [tilespmem:s6+$0x60]  }
0xe7: {  	[tilespmem:v53+s29+$0x0] =	vst.idx.msk $0xffff, v63;
	v63 =	vor.u32 v27, v35;
	v62 =	vld [tilespmem:s6+$0xA0]  }
0xe8: {  	v47 =	vor.u32 v8, v47;
	v55 =	vld [tilespmem:s6+$0xFFFFFF70];
	[tilespmem:v57+s29+$0x0] =	vst.idx.msk $0xffff, v56  }
0xe9: {  	v53 =	vld [tilespmem:s6+$0xFFFFFF20];
	[tilespmem:v54+s29+$0x0] =	vst.idx.msk $0xffff, v34;
	v54 =	vor.u32 v3, v45  }
0xea: {  	v40 =	vor.u32 v12, v40;
	v56 =	vld [tilespmem:s6+$0xFFFFFFB0];
	[tilespmem:v59+s29+$0x0] =	vst.idx.msk $0xffff, v58  }
0xeb: {  	v42 =	vor.u32 v16, v42;
	v57 =	vld [tilespmem:s6+$0xFFFFFFF0];
	[tilespmem:v61+s29+$0x0] =	vst.idx.msk $0xffff, v60  }
0xec: {  	v59 =	vor.u32 v20, v44;
	v58 =	vld [tilespmem:s6+$0x30];
	[tilespmem:v63+s29+$0x0] =	vst.idx.msk $0xffff, v62  }
0xed: {  	v38 =	vor.u32 v24, v38;
	v60 =	vld [tilespmem:s6+$0x70];
	[tilespmem:v47+s29+$0x0] =	vst.idx.msk $0xffff, v55  }
0xee: {  	v35 =	vor.u32 v28, v35;
	v61 =	vld [tilespmem:s6+$0xB0];
	[tilespmem:v54+s29+$0x0] =	vst.idx.msk $0xffff, v53  }
0xef: {  	v63 =	vor.u32 v4, v45;
	[tilespmem:v40+s29+$0x0] =	vst.idx.msk $0xffff, v56;
	v62 =	vld [tilespmem:s6+$0xFFFFFF30]  }
0xf0: {  	s26 =	sshll.u32 s22, $0x15;
	p2 =	sne.s32 s22, $0x19;
	[tilespmem:v42+s29+$0x0] =	vst.idx.msk $0xffff, v57  }
.Ltmp5:
0xf1: {  	[tilespmem:v59+s29+$0x0] =	vst.idx.msk $0xffff, v58;
	s6 =	sor.u32 s9, s26;
	(pc) =	sbr.rel @p2 .LBB2_7-.Ltmp5, $4  }
0xf2: {  	[tilespmem:v38+s29+$0x0] =	vst.idx.msk $0xffff, v60;
	s6 =	sadd.s32 $0xFFF00000, s6  }
0xf3: {  	[tilespmem:v35+s29+$0x0] =	vst.idx.msk $0xffff, v61;
	s23 =	sshrl.u32 s6, $0x3  }
0xf4: {  	s26 =	sor.u32 $0x1, s24;
	s6 =	sadd.s32 s1, s23;
	[tilespmem:v63+s29+$0x0] =	vst.idx.msk $0xffff, v62  }
0xf5: {  	[hbm4b:s6+s30] =	stream.strided.scatter [tilespmem:s29], [sflag:$0x11], $0x2000, s31, s30, $0x38;
	[tilespmem:$0x18400] =	vst v63  }
.Ltmp6:
0xf6: {  	(pc) =	sbr.rel .LBB2_8-.Ltmp6, $4  }
0xf7: {  	_ = 	snop  }
0xf8: {  	_ =	swait.ge [sflag:s0], $0x2000  }
0xf9: {  	[sflag:s0] =	ssyncset.done $0x0  }
0xfa: {  	[sflag:s0] =	ssyncadd.s32 $0xFFFFE000  }
.LBB2_7:
0xfb: {  	s6 =	sshll.u32 s26, $0xE;
	s7 =	rddreg [dreg:$0x3]  }
0xfc: {  	s6 =	sor.u32 s7, s6  }
0xfd: {  	s6 =	sshrl.u32 s6, $0x3  }
.Ltmp7:
0xfe: {  	s6 =	sadd.s32 s4, s6;
	(pc) =	sbr.rel @p1 .LBB2_9-.Ltmp7, $4  }
0xff: {  	[tilespmem:s28], [sflag:$0x5] =	stream.linear.gather [hbm4b:s6+s3], $0x80, $0x38;
	[tilespmem:$0x18400] =	vst v63  }
0x100: {  	_ =	swait.ge [sflag:s0], $0x2000  }
0x101: {  	[sflag:s0] =	ssyncset.done $0x0  }
0x102: {  	[sflag:s0] =	ssyncadd.s32 $0xFFFFE000  }
.LBB2_8:
0x103: {  	_ =	swait.ge [sflag:s2], $0x2000  }
0x104: {  	[sflag:s2] =	ssyncset.done $0x0  }
0x105: {  	[sflag:s2] =	ssyncadd.s32 $0xFFFFE000  }
.LBB2_9:
0x106: {  	s6 =	simm.s32 $0x0;
	s20 =	simm.s32 $0x1;
	s7 =	simm.s32 $0x2  }
0x107: {  	s28 =	simm.s32 $0x3;
	v33 =	vmov s6;
	v34 =	vmov s20;
	v35 =	vmov s7;
	s7 =	simm.s32 $0x4  }
0x108: {  	s20 =	simm.s32 $0x7;
	v36 =	vmov s28;
	s28 =	simm.s32 $0x5;
	v33 =	vshrl.u32 v33, $0x3;
	v37 =	vmov s7  }
0x109: {  	v38 =	vmov s20;
	v39 =	vmov s28;
	v34 =	vshrl.u32 v34, $0x3  }
0x10a: {  	s7 =	simm.s32 $0x6;
	v35 =	vshrl.u32 v35, $0x3;
	v36 =	vshrl.u32 v36, $0x3;
	v33 =	vshll.u32 v33, v1  }
0x10b: {  	v38 =	vshrl.u32 v38, $0x3;
	v40 =	vmov s7;
	v37 =	vshrl.u32 v37, $0x3  }
0x10c: {  	v34 =	vshll.u32 v34, v1;
	v52 =	vshll.u32 v35, v1;
	v33 =	vbroadcast v33, $0x0  }
0x10d: {  	s6 =	simm.s32 $0xA500;
	v53 =	vshll.u32 v36, v1;
	v38 =	vshll.u32 v38, v1;
	v45 =	vbroadcast v34, $0x0  }
0x10e: {  	v43 =	vld [tilespmem:s6+$0xFFFFFF00];
	v55 =	vshrl.u32 v39, $0x3;
	v38 =	vbroadcast v38, $0x0;
	v44 =	vor.u32 v0, v33  }
0x10f: {  	v46 =	vld [tilespmem:s6+$0xFFFFFF40];
	v52 =	vbroadcast v52, $0x0;
	v35 =	vbroadcast v53, $0x0;
	v47 =	vor.u32 v5, v45  }
0x110: {  	v41 =	vld [tilespmem:s6+$0xC0];
	v54 =	vshll.u32 v37, v1;
	v36 =	vshll.u32 v55, v1;
	v42 =	vor.u32 v29, v38  }
0x111: {  	v48 =	vld [tilespmem:s6+$0xFFFFFF80];
	v40 =	vshrl.u32 v40, $0x3;
	v34 =	vbroadcast v54, $0x0;
	v49 =	vor.u32 v9, v52  }
0x112: {  	v39 =	vld [tilespmem:s6+$0xFFFFFFC0];
	v37 =	vbroadcast v36, $0x0;
	v56 =	vshll.u32 v40, v1;
	v50 =	vor.u32 v13, v35  }
0x113: {  	v51 =	vld [tilespmem:s6+$0x0];
	v36 =	vbroadcast v56, $0x0;
	v53 =	vor.u32 v17, v34;
	[tilespmem:v44+s25+$0x0] =	vst.idx.msk $0xffff, v43  }
0x114: {  	v59 =	vld [tilespmem:s6+$0x40];
	v60 =	vor.u32 v21, v37;
	[tilespmem:v47+s25+$0x0] =	vst.idx.msk $0xffff, v46  }
0x115: {  	v61 =	vld [tilespmem:s6+$0x80];
	v62 =	vor.u32 v25, v36;
	[tilespmem:v42+s25+$0x0] =	vst.idx.msk $0xffff, v41  }
0x116: {  	v58 =	vor.u32 v30, v38;
	[tilespmem:v49+s25+$0x0] =	vst.idx.msk $0xffff, v48;
	v57 =	vld [tilespmem:s6+$0xD0]  }
0x117: {  	v63 =	vor.u32 v6, v45;
	[tilespmem:v50+s25+$0x0] =	vst.idx.msk $0xffff, v39;
	v47 =	vld [tilespmem:s6+$0xFFFFFF50]  }
0x118: {  	v55 =	vor.u32 v10, v52;
	v54 =	vld [tilespmem:s6+$0xFFFFFF90];
	[tilespmem:v53+s25+$0x0] =	vst.idx.msk $0xffff, v51  }
0x119: {  	v56 =	vor.u32 v14, v35;
	v50 =	vld [tilespmem:s6+$0xFFFFFFD0];
	[tilespmem:v60+s25+$0x0] =	vst.idx.msk $0xffff, v59  }
0x11a: {  	v46 =	vor.u32 v22, v37;
	[tilespmem:v62+s25+$0x0] =	vst.idx.msk $0xffff, v61;
	v44 =	vld [tilespmem:s6+$0x50]  }
0x11b: {  	v59 =	vor.u32 v18, v34;
	[tilespmem:v58+s25+$0x0] =	vst.idx.msk $0xffff, v57;
	v58 =	vld [tilespmem:s6+$0x10]  }
0x11c: {  	[tilespmem:v63+s25+$0x0] =	vst.idx.msk $0xffff, v47;
	v57 =	vor.u32 v31, v38;
	v40 =	vld [tilespmem:s6+$0xE0]  }
0x11d: {  	v61 =	vld [tilespmem:s6+$0xFFFFFF10];
	v62 =	vor.u32 v2, v33;
	[tilespmem:v55+s25+$0x0] =	vst.idx.msk $0xffff, v54  }
0x11e: {  	v60 =	vor.u32 v26, v36;
	v63 =	vld [tilespmem:s6+$0x90];
	[tilespmem:v56+s25+$0x0] =	vst.idx.msk $0xffff, v50  }
0x11f: {  	v51 =	vor.u32 v7, v45;
	v50 =	vld [tilespmem:s6+$0xFFFFFF60];
	[tilespmem:v46+s25+$0x0] =	vst.idx.msk $0xffff, v44  }
0x120: {  	v56 =	vor.u32 v11, v52;
	v55 =	vld [tilespmem:s6+$0xFFFFFFA0];
	[tilespmem:v59+s25+$0x0] =	vst.idx.msk $0xffff, v58  }
0x121: {  	v58 =	vor.u32 v15, v35;
	[tilespmem:v57+s25+$0x0] =	vst.idx.msk $0xffff, v40;
	v57 =	vld [tilespmem:s6+$0xFFFFFFE0]  }
0x122: {  	v38 =	vor.u32 v32, v38;
	[tilespmem:v62+s25+$0x0] =	vst.idx.msk $0xffff, v61;
	v54 =	vld [tilespmem:s6+$0xF0]  }
0x123: {  	[tilespmem:v60+s25+$0x0] =	vst.idx.msk $0xffff, v63;
	v60 =	vor.u32 v19, v34;
	v59 =	vld [tilespmem:s6+$0x20]  }
0x124: {  	s20 =	simm.s32 $0x8;
	s28 =	simm.s32 $0x9;
	v43 =	vor.u32 v27, v36;
	v41 =	vor.u32 v23, v37;
	[tilespmem:v51+s25+$0x0] =	vst.idx.msk $0xffff, v50;
	v40 =	vld [tilespmem:s6+$0x60]  }
0x125: {  	v48 =	vor.u32 v3, v33;
	v53 =	vmov s28;
	s28 =	simm.s32 $0xB;
	v63 =	vmov s20;
	v42 =	vld [tilespmem:s6+$0xA0];
	[tilespmem:v56+s25+$0x0] =	vst.idx.msk $0xffff, v55  }
0x126: {  	v52 =	vor.u32 v12, v52;
	v44 =	vmov s28;
	s28 =	simm.s32 $0xD;
	v46 =	vld [tilespmem:s6+$0xFFFFFF20];
	s20 =	simm.s32 $0xA;
	v39 =	vshrl.u32 v63, $0x3;
	[tilespmem:v58+s25+$0x0] =	vst.idx.msk $0xffff, v57  }
0x127: {  	v51 =	vor.u32 v8, v45;
	v49 =	vld [tilespmem:s6+$0xFFFFFF70];
	[tilespmem:v38+s25+$0x0] =	vst.idx.msk $0xffff, v54;
	v54 =	vmov s20;
	s20 =	simm.s32 $0xC;
	v38 =	vmov s28;
	s28 =	simm.s32 $0xE  }
0x128: {  	s7 =	simm.s32 $0x10;
	v45 =	vshll.u32 v39, v1;
	v50 =	vld [tilespmem:s6+$0xFFFFFFB0];
	[tilespmem:v60+s25+$0x0] =	vst.idx.msk $0xffff, v59;
	v47 =	vmov s20;
	v39 =	vmov s28;
	s20 =	simm.s32 $0xF  }
.LBB2_10:
0x129: {  	p3 =	slt.u32 s7, $0x78;
	v53 =	vshrl.u32 v53, $0x3;
	v55 =	vmov s20;
	v56 =	vld [tilespmem:s6+$0xFFFFFFF0];
	v35 =	vor.u32 v16, v35;
	[tilespmem:v41+s25+$0x0] =	vst.idx.msk $0xffff, v40  }
0x12a: {  	v40 =	vshrl.u32 v54, $0x3;
	v34 =	vor.u32 v20, v34;
	v41 =	vshrl.u32 v55, $0x3;
	v54 =	vld [tilespmem:s6+$0x30];
	[tilespmem:v43+s25+$0x0] =	vst.idx.msk $0xffff, v42  }
0x12b: {  	v37 =	vor.u32 v24, v37;
	v42 =	vshrl.u32 v44, $0x3;
	v41 =	vshll.u32 v41, v1;
	[tilespmem:v48+s25+$0x0] =	vst.idx.msk $0xffff, v46;
	v43 =	vld [tilespmem:s6+$0x70]  }
0x12c: {  	v36 =	vor.u32 v28, v36;
	v44 =	vshrl.u32 v47, $0x3;
	v41 =	vbroadcast v41, $0x0;
	[tilespmem:v51+s25+$0x0] =	vst.idx.msk $0xffff, v49;
	v46 =	vld [tilespmem:s6+$0xB0]  }
0x12d: {  	v47 =	vshll.u32 v53, v1;
	v49 =	vor.u32 v4, v33;
	v33 =	vbroadcast v45, $0x0;
	v48 =	vld [tilespmem:s6+$0xFFFFFF30];
	[tilespmem:v52+s25+$0x0] =	vst.idx.msk $0xffff, v50;
	s6 =	sadd.s32 $0x200, s6  }
0x12e: {  	v40 =	vshll.u32 v40, v1;
	v45 =	vbroadcast v47, $0x0;
	v47 =	vld [tilespmem:s6+$0xC0];
	v50 =	vor.u32 v29, v41;
	[tilespmem:v35+s25+$0x0] =	vst.idx.msk $0xffff, v56  }
0x12f: {  	v55 =	vbroadcast v40, $0x0;
	v52 =	vor.u32 v0, v33;
	v35 =	vshll.u32 v42, v1;
	v51 =	vld [tilespmem:s6+$0xFFFFFF00];
	[tilespmem:v34+s25+$0x0] =	vst.idx.msk $0xffff, v54  }
0x130: {  	v42 =	vor.u32 v5, v45;
	v35 =	vbroadcast v35, $0x0;
	v34 =	vshll.u32 v44, v1;
	v40 =	vld [tilespmem:s6+$0xFFFFFF40];
	[tilespmem:v37+s25+$0x0] =	vst.idx.msk $0xffff, v43  }
0x131: {  	v44 =	vor.u32 v9, v55;
	v34 =	vbroadcast v34, $0x0;
	v37 =	vshrl.u32 v38, $0x3;
	v43 =	vld [tilespmem:s6+$0xFFFFFF80];
	[tilespmem:v36+s25+$0x0] =	vst.idx.msk $0xffff, v46  }
0x132: {  	v39 =	vshrl.u32 v39, $0x3;
	v46 =	vor.u32 v13, v35;
	v36 =	vshll.u32 v37, v1;
	v38 =	vld [tilespmem:s6+$0xFFFFFFC0];
	[tilespmem:v49+s25+$0x0] =	vst.idx.msk $0xffff, v48  }
0x133: {  	v49 =	vor.u32 v17, v34;
	v37 =	vbroadcast v36, $0x0;
	v36 =	vshll.u32 v39, v1;
	v48 =	vld [tilespmem:s6+$0x0];
	[tilespmem:v50+s25+$0x0] =	vst.idx.msk $0xffff, v47  }
0x134: {  	v36 =	vbroadcast v36, $0x0;
	v47 =	vor.u32 v30, v41;
	[tilespmem:v52+s25+$0x0] =	vst.idx.msk $0xffff, v51;
	v39 =	vld [tilespmem:s6+$0xD0]  }
0x135: {  	[tilespmem:v42+s25+$0x0] =	vst.idx.msk $0xffff, v40;
	v40 =	vld [tilespmem:s6+$0x40];
	v42 =	vor.u32 v21, v37  }
0x136: {  	[tilespmem:v44+s25+$0x0] =	vst.idx.msk $0xffff, v43;
	v43 =	vld [tilespmem:s6+$0x80];
	v44 =	vor.u32 v25, v36  }
0x137: {  	v51 =	vor.u32 v6, v45;
	v50 =	vld [tilespmem:s6+$0xFFFFFF50];
	[tilespmem:v46+s25+$0x0] =	vst.idx.msk $0xffff, v38  }
0x138: {  	v46 =	vor.u32 v10, v55;
	v38 =	vld [tilespmem:s6+$0xFFFFFF90];
	[tilespmem:v49+s25+$0x0] =	vst.idx.msk $0xffff, v48  }
0x139: {  	v49 =	vor.u32 v14, v35;
	v48 =	vld [tilespmem:s6+$0xFFFFFFD0];
	[tilespmem:v47+s25+$0x0] =	vst.idx.msk $0xffff, v39  }
0x13a: {  	[tilespmem:v42+s25+$0x0] =	vst.idx.msk $0xffff, v40;
	v39 =	vld [tilespmem:s6+$0xE0];
	v40 =	vor.u32 v31, v41  }
0x13b: {  	v47 =	vor.u32 v18, v34;
	v42 =	vld [tilespmem:s6+$0x10];
	[tilespmem:v44+s25+$0x0] =	vst.idx.msk $0xffff, v43  }
0x13c: {  	v44 =	vor.u32 v22, v37;
	[tilespmem:v51+s25+$0x0] =	vst.idx.msk $0xffff, v50;
	v43 =	vld [tilespmem:s6+$0x50]  }
0x13d: {  	[tilespmem:v46+s25+$0x0] =	vst.idx.msk $0xffff, v38;
	v38 =	vld [tilespmem:s6+$0x90];
	v46 =	vor.u32 v26, v36  }
0x13e: {  	v51 =	vor.u32 v2, v33;
	v50 =	vld [tilespmem:s6+$0xFFFFFF10];
	[tilespmem:v49+s25+$0x0] =	vst.idx.msk $0xffff, v48  }
0x13f: {  	v49 =	vor.u32 v7, v45;
	v48 =	vld [tilespmem:s6+$0xFFFFFF60];
	[tilespmem:v40+s25+$0x0] =	vst.idx.msk $0xffff, v39  }
0x140: {  	[tilespmem:v47+s25+$0x0] =	vst.idx.msk $0xffff, v42;
	v39 =	vld [tilespmem:s6+$0xF0];
	v47 =	vor.u32 v32, v41  }
0x141: {  	v56 =	vor.u32 v11, v55;
	v52 =	vld [tilespmem:s6+$0xFFFFFFA0];
	[tilespmem:v44+s25+$0x0] =	vst.idx.msk $0xffff, v43  }
0x142: {  	v58 =	vor.u32 v15, v35;
	v57 =	vld [tilespmem:s6+$0xFFFFFFE0];
	[tilespmem:v46+s25+$0x0] =	vst.idx.msk $0xffff, v38  }
0x143: {  	v60 =	vor.u32 v19, v34;
	[tilespmem:v51+s25+$0x0] =	vst.idx.msk $0xffff, v50;
	v59 =	vld [tilespmem:s6+$0x20]  }
.Ltmp8:
0x144: {  	s20 =	sadd.s32 $0x1, s7;
	v41 =	vor.u32 v23, v37;
	v38 =	vmov s7;
	[tilespmem:v49+s25+$0x0] =	vst.idx.msk $0xffff, v48;
	v40 =	vld [tilespmem:s6+$0x60];
	(pc) =	sbr.rel @p3 .LBB2_10-.Ltmp8, $4  }
0x145: {  	s28 =	sadd.s32 $0x3, s7;
	v53 =	vmov s20;
	s20 =	sadd.s32 $0x2, s7;
	v43 =	vor.u32 v27, v36;
	v50 =	vshrl.u32 v38, $0x3;
	v42 =	vld [tilespmem:s6+$0xA0];
	[tilespmem:v47+s25+$0x0] =	vst.idx.msk $0xffff, v39  }
0x146: {  	v54 =	vmov s20;
	s20 =	sadd.s32 $0x4, s7;
	v44 =	vmov s28;
	s28 =	sadd.s32 $0x5, s7;
	v48 =	vor.u32 v3, v33;
	v46 =	vld [tilespmem:s6+$0xFFFFFF20];
	[tilespmem:v56+s25+$0x0] =	vst.idx.msk $0xffff, v52  }
0x147: {  	v38 =	vmov s28;
	v51 =	vor.u32 v8, v45;
	v47 =	vmov s20;
	s20 =	sadd.s32 $0x6, s7;
	v49 =	vld [tilespmem:s6+$0xFFFFFF70];
	[tilespmem:v58+s25+$0x0] =	vst.idx.msk $0xffff, v57  }
0x148: {  	v45 =	vshll.u32 v50, v1;
	v39 =	vmov s20;
	s20 =	sadd.s32 $0x7, s7;
	s7 =	sadd.s32 $0x8, s7;
	v52 =	vor.u32 v12, v55;
	v50 =	vld [tilespmem:s6+$0xFFFFFFB0];
	[tilespmem:v60+s25+$0x0] =	vst.idx.msk $0xffff, v59  }
0x149: {  	_ =	sdelay $0x2  }
0x14a: {  	v53 =	vshrl.u32 v53, $0x3  }
0x14b: {  	v55 =	vmov s20;
	v56 =	vld [tilespmem:s6+$0xFFFFFFF0];
	v35 =	vor.u32 v16, v35;
	[tilespmem:v41+s25+$0x0] =	vst.idx.msk $0xffff, v40;
	v57 =	vshrl.u32 v54, $0x3  }
0x14c: {  	v59 =	vld [tilespmem:s6+$0x30];
	v34 =	vor.u32 v20, v34;
	v60 =	vshrl.u32 v44, $0x3;
	v58 =	vshrl.u32 v55, $0x3;
	[tilespmem:v43+s25+$0x0] =	vst.idx.msk $0xffff, v42  }
0x14d: {  	v37 =	vor.u32 v24, v37;
	v62 =	vshrl.u32 v47, $0x3;
	v61 =	vld [tilespmem:s6+$0x70];
	v41 =	vshll.u32 v58, v1;
	[tilespmem:v48+s25+$0x0] =	vst.idx.msk $0xffff, v46  }
0x14e: {  	v36 =	vor.u32 v28, v36;
	v45 =	vbroadcast v45, $0x0;
	v63 =	vld [tilespmem:s6+$0xB0];
	v41 =	vbroadcast v41, $0x0;
	[tilespmem:v51+s25+$0x0] =	vst.idx.msk $0xffff, v49  }
0x14f: {  	v33 =	vor.u32 v4, v33;
	s20 =	sadd.s32 $0x200, s6;
	v38 =	vshrl.u32 v38, $0x3;
	v55 =	vshll.u32 v53, v1;
	v48 =	vld [tilespmem:s6+$0xFFFFFF30];
	[tilespmem:v52+s25+$0x0] =	vst.idx.msk $0xffff, v50  }
0x150: {  	v40 =	vshll.u32 v57, v1;
	v47 =	vbroadcast v55, $0x0;
	v49 =	vld [tilespmem:s20+$0xC0];
	v50 =	vor.u32 v29, v41;
	[tilespmem:v35+s25+$0x0] =	vst.idx.msk $0xffff, v56  }
0x151: {  	v42 =	vshll.u32 v60, v1;
	v40 =	vbroadcast v40, $0x0;
	v35 =	vld [tilespmem:s20+$0xFFFFFF00];
	v56 =	vor.u32 v0, v45;
	[tilespmem:v34+s25+$0x0] =	vst.idx.msk $0xffff, v59  }
0x152: {  	v57 =	vld [tilespmem:s20+$0xFFFFFF40];
	v44 =	vshll.u32 v62, v1;
	v42 =	vbroadcast v42, $0x0;
	v58 =	vor.u32 v5, v47;
	[tilespmem:v37+s25+$0x0] =	vst.idx.msk $0xffff, v61  }
0x153: {  	v38 =	vshll.u32 v38, v1;
	v44 =	vbroadcast v44, $0x0;
	v60 =	vor.u32 v9, v40;
	v59 =	vld [tilespmem:s20+$0xFFFFFF80];
	[tilespmem:v36+s25+$0x0] =	vst.idx.msk $0xffff, v63  }
0x154: {  	v38 =	vbroadcast v38, $0x0;
	v62 =	vor.u32 v13, v42;
	v61 =	vld [tilespmem:s20+$0xFFFFFFC0];
	[tilespmem:v33+s25+$0x0] =	vst.idx.msk $0xffff, v48  }
0x155: {  	v39 =	vshrl.u32 v39, $0x3;
	v63 =	vor.u32 v17, v44;
	v33 =	vld [tilespmem:s20+$0x0];
	[tilespmem:v50+s25+$0x0] =	vst.idx.msk $0xffff, v49  }
0x156: {  	v39 =	vshll.u32 v39, v1;
	v34 =	vld [tilespmem:s20+$0x40];
	[tilespmem:v56+s25+$0x0] =	vst.idx.msk $0xffff, v35;
	v56 =	vor.u32 v21, v38  }
0x157: {  	[tilespmem:v58+s25+$0x0] =	vst.idx.msk $0xffff, v57;
	v35 =	vbroadcast v39, $0x0;
	v49 =	vor.u32 v30, v41;
	v39 =	vld [tilespmem:s20+$0xD0]  }
0x158: {  	[tilespmem:v60+s25+$0x0] =	vst.idx.msk $0xffff, v59;
	v59 =	vld [tilespmem:s20+$0xFFFFFF50];
	v60 =	vor.u32 v6, v47  }
0x159: {  	v57 =	vld [tilespmem:s20+$0x80];
	[tilespmem:v62+s25+$0x0] =	vst.idx.msk $0xffff, v61;
	v58 =	vor.u32 v25, v35  }
0x15a: {  	v61 =	vld [tilespmem:s20+$0xFFFFFF90];
	v62 =	vor.u32 v10, v40;
	[tilespmem:v63+s25+$0x0] =	vst.idx.msk $0xffff, v33  }
0x15b: {  	v33 =	vld [tilespmem:s20+$0xFFFFFFD0];
	v63 =	vor.u32 v14, v42;
	[tilespmem:v56+s25+$0x0] =	vst.idx.msk $0xffff, v34  }
0x15c: {  	v56 =	vor.u32 v18, v44;
	[tilespmem:v49+s25+$0x0] =	vst.idx.msk $0xffff, v39;
	v49 =	vld [tilespmem:s20+$0x10]  }
0x15d: {  	[tilespmem:v60+s25+$0x0] =	vst.idx.msk $0xffff, v59;
	v39 =	vor.u32 v31, v41;
	v34 =	vld [tilespmem:s20+$0xE0]  }
0x15e: {  	[tilespmem:v58+s25+$0x0] =	vst.idx.msk $0xffff, v57;
	v57 =	vld [tilespmem:s20+$0x50];
	v58 =	vor.u32 v22, v38  }
0x15f: {  	[tilespmem:v62+s25+$0x0] =	vst.idx.msk $0xffff, v61;
	v61 =	vld [tilespmem:s20+$0xFFFFFF10];
	v62 =	vor.u32 v2, v45  }
0x160: {  	v60 =	vor.u32 v26, v35;
	v59 =	vld [tilespmem:s20+$0x90];
	[tilespmem:v63+s25+$0x0] =	vst.idx.msk $0xffff, v33  }
0x161: {  	v55 =	vor.u32 v11, v40;
	v54 =	vor.u32 v32, v41;
	v41 =	vld [tilespmem:s20+$0xFFFFFFA0];
	[tilespmem:v56+s25+$0x0] =	vst.idx.msk $0xffff, v49  }
0x162: {  	v53 =	vor.u32 v7, v47;
	v63 =	vld [tilespmem:s20+$0xFFFFFF60];
	[tilespmem:v39+s25+$0x0] =	vst.idx.msk $0xffff, v34  }
0x163: {  	v56 =	vld [tilespmem:s20+$0xFFFFFFE0];
	[tilespmem:v58+s25+$0x0] =	vst.idx.msk $0xffff, v57;
	v57 =	vor.u32 v15, v42  }
0x164: {  	[tilespmem:v62+s25+$0x0] =	vst.idx.msk $0xffff, v61;
	v34 =	vld [tilespmem:s20+$0xF0]  }
0x165: {  	v58 =	vld [tilespmem:s20+$0x20];
	[tilespmem:v60+s25+$0x0] =	vst.idx.msk $0xffff, v59;
	v59 =	vor.u32 v19, v44  }
0x166: {  	v61 =	vor.u32 v23, v38;
	[tilespmem:v55+s25+$0x0] =	vst.idx.msk $0xffff, v41;
	v60 =	vld [tilespmem:s20+$0x60]  }
0x167: {  	[tilespmem:v53+s25+$0x0] =	vst.idx.msk $0xffff, v63;
	v63 =	vor.u32 v27, v35;
	v62 =	vld [tilespmem:s20+$0xA0]  }
0x168: {  	v47 =	vor.u32 v8, v47;
	v55 =	vld [tilespmem:s20+$0xFFFFFF70];
	[tilespmem:v57+s25+$0x0] =	vst.idx.msk $0xffff, v56  }
0x169: {  	v53 =	vld [tilespmem:s20+$0xFFFFFF20];
	[tilespmem:v54+s25+$0x0] =	vst.idx.msk $0xffff, v34;
	v54 =	vor.u32 v3, v45  }
0x16a: {  	v40 =	vor.u32 v12, v40;
	v56 =	vld [tilespmem:s20+$0xFFFFFFB0];
	[tilespmem:v59+s25+$0x0] =	vst.idx.msk $0xffff, v58  }
0x16b: {  	v42 =	vor.u32 v16, v42;
	v57 =	vld [tilespmem:s20+$0xFFFFFFF0];
	[tilespmem:v61+s25+$0x0] =	vst.idx.msk $0xffff, v60  }
0x16c: {  	v59 =	vor.u32 v20, v44;
	v58 =	vld [tilespmem:s20+$0x30];
	[tilespmem:v63+s25+$0x0] =	vst.idx.msk $0xffff, v62  }
0x16d: {  	v38 =	vor.u32 v24, v38;
	v60 =	vld [tilespmem:s20+$0x70];
	[tilespmem:v47+s25+$0x0] =	vst.idx.msk $0xffff, v55  }
0x16e: {  	v35 =	vor.u32 v28, v35;
	v61 =	vld [tilespmem:s20+$0xB0];
	[tilespmem:v54+s25+$0x0] =	vst.idx.msk $0xffff, v53  }
0x16f: {  	v63 =	vor.u32 v4, v45;
	[tilespmem:v40+s25+$0x0] =	vst.idx.msk $0xffff, v56;
	v62 =	vld [tilespmem:s20+$0xFFFFFF30]  }
0x170: {  	[tilespmem:v42+s25+$0x0] =	vst.idx.msk $0xffff, v57  }
.Ltmp9:
0x171: {  	[tilespmem:v59+s25+$0x0] =	vst.idx.msk $0xffff, v58;
	(pc) =	sbr.rel @p2 .LBB2_13-.Ltmp9, $4  }
0x172: {  	[tilespmem:v38+s25+$0x0] =	vst.idx.msk $0xffff, v60  }
0x173: {  	s23 =	sadd.s32 s23, s1;
	[tilespmem:v35+s25+$0x0] =	vst.idx.msk $0xffff, v61  }
0x174: {  	s28 =	sadd.s32 $0x80, s23;
	[tilespmem:v63+s25+$0x0] =	vst.idx.msk $0xffff, v62  }
0x175: {  	[hbm4b:s28+s30] =	stream.strided.scatter [tilespmem:s25], [sflag:$0x12], $0x2000, s31, s30, $0x38;
	[tilespmem:$0x18400] =	vst v63  }
.Ltmp10:
0x176: {  	(pc) =	sbr.rel .LBB2_14-.Ltmp10, $4  }
0x177: {  	_ = 	snop  }
0x178: {  	_ =	swait.ge [sflag:s10], $0x2000  }
0x179: {  	[sflag:s10] =	ssyncset.done $0x0  }
0x17a: {  	[sflag:s10] =	ssyncadd.s32 $0xFFFFE000  }
.LBB2_13:
0x17b: {  	s6 =	sshll.u32 s26, $0xE;
	s7 =	rddreg [dreg:$0x5]  }
0x17c: {  	s6 =	sor.u32 s7, s6  }
0x17d: {  	s6 =	sshrl.u32 s6, $0x3  }
.Ltmp11:
0x17e: {  	s28 =	simm.s32 $0x280;
	s6 =	sadd.s32 s4, s6;
	(pc) =	sbr.rel @p1 .LBB2_15-.Ltmp11, $4  }
0x17f: {  	[tilespmem:s28], [sflag:$0x6] =	stream.linear.gather [hbm4b:s6+s3], $0x80, $0x38;
	[tilespmem:$0x18400] =	vst v63  }
0x180: {  	_ =	swait.ge [sflag:s10], $0x2000  }
0x181: {  	[sflag:s10] =	ssyncset.done $0x0  }
0x182: {  	[sflag:s10] =	ssyncadd.s32 $0xFFFFE000  }
.LBB2_14:
0x183: {  	_ =	swait.ge [sflag:s11], $0x2000  }
0x184: {  	[sflag:s11] =	ssyncset.done $0x0  }
0x185: {  	[sflag:s11] =	ssyncadd.s32 $0xFFFFE000  }
.LBB2_15:
0x186: {  	s6 =	simm.s32 $0x0;
	s20 =	simm.s32 $0x1;
	s7 =	simm.s32 $0x2  }
0x187: {  	s28 =	simm.s32 $0x3;
	v33 =	vmov s6;
	v34 =	vmov s20;
	v35 =	vmov s7;
	s7 =	simm.s32 $0x4  }
0x188: {  	s20 =	simm.s32 $0x7;
	v36 =	vmov s28;
	s28 =	simm.s32 $0x5;
	v33 =	vshrl.u32 v33, $0x3;
	v37 =	vmov s7  }
0x189: {  	v38 =	vmov s20;
	v39 =	vmov s28;
	v34 =	vshrl.u32 v34, $0x3  }
0x18a: {  	s7 =	simm.s32 $0x6;
	v35 =	vshrl.u32 v35, $0x3;
	v36 =	vshrl.u32 v36, $0x3;
	v33 =	vshll.u32 v33, v1  }
0x18b: {  	v38 =	vshrl.u32 v38, $0x3;
	v40 =	vmov s7;
	v37 =	vshrl.u32 v37, $0x3  }
0x18c: {  	v34 =	vshll.u32 v34, v1;
	v52 =	vshll.u32 v35, v1;
	v33 =	vbroadcast v33, $0x0  }
0x18d: {  	s6 =	simm.s32 $0xC500;
	v53 =	vshll.u32 v36, v1;
	v38 =	vshll.u32 v38, v1;
	v45 =	vbroadcast v34, $0x0  }
0x18e: {  	v43 =	vld [tilespmem:s6+$0xFFFFFF00];
	v55 =	vshrl.u32 v39, $0x3;
	v38 =	vbroadcast v38, $0x0;
	v44 =	vor.u32 v0, v33  }
0x18f: {  	v46 =	vld [tilespmem:s6+$0xFFFFFF40];
	v52 =	vbroadcast v52, $0x0;
	v35 =	vbroadcast v53, $0x0;
	v47 =	vor.u32 v5, v45  }
0x190: {  	v41 =	vld [tilespmem:s6+$0xC0];
	v54 =	vshll.u32 v37, v1;
	v36 =	vshll.u32 v55, v1;
	v42 =	vor.u32 v29, v38  }
0x191: {  	v48 =	vld [tilespmem:s6+$0xFFFFFF80];
	v40 =	vshrl.u32 v40, $0x3;
	v34 =	vbroadcast v54, $0x0;
	v49 =	vor.u32 v9, v52  }
0x192: {  	v39 =	vld [tilespmem:s6+$0xFFFFFFC0];
	v37 =	vbroadcast v36, $0x0;
	v56 =	vshll.u32 v40, v1;
	v50 =	vor.u32 v13, v35  }
0x193: {  	v51 =	vld [tilespmem:s6+$0x0];
	v36 =	vbroadcast v56, $0x0;
	v53 =	vor.u32 v17, v34;
	[tilespmem:v44+s14+$0x0] =	vst.idx.msk $0xffff, v43  }
0x194: {  	v59 =	vld [tilespmem:s6+$0x40];
	v60 =	vor.u32 v21, v37;
	[tilespmem:v47+s14+$0x0] =	vst.idx.msk $0xffff, v46  }
0x195: {  	v61 =	vld [tilespmem:s6+$0x80];
	v62 =	vor.u32 v25, v36;
	[tilespmem:v42+s14+$0x0] =	vst.idx.msk $0xffff, v41  }
0x196: {  	v58 =	vor.u32 v30, v38;
	[tilespmem:v49+s14+$0x0] =	vst.idx.msk $0xffff, v48;
	v57 =	vld [tilespmem:s6+$0xD0]  }
0x197: {  	v63 =	vor.u32 v6, v45;
	[tilespmem:v50+s14+$0x0] =	vst.idx.msk $0xffff, v39;
	v47 =	vld [tilespmem:s6+$0xFFFFFF50]  }
0x198: {  	v55 =	vor.u32 v10, v52;
	v54 =	vld [tilespmem:s6+$0xFFFFFF90];
	[tilespmem:v53+s14+$0x0] =	vst.idx.msk $0xffff, v51  }
0x199: {  	v56 =	vor.u32 v14, v35;
	v50 =	vld [tilespmem:s6+$0xFFFFFFD0];
	[tilespmem:v60+s14+$0x0] =	vst.idx.msk $0xffff, v59  }
0x19a: {  	v46 =	vor.u32 v22, v37;
	[tilespmem:v62+s14+$0x0] =	vst.idx.msk $0xffff, v61;
	v44 =	vld [tilespmem:s6+$0x50]  }
0x19b: {  	v59 =	vor.u32 v18, v34;
	[tilespmem:v58+s14+$0x0] =	vst.idx.msk $0xffff, v57;
	v58 =	vld [tilespmem:s6+$0x10]  }
0x19c: {  	[tilespmem:v63+s14+$0x0] =	vst.idx.msk $0xffff, v47;
	v57 =	vor.u32 v31, v38;
	v40 =	vld [tilespmem:s6+$0xE0]  }
0x19d: {  	v61 =	vld [tilespmem:s6+$0xFFFFFF10];
	v62 =	vor.u32 v2, v33;
	[tilespmem:v55+s14+$0x0] =	vst.idx.msk $0xffff, v54  }
0x19e: {  	v60 =	vor.u32 v26, v36;
	v63 =	vld [tilespmem:s6+$0x90];
	[tilespmem:v56+s14+$0x0] =	vst.idx.msk $0xffff, v50  }
0x19f: {  	v51 =	vor.u32 v7, v45;
	v50 =	vld [tilespmem:s6+$0xFFFFFF60];
	[tilespmem:v46+s14+$0x0] =	vst.idx.msk $0xffff, v44  }
0x1a0: {  	v56 =	vor.u32 v11, v52;
	v55 =	vld [tilespmem:s6+$0xFFFFFFA0];
	[tilespmem:v59+s14+$0x0] =	vst.idx.msk $0xffff, v58  }
0x1a1: {  	v58 =	vor.u32 v15, v35;
	[tilespmem:v57+s14+$0x0] =	vst.idx.msk $0xffff, v40;
	v57 =	vld [tilespmem:s6+$0xFFFFFFE0]  }
0x1a2: {  	v38 =	vor.u32 v32, v38;
	[tilespmem:v62+s14+$0x0] =	vst.idx.msk $0xffff, v61;
	v54 =	vld [tilespmem:s6+$0xF0]  }
0x1a3: {  	[tilespmem:v60+s14+$0x0] =	vst.idx.msk $0xffff, v63;
	v60 =	vor.u32 v19, v34;
	v59 =	vld [tilespmem:s6+$0x20]  }
0x1a4: {  	s20 =	simm.s32 $0x8;
	s28 =	simm.s32 $0x9;
	v43 =	vor.u32 v27, v36;
	v41 =	vor.u32 v23, v37;
	[tilespmem:v51+s14+$0x0] =	vst.idx.msk $0xffff, v50;
	v40 =	vld [tilespmem:s6+$0x60]  }
0x1a5: {  	v48 =	vor.u32 v3, v33;
	v53 =	vmov s28;
	s28 =	simm.s32 $0xB;
	v63 =	vmov s20;
	v42 =	vld [tilespmem:s6+$0xA0];
	[tilespmem:v56+s14+$0x0] =	vst.idx.msk $0xffff, v55  }
0x1a6: {  	v52 =	vor.u32 v12, v52;
	v44 =	vmov s28;
	s28 =	simm.s32 $0xD;
	v46 =	vld [tilespmem:s6+$0xFFFFFF20];
	s20 =	simm.s32 $0xA;
	v39 =	vshrl.u32 v63, $0x3;
	[tilespmem:v58+s14+$0x0] =	vst.idx.msk $0xffff, v57  }
0x1a7: {  	v51 =	vor.u32 v8, v45;
	v49 =	vld [tilespmem:s6+$0xFFFFFF70];
	[tilespmem:v38+s14+$0x0] =	vst.idx.msk $0xffff, v54;
	v54 =	vmov s20;
	s20 =	simm.s32 $0xC;
	v38 =	vmov s28;
	s28 =	simm.s32 $0xE  }
0x1a8: {  	s7 =	simm.s32 $0x10;
	v45 =	vshll.u32 v39, v1;
	v50 =	vld [tilespmem:s6+$0xFFFFFFB0];
	[tilespmem:v60+s14+$0x0] =	vst.idx.msk $0xffff, v59;
	v47 =	vmov s20;
	v39 =	vmov s28;
	s20 =	simm.s32 $0xF  }
.LBB2_16:
0x1a9: {  	p3 =	slt.u32 s7, $0x78;
	v53 =	vshrl.u32 v53, $0x3;
	v55 =	vmov s20;
	v56 =	vld [tilespmem:s6+$0xFFFFFFF0];
	v35 =	vor.u32 v16, v35;
	[tilespmem:v41+s14+$0x0] =	vst.idx.msk $0xffff, v40  }
0x1aa: {  	v40 =	vshrl.u32 v54, $0x3;
	v34 =	vor.u32 v20, v34;
	v41 =	vshrl.u32 v55, $0x3;
	v54 =	vld [tilespmem:s6+$0x30];
	[tilespmem:v43+s14+$0x0] =	vst.idx.msk $0xffff, v42  }
0x1ab: {  	v37 =	vor.u32 v24, v37;
	v42 =	vshrl.u32 v44, $0x3;
	v41 =	vshll.u32 v41, v1;
	[tilespmem:v48+s14+$0x0] =	vst.idx.msk $0xffff, v46;
	v43 =	vld [tilespmem:s6+$0x70]  }
0x1ac: {  	v36 =	vor.u32 v28, v36;
	v44 =	vshrl.u32 v47, $0x3;
	v41 =	vbroadcast v41, $0x0;
	[tilespmem:v51+s14+$0x0] =	vst.idx.msk $0xffff, v49;
	v46 =	vld [tilespmem:s6+$0xB0]  }
0x1ad: {  	v47 =	vshll.u32 v53, v1;
	v49 =	vor.u32 v4, v33;
	v33 =	vbroadcast v45, $0x0;
	v48 =	vld [tilespmem:s6+$0xFFFFFF30];
	[tilespmem:v52+s14+$0x0] =	vst.idx.msk $0xffff, v50;
	s6 =	sadd.s32 $0x200, s6  }
0x1ae: {  	v40 =	vshll.u32 v40, v1;
	v45 =	vbroadcast v47, $0x0;
	v47 =	vld [tilespmem:s6+$0xC0];
	v50 =	vor.u32 v29, v41;
	[tilespmem:v35+s14+$0x0] =	vst.idx.msk $0xffff, v56  }
0x1af: {  	v55 =	vbroadcast v40, $0x0;
	v52 =	vor.u32 v0, v33;
	v35 =	vshll.u32 v42, v1;
	v51 =	vld [tilespmem:s6+$0xFFFFFF00];
	[tilespmem:v34+s14+$0x0] =	vst.idx.msk $0xffff, v54  }
0x1b0: {  	v42 =	vor.u32 v5, v45;
	v35 =	vbroadcast v35, $0x0;
	v34 =	vshll.u32 v44, v1;
	v40 =	vld [tilespmem:s6+$0xFFFFFF40];
	[tilespmem:v37+s14+$0x0] =	vst.idx.msk $0xffff, v43  }
0x1b1: {  	v44 =	vor.u32 v9, v55;
	v34 =	vbroadcast v34, $0x0;
	v37 =	vshrl.u32 v38, $0x3;
	v43 =	vld [tilespmem:s6+$0xFFFFFF80];
	[tilespmem:v36+s14+$0x0] =	vst.idx.msk $0xffff, v46  }
0x1b2: {  	v39 =	vshrl.u32 v39, $0x3;
	v46 =	vor.u32 v13, v35;
	v36 =	vshll.u32 v37, v1;
	v38 =	vld [tilespmem:s6+$0xFFFFFFC0];
	[tilespmem:v49+s14+$0x0] =	vst.idx.msk $0xffff, v48  }
0x1b3: {  	v49 =	vor.u32 v17, v34;
	v37 =	vbroadcast v36, $0x0;
	v36 =	vshll.u32 v39, v1;
	v48 =	vld [tilespmem:s6+$0x0];
	[tilespmem:v50+s14+$0x0] =	vst.idx.msk $0xffff, v47  }
0x1b4: {  	v36 =	vbroadcast v36, $0x0;
	v47 =	vor.u32 v30, v41;
	[tilespmem:v52+s14+$0x0] =	vst.idx.msk $0xffff, v51;
	v39 =	vld [tilespmem:s6+$0xD0]  }
0x1b5: {  	[tilespmem:v42+s14+$0x0] =	vst.idx.msk $0xffff, v40;
	v40 =	vld [tilespmem:s6+$0x40];
	v42 =	vor.u32 v21, v37  }
0x1b6: {  	[tilespmem:v44+s14+$0x0] =	vst.idx.msk $0xffff, v43;
	v43 =	vld [tilespmem:s6+$0x80];
	v44 =	vor.u32 v25, v36  }
0x1b7: {  	v51 =	vor.u32 v6, v45;
	v50 =	vld [tilespmem:s6+$0xFFFFFF50];
	[tilespmem:v46+s14+$0x0] =	vst.idx.msk $0xffff, v38  }
0x1b8: {  	v46 =	vor.u32 v10, v55;
	v38 =	vld [tilespmem:s6+$0xFFFFFF90];
	[tilespmem:v49+s14+$0x0] =	vst.idx.msk $0xffff, v48  }
0x1b9: {  	v49 =	vor.u32 v14, v35;
	v48 =	vld [tilespmem:s6+$0xFFFFFFD0];
	[tilespmem:v47+s14+$0x0] =	vst.idx.msk $0xffff, v39  }
0x1ba: {  	[tilespmem:v42+s14+$0x0] =	vst.idx.msk $0xffff, v40;
	v39 =	vld [tilespmem:s6+$0xE0];
	v40 =	vor.u32 v31, v41  }
0x1bb: {  	v47 =	vor.u32 v18, v34;
	v42 =	vld [tilespmem:s6+$0x10];
	[tilespmem:v44+s14+$0x0] =	vst.idx.msk $0xffff, v43  }
0x1bc: {  	v44 =	vor.u32 v22, v37;
	[tilespmem:v51+s14+$0x0] =	vst.idx.msk $0xffff, v50;
	v43 =	vld [tilespmem:s6+$0x50]  }
0x1bd: {  	[tilespmem:v46+s14+$0x0] =	vst.idx.msk $0xffff, v38;
	v38 =	vld [tilespmem:s6+$0x90];
	v46 =	vor.u32 v26, v36  }
0x1be: {  	v51 =	vor.u32 v2, v33;
	v50 =	vld [tilespmem:s6+$0xFFFFFF10];
	[tilespmem:v49+s14+$0x0] =	vst.idx.msk $0xffff, v48  }
0x1bf: {  	v49 =	vor.u32 v7, v45;
	v48 =	vld [tilespmem:s6+$0xFFFFFF60];
	[tilespmem:v40+s14+$0x0] =	vst.idx.msk $0xffff, v39  }
0x1c0: {  	[tilespmem:v47+s14+$0x0] =	vst.idx.msk $0xffff, v42;
	v39 =	vld [tilespmem:s6+$0xF0];
	v47 =	vor.u32 v32, v41  }
0x1c1: {  	v56 =	vor.u32 v11, v55;
	v52 =	vld [tilespmem:s6+$0xFFFFFFA0];
	[tilespmem:v44+s14+$0x0] =	vst.idx.msk $0xffff, v43  }
0x1c2: {  	v58 =	vor.u32 v15, v35;
	v57 =	vld [tilespmem:s6+$0xFFFFFFE0];
	[tilespmem:v46+s14+$0x0] =	vst.idx.msk $0xffff, v38  }
0x1c3: {  	v60 =	vor.u32 v19, v34;
	[tilespmem:v51+s14+$0x0] =	vst.idx.msk $0xffff, v50;
	v59 =	vld [tilespmem:s6+$0x20]  }
.Ltmp12:
0x1c4: {  	s20 =	sadd.s32 $0x1, s7;
	v41 =	vor.u32 v23, v37;
	v38 =	vmov s7;
	[tilespmem:v49+s14+$0x0] =	vst.idx.msk $0xffff, v48;
	v40 =	vld [tilespmem:s6+$0x60];
	(pc) =	sbr.rel @p3 .LBB2_16-.Ltmp12, $4  }
0x1c5: {  	s28 =	sadd.s32 $0x3, s7;
	v53 =	vmov s20;
	s20 =	sadd.s32 $0x2, s7;
	v43 =	vor.u32 v27, v36;
	v50 =	vshrl.u32 v38, $0x3;
	v42 =	vld [tilespmem:s6+$0xA0];
	[tilespmem:v47+s14+$0x0] =	vst.idx.msk $0xffff, v39  }
0x1c6: {  	v54 =	vmov s20;
	s20 =	sadd.s32 $0x4, s7;
	v44 =	vmov s28;
	s28 =	sadd.s32 $0x5, s7;
	v48 =	vor.u32 v3, v33;
	v46 =	vld [tilespmem:s6+$0xFFFFFF20];
	[tilespmem:v56+s14+$0x0] =	vst.idx.msk $0xffff, v52  }
0x1c7: {  	v38 =	vmov s28;
	v51 =	vor.u32 v8, v45;
	v47 =	vmov s20;
	s20 =	sadd.s32 $0x6, s7;
	v49 =	vld [tilespmem:s6+$0xFFFFFF70];
	[tilespmem:v58+s14+$0x0] =	vst.idx.msk $0xffff, v57  }
0x1c8: {  	v45 =	vshll.u32 v50, v1;
	v39 =	vmov s20;
	s20 =	sadd.s32 $0x7, s7;
	s7 =	sadd.s32 $0x8, s7;
	v52 =	vor.u32 v12, v55;
	v50 =	vld [tilespmem:s6+$0xFFFFFFB0];
	[tilespmem:v60+s14+$0x0] =	vst.idx.msk $0xffff, v59  }
0x1c9: {  	_ =	sdelay $0x2  }
0x1ca: {  	v53 =	vshrl.u32 v53, $0x3  }
0x1cb: {  	v55 =	vmov s20;
	v56 =	vld [tilespmem:s6+$0xFFFFFFF0];
	v35 =	vor.u32 v16, v35;
	[tilespmem:v41+s14+$0x0] =	vst.idx.msk $0xffff, v40;
	v57 =	vshrl.u32 v54, $0x3  }
0x1cc: {  	v59 =	vld [tilespmem:s6+$0x30];
	v34 =	vor.u32 v20, v34;
	v60 =	vshrl.u32 v44, $0x3;
	v58 =	vshrl.u32 v55, $0x3;
	[tilespmem:v43+s14+$0x0] =	vst.idx.msk $0xffff, v42  }
0x1cd: {  	v37 =	vor.u32 v24, v37;
	v62 =	vshrl.u32 v47, $0x3;
	v61 =	vld [tilespmem:s6+$0x70];
	v41 =	vshll.u32 v58, v1;
	[tilespmem:v48+s14+$0x0] =	vst.idx.msk $0xffff, v46  }
0x1ce: {  	v36 =	vor.u32 v28, v36;
	v45 =	vbroadcast v45, $0x0;
	v63 =	vld [tilespmem:s6+$0xB0];
	v41 =	vbroadcast v41, $0x0;
	[tilespmem:v51+s14+$0x0] =	vst.idx.msk $0xffff, v49  }
0x1cf: {  	v33 =	vor.u32 v4, v33;
	s20 =	sadd.s32 $0x200, s6;
	v38 =	vshrl.u32 v38, $0x3;
	v55 =	vshll.u32 v53, v1;
	v48 =	vld [tilespmem:s6+$0xFFFFFF30];
	[tilespmem:v52+s14+$0x0] =	vst.idx.msk $0xffff, v50  }
0x1d0: {  	v40 =	vshll.u32 v57, v1;
	v47 =	vbroadcast v55, $0x0;
	v49 =	vld [tilespmem:s20+$0xC0];
	v50 =	vor.u32 v29, v41;
	[tilespmem:v35+s14+$0x0] =	vst.idx.msk $0xffff, v56  }
0x1d1: {  	v42 =	vshll.u32 v60, v1;
	v40 =	vbroadcast v40, $0x0;
	v35 =	vld [tilespmem:s20+$0xFFFFFF00];
	v56 =	vor.u32 v0, v45;
	[tilespmem:v34+s14+$0x0] =	vst.idx.msk $0xffff, v59  }
0x1d2: {  	v57 =	vld [tilespmem:s20+$0xFFFFFF40];
	v44 =	vshll.u32 v62, v1;
	v42 =	vbroadcast v42, $0x0;
	v58 =	vor.u32 v5, v47;
	[tilespmem:v37+s14+$0x0] =	vst.idx.msk $0xffff, v61  }
0x1d3: {  	v38 =	vshll.u32 v38, v1;
	v44 =	vbroadcast v44, $0x0;
	v60 =	vor.u32 v9, v40;
	v59 =	vld [tilespmem:s20+$0xFFFFFF80];
	[tilespmem:v36+s14+$0x0] =	vst.idx.msk $0xffff, v63  }
0x1d4: {  	v38 =	vbroadcast v38, $0x0;
	v62 =	vor.u32 v13, v42;
	v61 =	vld [tilespmem:s20+$0xFFFFFFC0];
	[tilespmem:v33+s14+$0x0] =	vst.idx.msk $0xffff, v48  }
0x1d5: {  	v39 =	vshrl.u32 v39, $0x3;
	v63 =	vor.u32 v17, v44;
	v33 =	vld [tilespmem:s20+$0x0];
	[tilespmem:v50+s14+$0x0] =	vst.idx.msk $0xffff, v49  }
0x1d6: {  	v39 =	vshll.u32 v39, v1;
	v34 =	vld [tilespmem:s20+$0x40];
	[tilespmem:v56+s14+$0x0] =	vst.idx.msk $0xffff, v35;
	v56 =	vor.u32 v21, v38  }
0x1d7: {  	[tilespmem:v58+s14+$0x0] =	vst.idx.msk $0xffff, v57;
	v35 =	vbroadcast v39, $0x0;
	v49 =	vor.u32 v30, v41;
	v39 =	vld [tilespmem:s20+$0xD0]  }
0x1d8: {  	[tilespmem:v60+s14+$0x0] =	vst.idx.msk $0xffff, v59;
	v59 =	vld [tilespmem:s20+$0xFFFFFF50];
	v60 =	vor.u32 v6, v47  }
0x1d9: {  	v57 =	vld [tilespmem:s20+$0x80];
	[tilespmem:v62+s14+$0x0] =	vst.idx.msk $0xffff, v61;
	v58 =	vor.u32 v25, v35  }
0x1da: {  	v61 =	vld [tilespmem:s20+$0xFFFFFF90];
	v62 =	vor.u32 v10, v40;
	[tilespmem:v63+s14+$0x0] =	vst.idx.msk $0xffff, v33  }
0x1db: {  	v33 =	vld [tilespmem:s20+$0xFFFFFFD0];
	v63 =	vor.u32 v14, v42;
	[tilespmem:v56+s14+$0x0] =	vst.idx.msk $0xffff, v34  }
0x1dc: {  	v56 =	vor.u32 v18, v44;
	[tilespmem:v49+s14+$0x0] =	vst.idx.msk $0xffff, v39;
	v49 =	vld [tilespmem:s20+$0x10]  }
0x1dd: {  	[tilespmem:v60+s14+$0x0] =	vst.idx.msk $0xffff, v59;
	v39 =	vor.u32 v31, v41;
	v34 =	vld [tilespmem:s20+$0xE0]  }
0x1de: {  	[tilespmem:v58+s14+$0x0] =	vst.idx.msk $0xffff, v57;
	v57 =	vld [tilespmem:s20+$0x50];
	v58 =	vor.u32 v22, v38  }
0x1df: {  	[tilespmem:v62+s14+$0x0] =	vst.idx.msk $0xffff, v61;
	v61 =	vld [tilespmem:s20+$0xFFFFFF10];
	v62 =	vor.u32 v2, v45  }
0x1e0: {  	v60 =	vor.u32 v26, v35;
	v59 =	vld [tilespmem:s20+$0x90];
	[tilespmem:v63+s14+$0x0] =	vst.idx.msk $0xffff, v33  }
0x1e1: {  	v55 =	vor.u32 v11, v40;
	v54 =	vor.u32 v32, v41;
	v41 =	vld [tilespmem:s20+$0xFFFFFFA0];
	[tilespmem:v56+s14+$0x0] =	vst.idx.msk $0xffff, v49  }
0x1e2: {  	v53 =	vor.u32 v7, v47;
	v63 =	vld [tilespmem:s20+$0xFFFFFF60];
	[tilespmem:v39+s14+$0x0] =	vst.idx.msk $0xffff, v34  }
0x1e3: {  	v56 =	vld [tilespmem:s20+$0xFFFFFFE0];
	[tilespmem:v58+s14+$0x0] =	vst.idx.msk $0xffff, v57;
	v57 =	vor.u32 v15, v42  }
0x1e4: {  	[tilespmem:v62+s14+$0x0] =	vst.idx.msk $0xffff, v61;
	v34 =	vld [tilespmem:s20+$0xF0]  }
0x1e5: {  	v58 =	vld [tilespmem:s20+$0x20];
	[tilespmem:v60+s14+$0x0] =	vst.idx.msk $0xffff, v59;
	v59 =	vor.u32 v19, v44  }
0x1e6: {  	v61 =	vor.u32 v23, v38;
	[tilespmem:v55+s14+$0x0] =	vst.idx.msk $0xffff, v41;
	v60 =	vld [tilespmem:s20+$0x60]  }
0x1e7: {  	[tilespmem:v53+s14+$0x0] =	vst.idx.msk $0xffff, v63;
	v63 =	vor.u32 v27, v35;
	v62 =	vld [tilespmem:s20+$0xA0]  }
0x1e8: {  	v47 =	vor.u32 v8, v47;
	v55 =	vld [tilespmem:s20+$0xFFFFFF70];
	[tilespmem:v57+s14+$0x0] =	vst.idx.msk $0xffff, v56  }
0x1e9: {  	v53 =	vld [tilespmem:s20+$0xFFFFFF20];
	[tilespmem:v54+s14+$0x0] =	vst.idx.msk $0xffff, v34;
	v54 =	vor.u32 v3, v45  }
0x1ea: {  	v40 =	vor.u32 v12, v40;
	v56 =	vld [tilespmem:s20+$0xFFFFFFB0];
	[tilespmem:v59+s14+$0x0] =	vst.idx.msk $0xffff, v58  }
0x1eb: {  	v42 =	vor.u32 v16, v42;
	v57 =	vld [tilespmem:s20+$0xFFFFFFF0];
	[tilespmem:v61+s14+$0x0] =	vst.idx.msk $0xffff, v60  }
0x1ec: {  	v59 =	vor.u32 v20, v44;
	v58 =	vld [tilespmem:s20+$0x30];
	[tilespmem:v63+s14+$0x0] =	vst.idx.msk $0xffff, v62  }
0x1ed: {  	v38 =	vor.u32 v24, v38;
	v60 =	vld [tilespmem:s20+$0x70];
	[tilespmem:v47+s14+$0x0] =	vst.idx.msk $0xffff, v55  }
0x1ee: {  	v35 =	vor.u32 v28, v35;
	v61 =	vld [tilespmem:s20+$0xB0];
	[tilespmem:v54+s14+$0x0] =	vst.idx.msk $0xffff, v53  }
0x1ef: {  	v63 =	vor.u32 v4, v45;
	[tilespmem:v40+s14+$0x0] =	vst.idx.msk $0xffff, v56;
	v62 =	vld [tilespmem:s20+$0xFFFFFF30]  }
0x1f0: {  	[tilespmem:v42+s14+$0x0] =	vst.idx.msk $0xffff, v57  }
.Ltmp13:
0x1f1: {  	[tilespmem:v59+s14+$0x0] =	vst.idx.msk $0xffff, v58;
	(pc) =	sbr.rel @p2 .LBB2_19-.Ltmp13, $4  }
0x1f2: {  	[tilespmem:v38+s14+$0x0] =	vst.idx.msk $0xffff, v60  }
0x1f3: {  	[tilespmem:v35+s14+$0x0] =	vst.idx.msk $0xffff, v61  }
0x1f4: {  	s28 =	sadd.s32 $0x100, s23;
	[tilespmem:v63+s14+$0x0] =	vst.idx.msk $0xffff, v62  }
0x1f5: {  	[hbm4b:s28+s30] =	stream.strided.scatter [tilespmem:s14], [sflag:$0x13], $0x2000, s31, s30, $0x38;
	[tilespmem:$0x18400] =	vst v63  }
.Ltmp14:
0x1f6: {  	(pc) =	sbr.rel .LBB2_20-.Ltmp14, $4  }
0x1f7: {  	_ = 	snop  }
0x1f8: {  	_ =	swait.ge [sflag:s15], $0x2000  }
0x1f9: {  	[sflag:s15] =	ssyncset.done $0x0  }
0x1fa: {  	[sflag:s15] =	ssyncadd.s32 $0xFFFFE000  }
.LBB2_19:
0x1fb: {  	s6 =	sshll.u32 s26, $0xE;
	s7 =	rddreg [dreg:$0x8]  }
0x1fc: {  	s6 =	sor.u32 s7, s6  }
0x1fd: {  	s6 =	sshrl.u32 s6, $0x3  }
.Ltmp15:
0x1fe: {  	s28 =	simm.s32 $0x300;
	s6 =	sadd.s32 s4, s6;
	(pc) =	sbr.rel @p1 .LBB2_21-.Ltmp15, $4  }
0x1ff: {  	[tilespmem:s28], [sflag:$0x7] =	stream.linear.gather [hbm4b:s6+s3], $0x80, $0x38;
	[tilespmem:$0x18400] =	vst v63  }
0x200: {  	_ =	swait.ge [sflag:s15], $0x2000  }
0x201: {  	[sflag:s15] =	ssyncset.done $0x0  }
0x202: {  	[sflag:s15] =	ssyncadd.s32 $0xFFFFE000  }
.LBB2_20:
0x203: {  	_ =	swait.ge [sflag:s16], $0x2000  }
0x204: {  	[sflag:s16] =	ssyncset.done $0x0  }
0x205: {  	[sflag:s16] =	ssyncadd.s32 $0xFFFFE000  }
.LBB2_21:
0x206: {  	s6 =	simm.s32 $0x0;
	s20 =	simm.s32 $0x1;
	s7 =	simm.s32 $0x2  }
0x207: {  	s28 =	simm.s32 $0x3;
	v33 =	vmov s6;
	v34 =	vmov s20;
	v35 =	vmov s7;
	s7 =	simm.s32 $0x4  }
0x208: {  	s20 =	simm.s32 $0x7;
	v36 =	vmov s28;
	s28 =	simm.s32 $0x5;
	v33 =	vshrl.u32 v33, $0x3;
	v37 =	vmov s7  }
0x209: {  	v38 =	vmov s20;
	v39 =	vmov s28;
	v34 =	vshrl.u32 v34, $0x3  }
0x20a: {  	s7 =	simm.s32 $0x6;
	v35 =	vshrl.u32 v35, $0x3;
	v36 =	vshrl.u32 v36, $0x3;
	v33 =	vshll.u32 v33, v1  }
0x20b: {  	v38 =	vshrl.u32 v38, $0x3;
	v40 =	vmov s7;
	v37 =	vshrl.u32 v37, $0x3  }
0x20c: {  	v34 =	vshll.u32 v34, v1;
	v52 =	vshll.u32 v35, v1;
	v33 =	vbroadcast v33, $0x0  }
0x20d: {  	s6 =	simm.s32 $0xE500;
	v53 =	vshll.u32 v36, v1;
	v38 =	vshll.u32 v38, v1;
	v45 =	vbroadcast v34, $0x0  }
0x20e: {  	v43 =	vld [tilespmem:s6+$0xFFFFFF00];
	v55 =	vshrl.u32 v39, $0x3;
	v38 =	vbroadcast v38, $0x0;
	v44 =	vor.u32 v0, v33  }
0x20f: {  	v46 =	vld [tilespmem:s6+$0xFFFFFF40];
	v52 =	vbroadcast v52, $0x0;
	v35 =	vbroadcast v53, $0x0;
	v47 =	vor.u32 v5, v45  }
0x210: {  	v41 =	vld [tilespmem:s6+$0xC0];
	v54 =	vshll.u32 v37, v1;
	v36 =	vshll.u32 v55, v1;
	v42 =	vor.u32 v29, v38  }
0x211: {  	v48 =	vld [tilespmem:s6+$0xFFFFFF80];
	v40 =	vshrl.u32 v40, $0x3;
	v34 =	vbroadcast v54, $0x0;
	v49 =	vor.u32 v9, v52  }
0x212: {  	v39 =	vld [tilespmem:s6+$0xFFFFFFC0];
	v37 =	vbroadcast v36, $0x0;
	v56 =	vshll.u32 v40, v1;
	v50 =	vor.u32 v13, v35  }
0x213: {  	v51 =	vld [tilespmem:s6+$0x0];
	v36 =	vbroadcast v56, $0x0;
	v53 =	vor.u32 v17, v34;
	[tilespmem:v44+s17+$0x0] =	vst.idx.msk $0xffff, v43  }
0x214: {  	v59 =	vld [tilespmem:s6+$0x40];
	v60 =	vor.u32 v21, v37;
	[tilespmem:v47+s17+$0x0] =	vst.idx.msk $0xffff, v46  }
0x215: {  	v61 =	vld [tilespmem:s6+$0x80];
	v62 =	vor.u32 v25, v36;
	[tilespmem:v42+s17+$0x0] =	vst.idx.msk $0xffff, v41  }
0x216: {  	v58 =	vor.u32 v30, v38;
	[tilespmem:v49+s17+$0x0] =	vst.idx.msk $0xffff, v48;
	v57 =	vld [tilespmem:s6+$0xD0]  }
0x217: {  	v63 =	vor.u32 v6, v45;
	[tilespmem:v50+s17+$0x0] =	vst.idx.msk $0xffff, v39;
	v47 =	vld [tilespmem:s6+$0xFFFFFF50]  }
0x218: {  	v55 =	vor.u32 v10, v52;
	v54 =	vld [tilespmem:s6+$0xFFFFFF90];
	[tilespmem:v53+s17+$0x0] =	vst.idx.msk $0xffff, v51  }
0x219: {  	v56 =	vor.u32 v14, v35;
	v50 =	vld [tilespmem:s6+$0xFFFFFFD0];
	[tilespmem:v60+s17+$0x0] =	vst.idx.msk $0xffff, v59  }
0x21a: {  	v46 =	vor.u32 v22, v37;
	[tilespmem:v62+s17+$0x0] =	vst.idx.msk $0xffff, v61;
	v44 =	vld [tilespmem:s6+$0x50]  }
0x21b: {  	v59 =	vor.u32 v18, v34;
	[tilespmem:v58+s17+$0x0] =	vst.idx.msk $0xffff, v57;
	v58 =	vld [tilespmem:s6+$0x10]  }
0x21c: {  	[tilespmem:v63+s17+$0x0] =	vst.idx.msk $0xffff, v47;
	v57 =	vor.u32 v31, v38;
	v40 =	vld [tilespmem:s6+$0xE0]  }
0x21d: {  	v61 =	vld [tilespmem:s6+$0xFFFFFF10];
	v62 =	vor.u32 v2, v33;
	[tilespmem:v55+s17+$0x0] =	vst.idx.msk $0xffff, v54  }
0x21e: {  	v60 =	vor.u32 v26, v36;
	v63 =	vld [tilespmem:s6+$0x90];
	[tilespmem:v56+s17+$0x0] =	vst.idx.msk $0xffff, v50  }
0x21f: {  	v51 =	vor.u32 v7, v45;
	v50 =	vld [tilespmem:s6+$0xFFFFFF60];
	[tilespmem:v46+s17+$0x0] =	vst.idx.msk $0xffff, v44  }
0x220: {  	v56 =	vor.u32 v11, v52;
	v55 =	vld [tilespmem:s6+$0xFFFFFFA0];
	[tilespmem:v59+s17+$0x0] =	vst.idx.msk $0xffff, v58  }
0x221: {  	v58 =	vor.u32 v15, v35;
	[tilespmem:v57+s17+$0x0] =	vst.idx.msk $0xffff, v40;
	v57 =	vld [tilespmem:s6+$0xFFFFFFE0]  }
0x222: {  	v38 =	vor.u32 v32, v38;
	[tilespmem:v62+s17+$0x0] =	vst.idx.msk $0xffff, v61;
	v54 =	vld [tilespmem:s6+$0xF0]  }
0x223: {  	[tilespmem:v60+s17+$0x0] =	vst.idx.msk $0xffff, v63;
	v60 =	vor.u32 v19, v34;
	v59 =	vld [tilespmem:s6+$0x20]  }
0x224: {  	s20 =	simm.s32 $0x8;
	s28 =	simm.s32 $0x9;
	v43 =	vor.u32 v27, v36;
	v41 =	vor.u32 v23, v37;
	[tilespmem:v51+s17+$0x0] =	vst.idx.msk $0xffff, v50;
	v40 =	vld [tilespmem:s6+$0x60]  }
0x225: {  	v48 =	vor.u32 v3, v33;
	v53 =	vmov s28;
	s28 =	simm.s32 $0xB;
	v63 =	vmov s20;
	v42 =	vld [tilespmem:s6+$0xA0];
	[tilespmem:v56+s17+$0x0] =	vst.idx.msk $0xffff, v55  }
0x226: {  	v52 =	vor.u32 v12, v52;
	v44 =	vmov s28;
	s28 =	simm.s32 $0xD;
	v46 =	vld [tilespmem:s6+$0xFFFFFF20];
	s20 =	simm.s32 $0xA;
	v39 =	vshrl.u32 v63, $0x3;
	[tilespmem:v58+s17+$0x0] =	vst.idx.msk $0xffff, v57  }
0x227: {  	v51 =	vor.u32 v8, v45;
	v49 =	vld [tilespmem:s6+$0xFFFFFF70];
	[tilespmem:v38+s17+$0x0] =	vst.idx.msk $0xffff, v54;
	v54 =	vmov s20;
	s20 =	simm.s32 $0xC;
	v38 =	vmov s28;
	s28 =	simm.s32 $0xE  }
0x228: {  	s7 =	simm.s32 $0x10;
	v45 =	vshll.u32 v39, v1;
	v50 =	vld [tilespmem:s6+$0xFFFFFFB0];
	[tilespmem:v60+s17+$0x0] =	vst.idx.msk $0xffff, v59;
	v47 =	vmov s20;
	v39 =	vmov s28;
	s20 =	simm.s32 $0xF  }
.LBB2_22:
0x229: {  	p1 =	slt.u32 s7, $0x78;
	v53 =	vshrl.u32 v53, $0x3;
	v55 =	vmov s20;
	v56 =	vld [tilespmem:s6+$0xFFFFFFF0];
	v35 =	vor.u32 v16, v35;
	[tilespmem:v41+s17+$0x0] =	vst.idx.msk $0xffff, v40  }
0x22a: {  	v40 =	vshrl.u32 v54, $0x3;
	v34 =	vor.u32 v20, v34;
	v41 =	vshrl.u32 v55, $0x3;
	v54 =	vld [tilespmem:s6+$0x30];
	[tilespmem:v43+s17+$0x0] =	vst.idx.msk $0xffff, v42  }
0x22b: {  	v37 =	vor.u32 v24, v37;
	v42 =	vshrl.u32 v44, $0x3;
	v41 =	vshll.u32 v41, v1;
	[tilespmem:v48+s17+$0x0] =	vst.idx.msk $0xffff, v46;
	v43 =	vld [tilespmem:s6+$0x70]  }
0x22c: {  	v36 =	vor.u32 v28, v36;
	v44 =	vshrl.u32 v47, $0x3;
	v41 =	vbroadcast v41, $0x0;
	[tilespmem:v51+s17+$0x0] =	vst.idx.msk $0xffff, v49;
	v46 =	vld [tilespmem:s6+$0xB0]  }
0x22d: {  	v47 =	vshll.u32 v53, v1;
	v49 =	vor.u32 v4, v33;
	v33 =	vbroadcast v45, $0x0;
	v48 =	vld [tilespmem:s6+$0xFFFFFF30];
	[tilespmem:v52+s17+$0x0] =	vst.idx.msk $0xffff, v50;
	s6 =	sadd.s32 $0x200, s6  }
0x22e: {  	v40 =	vshll.u32 v40, v1;
	v45 =	vbroadcast v47, $0x0;
	v47 =	vld [tilespmem:s6+$0xC0];
	v50 =	vor.u32 v29, v41;
	[tilespmem:v35+s17+$0x0] =	vst.idx.msk $0xffff, v56  }
0x22f: {  	v55 =	vbroadcast v40, $0x0;
	v52 =	vor.u32 v0, v33;
	v35 =	vshll.u32 v42, v1;
	v51 =	vld [tilespmem:s6+$0xFFFFFF00];
	[tilespmem:v34+s17+$0x0] =	vst.idx.msk $0xffff, v54  }
0x230: {  	v42 =	vor.u32 v5, v45;
	v35 =	vbroadcast v35, $0x0;
	v34 =	vshll.u32 v44, v1;
	v40 =	vld [tilespmem:s6+$0xFFFFFF40];
	[tilespmem:v37+s17+$0x0] =	vst.idx.msk $0xffff, v43  }
0x231: {  	v44 =	vor.u32 v9, v55;
	v34 =	vbroadcast v34, $0x0;
	v37 =	vshrl.u32 v38, $0x3;
	v43 =	vld [tilespmem:s6+$0xFFFFFF80];
	[tilespmem:v36+s17+$0x0] =	vst.idx.msk $0xffff, v46  }
0x232: {  	v39 =	vshrl.u32 v39, $0x3;
	v46 =	vor.u32 v13, v35;
	v36 =	vshll.u32 v37, v1;
	v38 =	vld [tilespmem:s6+$0xFFFFFFC0];
	[tilespmem:v49+s17+$0x0] =	vst.idx.msk $0xffff, v48  }
0x233: {  	v49 =	vor.u32 v17, v34;
	v37 =	vbroadcast v36, $0x0;
	v36 =	vshll.u32 v39, v1;
	v48 =	vld [tilespmem:s6+$0x0];
	[tilespmem:v50+s17+$0x0] =	vst.idx.msk $0xffff, v47  }
0x234: {  	v36 =	vbroadcast v36, $0x0;
	v47 =	vor.u32 v30, v41;
	[tilespmem:v52+s17+$0x0] =	vst.idx.msk $0xffff, v51;
	v39 =	vld [tilespmem:s6+$0xD0]  }
0x235: {  	[tilespmem:v42+s17+$0x0] =	vst.idx.msk $0xffff, v40;
	v40 =	vld [tilespmem:s6+$0x40];
	v42 =	vor.u32 v21, v37  }
0x236: {  	[tilespmem:v44+s17+$0x0] =	vst.idx.msk $0xffff, v43;
	v43 =	vld [tilespmem:s6+$0x80];
	v44 =	vor.u32 v25, v36  }
0x237: {  	v51 =	vor.u32 v6, v45;
	v50 =	vld [tilespmem:s6+$0xFFFFFF50];
	[tilespmem:v46+s17+$0x0] =	vst.idx.msk $0xffff, v38  }
0x238: {  	v46 =	vor.u32 v10, v55;
	v38 =	vld [tilespmem:s6+$0xFFFFFF90];
	[tilespmem:v49+s17+$0x0] =	vst.idx.msk $0xffff, v48  }
0x239: {  	v49 =	vor.u32 v14, v35;
	v48 =	vld [tilespmem:s6+$0xFFFFFFD0];
	[tilespmem:v47+s17+$0x0] =	vst.idx.msk $0xffff, v39  }
0x23a: {  	[tilespmem:v42+s17+$0x0] =	vst.idx.msk $0xffff, v40;
	v39 =	vld [tilespmem:s6+$0xE0];
	v40 =	vor.u32 v31, v41  }
0x23b: {  	v47 =	vor.u32 v18, v34;
	v42 =	vld [tilespmem:s6+$0x10];
	[tilespmem:v44+s17+$0x0] =	vst.idx.msk $0xffff, v43  }
0x23c: {  	v44 =	vor.u32 v22, v37;
	[tilespmem:v51+s17+$0x0] =	vst.idx.msk $0xffff, v50;
	v43 =	vld [tilespmem:s6+$0x50]  }
0x23d: {  	[tilespmem:v46+s17+$0x0] =	vst.idx.msk $0xffff, v38;
	v38 =	vld [tilespmem:s6+$0x90];
	v46 =	vor.u32 v26, v36  }
0x23e: {  	v51 =	vor.u32 v2, v33;
	v50 =	vld [tilespmem:s6+$0xFFFFFF10];
	[tilespmem:v49+s17+$0x0] =	vst.idx.msk $0xffff, v48  }
0x23f: {  	v49 =	vor.u32 v7, v45;
	v48 =	vld [tilespmem:s6+$0xFFFFFF60];
	[tilespmem:v40+s17+$0x0] =	vst.idx.msk $0xffff, v39  }
0x240: {  	[tilespmem:v47+s17+$0x0] =	vst.idx.msk $0xffff, v42;
	v39 =	vld [tilespmem:s6+$0xF0];
	v47 =	vor.u32 v32, v41  }
0x241: {  	v56 =	vor.u32 v11, v55;
	v52 =	vld [tilespmem:s6+$0xFFFFFFA0];
	[tilespmem:v44+s17+$0x0] =	vst.idx.msk $0xffff, v43  }
0x242: {  	v58 =	vor.u32 v15, v35;
	v57 =	vld [tilespmem:s6+$0xFFFFFFE0];
	[tilespmem:v46+s17+$0x0] =	vst.idx.msk $0xffff, v38  }
0x243: {  	v60 =	vor.u32 v19, v34;
	[tilespmem:v51+s17+$0x0] =	vst.idx.msk $0xffff, v50;
	v59 =	vld [tilespmem:s6+$0x20]  }
.Ltmp16:
0x244: {  	s20 =	sadd.s32 $0x1, s7;
	v41 =	vor.u32 v23, v37;
	v38 =	vmov s7;
	[tilespmem:v49+s17+$0x0] =	vst.idx.msk $0xffff, v48;
	v40 =	vld [tilespmem:s6+$0x60];
	(pc) =	sbr.rel @p1 .LBB2_22-.Ltmp16, $4  }
0x245: {  	s28 =	sadd.s32 $0x3, s7;
	v53 =	vmov s20;
	s20 =	sadd.s32 $0x2, s7;
	v43 =	vor.u32 v27, v36;
	v50 =	vshrl.u32 v38, $0x3;
	v42 =	vld [tilespmem:s6+$0xA0];
	[tilespmem:v47+s17+$0x0] =	vst.idx.msk $0xffff, v39  }
0x246: {  	v54 =	vmov s20;
	s20 =	sadd.s32 $0x4, s7;
	v44 =	vmov s28;
	s28 =	sadd.s32 $0x5, s7;
	v48 =	vor.u32 v3, v33;
	v46 =	vld [tilespmem:s6+$0xFFFFFF20];
	[tilespmem:v56+s17+$0x0] =	vst.idx.msk $0xffff, v52  }
0x247: {  	v38 =	vmov s28;
	v51 =	vor.u32 v8, v45;
	v47 =	vmov s20;
	s20 =	sadd.s32 $0x6, s7;
	v49 =	vld [tilespmem:s6+$0xFFFFFF70];
	[tilespmem:v58+s17+$0x0] =	vst.idx.msk $0xffff, v57  }
0x248: {  	v45 =	vshll.u32 v50, v1;
	v39 =	vmov s20;
	s20 =	sadd.s32 $0x7, s7;
	s7 =	sadd.s32 $0x8, s7;
	v52 =	vor.u32 v12, v55;
	v50 =	vld [tilespmem:s6+$0xFFFFFFB0];
	[tilespmem:v60+s17+$0x0] =	vst.idx.msk $0xffff, v59  }
0x249: {  	_ =	sdelay $0x2  }
0x24a: {  	v53 =	vshrl.u32 v53, $0x3  }
0x24b: {  	v55 =	vmov s20;
	v56 =	vld [tilespmem:s6+$0xFFFFFFF0];
	v35 =	vor.u32 v16, v35;
	[tilespmem:v41+s17+$0x0] =	vst.idx.msk $0xffff, v40;
	v57 =	vshrl.u32 v54, $0x3  }
0x24c: {  	v59 =	vld [tilespmem:s6+$0x30];
	v34 =	vor.u32 v20, v34;
	v60 =	vshrl.u32 v44, $0x3;
	v58 =	vshrl.u32 v55, $0x3;
	[tilespmem:v43+s17+$0x0] =	vst.idx.msk $0xffff, v42  }
0x24d: {  	v37 =	vor.u32 v24, v37;
	v62 =	vshrl.u32 v47, $0x3;
	v61 =	vld [tilespmem:s6+$0x70];
	v41 =	vshll.u32 v58, v1;
	[tilespmem:v48+s17+$0x0] =	vst.idx.msk $0xffff, v46  }
0x24e: {  	v36 =	vor.u32 v28, v36;
	v45 =	vbroadcast v45, $0x0;
	v63 =	vld [tilespmem:s6+$0xB0];
	v41 =	vbroadcast v41, $0x0;
	[tilespmem:v51+s17+$0x0] =	vst.idx.msk $0xffff, v49  }
0x24f: {  	v33 =	vor.u32 v4, v33;
	s20 =	sadd.s32 $0x200, s6;
	v38 =	vshrl.u32 v38, $0x3;
	v55 =	vshll.u32 v53, v1;
	v48 =	vld [tilespmem:s6+$0xFFFFFF30];
	[tilespmem:v52+s17+$0x0] =	vst.idx.msk $0xffff, v50  }
0x250: {  	v40 =	vshll.u32 v57, v1;
	v47 =	vbroadcast v55, $0x0;
	v49 =	vld [tilespmem:s20+$0xC0];
	v50 =	vor.u32 v29, v41;
	[tilespmem:v35+s17+$0x0] =	vst.idx.msk $0xffff, v56  }
0x251: {  	v42 =	vshll.u32 v60, v1;
	v40 =	vbroadcast v40, $0x0;
	v35 =	vld [tilespmem:s20+$0xFFFFFF00];
	v56 =	vor.u32 v0, v45;
	[tilespmem:v34+s17+$0x0] =	vst.idx.msk $0xffff, v59  }
0x252: {  	v57 =	vld [tilespmem:s20+$0xFFFFFF40];
	v44 =	vshll.u32 v62, v1;
	v42 =	vbroadcast v42, $0x0;
	v58 =	vor.u32 v5, v47;
	[tilespmem:v37+s17+$0x0] =	vst.idx.msk $0xffff, v61  }
0x253: {  	v38 =	vshll.u32 v38, v1;
	v44 =	vbroadcast v44, $0x0;
	v60 =	vor.u32 v9, v40;
	v59 =	vld [tilespmem:s20+$0xFFFFFF80];
	[tilespmem:v36+s17+$0x0] =	vst.idx.msk $0xffff, v63  }
0x254: {  	v38 =	vbroadcast v38, $0x0;
	v62 =	vor.u32 v13, v42;
	v61 =	vld [tilespmem:s20+$0xFFFFFFC0];
	[tilespmem:v33+s17+$0x0] =	vst.idx.msk $0xffff, v48  }
0x255: {  	v39 =	vshrl.u32 v39, $0x3;
	v63 =	vor.u32 v17, v44;
	v33 =	vld [tilespmem:s20+$0x0];
	[tilespmem:v50+s17+$0x0] =	vst.idx.msk $0xffff, v49  }
0x256: {  	v39 =	vshll.u32 v39, v1;
	v34 =	vld [tilespmem:s20+$0x40];
	[tilespmem:v56+s17+$0x0] =	vst.idx.msk $0xffff, v35;
	v56 =	vor.u32 v21, v38  }
0x257: {  	[tilespmem:v58+s17+$0x0] =	vst.idx.msk $0xffff, v57;
	v35 =	vbroadcast v39, $0x0;
	v49 =	vor.u32 v30, v41;
	v39 =	vld [tilespmem:s20+$0xD0]  }
0x258: {  	[tilespmem:v60+s17+$0x0] =	vst.idx.msk $0xffff, v59;
	v59 =	vld [tilespmem:s20+$0xFFFFFF50];
	v60 =	vor.u32 v6, v47  }
0x259: {  	v57 =	vld [tilespmem:s20+$0x80];
	[tilespmem:v62+s17+$0x0] =	vst.idx.msk $0xffff, v61;
	v58 =	vor.u32 v25, v35  }
0x25a: {  	v61 =	vld [tilespmem:s20+$0xFFFFFF90];
	v62 =	vor.u32 v10, v40;
	[tilespmem:v63+s17+$0x0] =	vst.idx.msk $0xffff, v33  }
0x25b: {  	v33 =	vld [tilespmem:s20+$0xFFFFFFD0];
	v63 =	vor.u32 v14, v42;
	[tilespmem:v56+s17+$0x0] =	vst.idx.msk $0xffff, v34  }
0x25c: {  	v56 =	vor.u32 v18, v44;
	[tilespmem:v49+s17+$0x0] =	vst.idx.msk $0xffff, v39;
	v49 =	vld [tilespmem:s20+$0x10]  }
0x25d: {  	[tilespmem:v60+s17+$0x0] =	vst.idx.msk $0xffff, v59;
	v39 =	vor.u32 v31, v41;
	v34 =	vld [tilespmem:s20+$0xE0]  }
0x25e: {  	[tilespmem:v58+s17+$0x0] =	vst.idx.msk $0xffff, v57;
	v57 =	vld [tilespmem:s20+$0x50];
	v58 =	vor.u32 v22, v38  }
0x25f: {  	[tilespmem:v62+s17+$0x0] =	vst.idx.msk $0xffff, v61;
	v61 =	vld [tilespmem:s20+$0xFFFFFF10];
	v62 =	vor.u32 v2, v45  }
0x260: {  	v60 =	vor.u32 v26, v35;
	v59 =	vld [tilespmem:s20+$0x90];
	[tilespmem:v63+s17+$0x0] =	vst.idx.msk $0xffff, v33  }
0x261: {  	v55 =	vor.u32 v11, v40;
	v54 =	vor.u32 v32, v41;
	v41 =	vld [tilespmem:s20+$0xFFFFFFA0];
	[tilespmem:v56+s17+$0x0] =	vst.idx.msk $0xffff, v49  }
0x262: {  	v53 =	vor.u32 v7, v47;
	v63 =	vld [tilespmem:s20+$0xFFFFFF60];
	[tilespmem:v39+s17+$0x0] =	vst.idx.msk $0xffff, v34  }
0x263: {  	v56 =	vld [tilespmem:s20+$0xFFFFFFE0];
	[tilespmem:v58+s17+$0x0] =	vst.idx.msk $0xffff, v57;
	v57 =	vor.u32 v15, v42  }
0x264: {  	[tilespmem:v62+s17+$0x0] =	vst.idx.msk $0xffff, v61;
	v34 =	vld [tilespmem:s20+$0xF0]  }
0x265: {  	v58 =	vld [tilespmem:s20+$0x20];
	[tilespmem:v60+s17+$0x0] =	vst.idx.msk $0xffff, v59;
	v59 =	vor.u32 v19, v44  }
0x266: {  	v61 =	vor.u32 v23, v38;
	[tilespmem:v55+s17+$0x0] =	vst.idx.msk $0xffff, v41;
	v60 =	vld [tilespmem:s20+$0x60]  }
0x267: {  	[tilespmem:v53+s17+$0x0] =	vst.idx.msk $0xffff, v63;
	v63 =	vor.u32 v27, v35;
	v62 =	vld [tilespmem:s20+$0xA0]  }
0x268: {  	v47 =	vor.u32 v8, v47;
	v55 =	vld [tilespmem:s20+$0xFFFFFF70];
	[tilespmem:v57+s17+$0x0] =	vst.idx.msk $0xffff, v56  }
0x269: {  	v53 =	vld [tilespmem:s20+$0xFFFFFF20];
	[tilespmem:v54+s17+$0x0] =	vst.idx.msk $0xffff, v34;
	v54 =	vor.u32 v3, v45  }
0x26a: {  	v40 =	vor.u32 v12, v40;
	v56 =	vld [tilespmem:s20+$0xFFFFFFB0];
	[tilespmem:v59+s17+$0x0] =	vst.idx.msk $0xffff, v58  }
0x26b: {  	v42 =	vor.u32 v16, v42;
	v57 =	vld [tilespmem:s20+$0xFFFFFFF0];
	[tilespmem:v61+s17+$0x0] =	vst.idx.msk $0xffff, v60  }
0x26c: {  	v59 =	vor.u32 v20, v44;
	v58 =	vld [tilespmem:s20+$0x30];
	[tilespmem:v63+s17+$0x0] =	vst.idx.msk $0xffff, v62  }
0x26d: {  	v38 =	vor.u32 v24, v38;
	v60 =	vld [tilespmem:s20+$0x70];
	[tilespmem:v47+s17+$0x0] =	vst.idx.msk $0xffff, v55  }
0x26e: {  	v35 =	vor.u32 v28, v35;
	v61 =	vld [tilespmem:s20+$0xB0];
	[tilespmem:v54+s17+$0x0] =	vst.idx.msk $0xffff, v53  }
0x26f: {  	v63 =	vor.u32 v4, v45;
	[tilespmem:v40+s17+$0x0] =	vst.idx.msk $0xffff, v56;
	v62 =	vld [tilespmem:s20+$0xFFFFFF30]  }
0x270: {  	[tilespmem:v42+s17+$0x0] =	vst.idx.msk $0xffff, v57  }
.Ltmp17:
0x271: {  	[tilespmem:v59+s17+$0x0] =	vst.idx.msk $0xffff, v58;
	(pc) =	sbr.rel @p0 .LBB2_48-.Ltmp17, $4  }
0x272: {  	[tilespmem:v38+s17+$0x0] =	vst.idx.msk $0xffff, v60  }
0x273: {  	[tilespmem:v35+s17+$0x0] =	vst.idx.msk $0xffff, v61  }
0x274: {  	s28 =	sadd.s32 $0x180, s23;
	[tilespmem:v63+s17+$0x0] =	vst.idx.msk $0xffff, v62  }
0x275: {  	[hbm4b:s28+s30] =	stream.strided.scatter [tilespmem:s17], [sflag:$0x14], $0x2000, s31, s30, $0x38;
	[tilespmem:$0x18400] =	vst v63  }
0x276: {  	s6 =	sshll.u32 s26, $0xE  }
0x277: {  	s6 =	sor.u32 s13, s6  }
0x278: {  	s6 =	sshrl.u32 s6, $0x3  }
0x279: {  	s7 =	simm.s32 $0x380;
	s28 =	simm.s32 $0x200;
	s6 =	sadd.s32 s4, s6  }
0x27a: {  	[tilespmem:s7], [sflag:$0x8] =	stream.linear.gather [hbm4b:s6+s3], $0x80, $0x38;
	[tilespmem:$0x18400] =	vst v63  }
.LBB2_25:
0x27b: {  	_ =	swait.ge [sflag:s19], $0x80  }
0x27c: {  	[sflag:s19] =	ssyncset.done $0x0  }
0x27d: {  	s6 =	simm.s32 $0x8400;
	[sflag:s19] =	ssyncadd.s32 $0xFFFFFF80  }
0x27e: {  	[tilespmem:s6], [sflag:$0xD] =	stream.indirect.gather [hbm4b:s5+s21], $0x40, s28, s21, $0xb8;
	[tilespmem:$0x18400] =	vst v63  }
0x27f: {  	_ =	swait.ge [sflag:s18], $0x80  }
0x280: {  	[sflag:s18] =	ssyncset.done $0x0  }
0x281: {  	s26 =	simm.s32 $0x280;
	s7 =	simm.s32 $0xA400;
	[sflag:s18] =	ssyncadd.s32 $0xFFFFFF80  }
0x282: {  	[tilespmem:s7], [sflag:$0xE] =	stream.indirect.gather [hbm4b:s5+s21], $0x40, s26, s21, $0xb8;
	[tilespmem:$0x18400] =	vst v63  }
0x283: {  	_ =	swait.ge [sflag:s8], $0x80  }
0x284: {  	s20 =	simm.s32 $0xC400;
	[sflag:s8] =	ssyncset.done $0x0  }
0x285: {  	p0 =	sgt.u32 s22, $0x18;
	s7 =	simm.s32 $0x300;
	[sflag:s8] =	ssyncadd.s32 $0xFFFFFF80  }
0x286: {  	[tilespmem:s20], [sflag:$0xF] =	stream.indirect.gather [hbm4b:s5+s21], $0x40, s7, s21, $0xb8;
	[tilespmem:$0x18400] =	vst v63  }
.Ltmp18:
0x287: {  	_ = 	snop;
	(pc) =	sbr.rel @p0 .LBB2_47-.Ltmp18, $4  }
0x288: {  	_ =	swait.ge [sflag:s12], $0x80  }
0x289: {  	[sflag:s12] =	ssyncset.done $0x0  }
0x28a: {  	s23 =	simm.s32 $0x380;
	s26 =	simm.s32 $0xE400;
	[sflag:s12] =	ssyncadd.s32 $0xFFFFFF80  }
0x28b: {  	[tilespmem:s26], [sflag:$0x10] =	stream.indirect.gather [hbm4b:s5+s21], $0x40, s23, s21, $0xb8;
	[tilespmem:$0x18400] =	vst v63  }
0x28c: {  	s6 =	simm.s32 $0x0;
	s20 =	simm.s32 $0x1;
	s7 =	simm.s32 $0x2  }
0x28d: {  	s23 =	simm.s32 $0x9;
	s26 =	simm.s32 $0x3;
	v33 =	vmov s6;
	v34 =	vmov s20;
	v35 =	vmov s7;
	s7 =	simm.s32 $0x4  }
0x28e: {  	_ =	swait.ge [sflag:s23], $0x2000;
	s20 =	simm.s32 $0x7;
	v36 =	vmov s26;
	s26 =	simm.s32 $0x5;
	v33 =	vshrl.u32 v33, $0x3;
	v37 =	vmov s7  }
0x28f: {  	p0 =	seq.s32 s22, $0x0;
	[sflag:s23] =	ssyncset.done $0x0;
	v38 =	vmov s20;
	v39 =	vmov s26;
	v34 =	vshrl.u32 v34, $0x3  }
0x290: {  	s7 =	simm.s32 @!p0 $0x11;
	v35 =	vshrl.u32 v35, $0x3;
	v36 =	vshrl.u32 v36, $0x3;
	[sflag:s23] =	ssyncadd.s32 $0xFFFFE000;
	v38 =	vshrl.u32 v38, $0x3  }
0x291: {  	v33 =	vshll.u32 v33, v1;
	v37 =	vshrl.u32 v37, $0x3;
	_ =	swait.ge @!p0 [sflag:s7], $0x2000;
	v38 =	vshll.u32 v38, v1  }
0x292: {  	v34 =	vshll.u32 v34, v1;
	v52 =	vshll.u32 v35, v1;
	[sflag:s7] =	ssyncset.done @!p0 $0x0;
	v38 =	vbroadcast v38, $0x0  }
0x293: {  	s6 =	simm.s32 $0x500;
	s23 =	simm.s32 $0x6;
	v53 =	vshll.u32 v36, v1;
	v55 =	vshrl.u32 v39, $0x3;
	v33 =	vbroadcast v33, $0x0;
	[sflag:s7] =	ssyncadd.s32 @!p0 $0xFFFFE000  }
0x294: {  	v40 =	vmov s23;
	v45 =	vbroadcast v34, $0x0;
	v41 =	vld [tilespmem:s6+$0xC0];
	v42 =	vor.u32 v29, v38  }
0x295: {  	v52 =	vbroadcast v52, $0x0;
	v35 =	vbroadcast v53, $0x0;
	v44 =	vor.u32 v0, v33;
	v43 =	vld [tilespmem:s6+$0xFFFFFF00]  }
0x296: {  	v54 =	vshll.u32 v37, v1;
	v36 =	vshll.u32 v55, v1;
	v47 =	vor.u32 v5, v45;
	v46 =	vld [tilespmem:s6+$0xFFFFFF40]  }
0x297: {  	v34 =	vbroadcast v54, $0x0;
	v40 =	vshrl.u32 v40, $0x3;
	v49 =	vor.u32 v9, v52;
	v48 =	vld [tilespmem:s6+$0xFFFFFF80]  }
0x298: {  	v37 =	vbroadcast v36, $0x0;
	v50 =	vor.u32 v13, v35;
	v56 =	vshll.u32 v40, v1;
	v39 =	vld [tilespmem:s6+$0xFFFFFFC0]  }
0x299: {  	v51 =	vld [tilespmem:s6+$0x0];
	v53 =	vor.u32 v17, v34;
	v36 =	vbroadcast v56, $0x0;
	[tilespmem:v42+s29+$0x0] =	vst.idx.msk $0xffff, v41  }
0x29a: {  	v59 =	vld [tilespmem:s6+$0x40];
	v60 =	vor.u32 v21, v37;
	[tilespmem:v44+s29+$0x0] =	vst.idx.msk $0xffff, v43  }
0x29b: {  	v61 =	vld [tilespmem:s6+$0x80];
	v62 =	vor.u32 v25, v36;
	[tilespmem:v47+s29+$0x0] =	vst.idx.msk $0xffff, v46  }
0x29c: {  	v58 =	vor.u32 v30, v38;
	[tilespmem:v49+s29+$0x0] =	vst.idx.msk $0xffff, v48;
	v57 =	vld [tilespmem:s6+$0xD0]  }
0x29d: {  	v63 =	vor.u32 v6, v45;
	[tilespmem:v50+s29+$0x0] =	vst.idx.msk $0xffff, v39;
	v47 =	vld [tilespmem:s6+$0xFFFFFF50]  }
0x29e: {  	v55 =	vor.u32 v10, v52;
	[tilespmem:v53+s29+$0x0] =	vst.idx.msk $0xffff, v51;
	v54 =	vld [tilespmem:s6+$0xFFFFFF90]  }
0x29f: {  	v56 =	vor.u32 v14, v35;
	[tilespmem:v60+s29+$0x0] =	vst.idx.msk $0xffff, v59;
	v50 =	vld [tilespmem:s6+$0xFFFFFFD0]  }
0x2a0: {  	v46 =	vor.u32 v22, v37;
	v44 =	vld [tilespmem:s6+$0x50];
	[tilespmem:v62+s29+$0x0] =	vst.idx.msk $0xffff, v61  }
0x2a1: {  	v59 =	vor.u32 v18, v34;
	[tilespmem:v58+s29+$0x0] =	vst.idx.msk $0xffff, v57;
	v58 =	vld [tilespmem:s6+$0x10]  }
0x2a2: {  	v57 =	vor.u32 v31, v38;
	[tilespmem:v63+s29+$0x0] =	vst.idx.msk $0xffff, v47;
	v40 =	vld [tilespmem:s6+$0xE0]  }
0x2a3: {  	v61 =	vld [tilespmem:s6+$0xFFFFFF10];
	v62 =	vor.u32 v2, v33;
	[tilespmem:v55+s29+$0x0] =	vst.idx.msk $0xffff, v54  }
0x2a4: {  	v60 =	vor.u32 v26, v36;
	v63 =	vld [tilespmem:s6+$0x90];
	[tilespmem:v56+s29+$0x0] =	vst.idx.msk $0xffff, v50  }
0x2a5: {  	v51 =	vor.u32 v7, v45;
	[tilespmem:v46+s29+$0x0] =	vst.idx.msk $0xffff, v44;
	v50 =	vld [tilespmem:s6+$0xFFFFFF60]  }
0x2a6: {  	v56 =	vor.u32 v11, v52;
	v55 =	vld [tilespmem:s6+$0xFFFFFFA0];
	[tilespmem:v59+s29+$0x0] =	vst.idx.msk $0xffff, v58  }
0x2a7: {  	v58 =	vor.u32 v15, v35;
	[tilespmem:v57+s29+$0x0] =	vst.idx.msk $0xffff, v40;
	v57 =	vld [tilespmem:s6+$0xFFFFFFE0]  }
0x2a8: {  	v38 =	vor.u32 v32, v38;
	[tilespmem:v62+s29+$0x0] =	vst.idx.msk $0xffff, v61;
	v54 =	vld [tilespmem:s6+$0xF0]  }
0x2a9: {  	s20 =	simm.s32 $0x9;
	[tilespmem:v60+s29+$0x0] =	vst.idx.msk $0xffff, v63;
	v60 =	vor.u32 v19, v34;
	v59 =	vld [tilespmem:s6+$0x20]  }
0x2aa: {  	s26 =	simm.s32 $0x8;
	v41 =	vor.u32 v23, v37;
	v53 =	vmov s20;
	[tilespmem:v51+s29+$0x0] =	vst.idx.msk $0xffff, v50;
	v40 =	vld [tilespmem:s6+$0x60]  }
0x2ab: {  	v43 =	vor.u32 v27, v36;
	s20 =	simm.s32 $0xC;
	v48 =	vor.u32 v3, v33;
	v63 =	vmov s26;
	v42 =	vld [tilespmem:s6+$0xA0];
	[tilespmem:v56+s29+$0x0] =	vst.idx.msk $0xffff, v55  }
0x2ac: {  	s23 =	simm.s32 $0xA;
	v47 =	vmov s20;
	v52 =	vor.u32 v12, v52;
	v46 =	vld [tilespmem:s6+$0xFFFFFF20];
	s26 =	simm.s32 $0xB;
	v39 =	vshrl.u32 v63, $0x3;
	[tilespmem:v58+s29+$0x0] =	vst.idx.msk $0xffff, v57  }
0x2ad: {  	v44 =	vmov s26;
	s26 =	simm.s32 $0xE;
	v51 =	vor.u32 v8, v45;
	v49 =	vld [tilespmem:s6+$0xFFFFFF70];
	[tilespmem:v38+s29+$0x0] =	vst.idx.msk $0xffff, v54;
	v54 =	vmov s23;
	s23 =	simm.s32 $0xD  }
0x2ae: {  	s7 =	simm.s32 $0x10;
	s20 =	simm.s32 $0xF;
	v45 =	vshll.u32 v39, v1;
	v39 =	vmov s26;
	v50 =	vld [tilespmem:s6+$0xFFFFFFB0];
	[tilespmem:v60+s29+$0x0] =	vst.idx.msk $0xffff, v59;
	v38 =	vmov s23  }
.LBB2_27:
0x2af: {  	p1 =	slt.u32 s7, $0x78;
	v53 =	vshrl.u32 v53, $0x3;
	v55 =	vmov s20;
	v56 =	vld [tilespmem:s6+$0xFFFFFFF0];
	v35 =	vor.u32 v16, v35;
	[tilespmem:v41+s29+$0x0] =	vst.idx.msk $0xffff, v40  }
0x2b0: {  	v40 =	vshrl.u32 v54, $0x3;
	v34 =	vor.u32 v20, v34;
	v41 =	vshrl.u32 v55, $0x3;
	v54 =	vld [tilespmem:s6+$0x30];
	[tilespmem:v43+s29+$0x0] =	vst.idx.msk $0xffff, v42  }
0x2b1: {  	v37 =	vor.u32 v24, v37;
	v42 =	vshrl.u32 v44, $0x3;
	v41 =	vshll.u32 v41, v1;
	[tilespmem:v48+s29+$0x0] =	vst.idx.msk $0xffff, v46;
	v43 =	vld [tilespmem:s6+$0x70]  }
0x2b2: {  	v36 =	vor.u32 v28, v36;
	v44 =	vshrl.u32 v47, $0x3;
	v41 =	vbroadcast v41, $0x0;
	[tilespmem:v51+s29+$0x0] =	vst.idx.msk $0xffff, v49;
	v46 =	vld [tilespmem:s6+$0xB0]  }
0x2b3: {  	v47 =	vshll.u32 v53, v1;
	v49 =	vor.u32 v4, v33;
	v33 =	vbroadcast v45, $0x0;
	v48 =	vld [tilespmem:s6+$0xFFFFFF30];
	[tilespmem:v52+s29+$0x0] =	vst.idx.msk $0xffff, v50;
	s6 =	sadd.s32 $0x200, s6  }
0x2b4: {  	v40 =	vshll.u32 v40, v1;
	v45 =	vbroadcast v47, $0x0;
	v47 =	vld [tilespmem:s6+$0xC0];
	v50 =	vor.u32 v29, v41;
	[tilespmem:v35+s29+$0x0] =	vst.idx.msk $0xffff, v56  }
0x2b5: {  	v55 =	vbroadcast v40, $0x0;
	v52 =	vor.u32 v0, v33;
	v35 =	vshll.u32 v42, v1;
	v51 =	vld [tilespmem:s6+$0xFFFFFF00];
	[tilespmem:v34+s29+$0x0] =	vst.idx.msk $0xffff, v54  }
0x2b6: {  	v42 =	vor.u32 v5, v45;
	v35 =	vbroadcast v35, $0x0;
	v34 =	vshll.u32 v44, v1;
	v40 =	vld [tilespmem:s6+$0xFFFFFF40];
	[tilespmem:v37+s29+$0x0] =	vst.idx.msk $0xffff, v43  }
0x2b7: {  	v44 =	vor.u32 v9, v55;
	v34 =	vbroadcast v34, $0x0;
	v37 =	vshrl.u32 v38, $0x3;
	v43 =	vld [tilespmem:s6+$0xFFFFFF80];
	[tilespmem:v36+s29+$0x0] =	vst.idx.msk $0xffff, v46  }
0x2b8: {  	v39 =	vshrl.u32 v39, $0x3;
	v46 =	vor.u32 v13, v35;
	v36 =	vshll.u32 v37, v1;
	v38 =	vld [tilespmem:s6+$0xFFFFFFC0];
	[tilespmem:v49+s29+$0x0] =	vst.idx.msk $0xffff, v48  }
0x2b9: {  	v49 =	vor.u32 v17, v34;
	v37 =	vbroadcast v36, $0x0;
	v36 =	vshll.u32 v39, v1;
	v48 =	vld [tilespmem:s6+$0x0];
	[tilespmem:v50+s29+$0x0] =	vst.idx.msk $0xffff, v47  }
0x2ba: {  	v36 =	vbroadcast v36, $0x0;
	v47 =	vor.u32 v30, v41;
	[tilespmem:v52+s29+$0x0] =	vst.idx.msk $0xffff, v51;
	v39 =	vld [tilespmem:s6+$0xD0]  }
0x2bb: {  	[tilespmem:v42+s29+$0x0] =	vst.idx.msk $0xffff, v40;
	v40 =	vld [tilespmem:s6+$0x40];
	v42 =	vor.u32 v21, v37  }
0x2bc: {  	[tilespmem:v44+s29+$0x0] =	vst.idx.msk $0xffff, v43;
	v43 =	vld [tilespmem:s6+$0x80];
	v44 =	vor.u32 v25, v36  }
0x2bd: {  	v51 =	vor.u32 v6, v45;
	v50 =	vld [tilespmem:s6+$0xFFFFFF50];
	[tilespmem:v46+s29+$0x0] =	vst.idx.msk $0xffff, v38  }
0x2be: {  	v46 =	vor.u32 v10, v55;
	v38 =	vld [tilespmem:s6+$0xFFFFFF90];
	[tilespmem:v49+s29+$0x0] =	vst.idx.msk $0xffff, v48  }
0x2bf: {  	v49 =	vor.u32 v14, v35;
	v48 =	vld [tilespmem:s6+$0xFFFFFFD0];
	[tilespmem:v47+s29+$0x0] =	vst.idx.msk $0xffff, v39  }
0x2c0: {  	[tilespmem:v42+s29+$0x0] =	vst.idx.msk $0xffff, v40;
	v39 =	vld [tilespmem:s6+$0xE0];
	v40 =	vor.u32 v31, v41  }
0x2c1: {  	v47 =	vor.u32 v18, v34;
	v42 =	vld [tilespmem:s6+$0x10];
	[tilespmem:v44+s29+$0x0] =	vst.idx.msk $0xffff, v43  }
0x2c2: {  	v44 =	vor.u32 v22, v37;
	[tilespmem:v51+s29+$0x0] =	vst.idx.msk $0xffff, v50;
	v43 =	vld [tilespmem:s6+$0x50]  }
0x2c3: {  	[tilespmem:v46+s29+$0x0] =	vst.idx.msk $0xffff, v38;
	v38 =	vld [tilespmem:s6+$0x90];
	v46 =	vor.u32 v26, v36  }
0x2c4: {  	v51 =	vor.u32 v2, v33;
	v50 =	vld [tilespmem:s6+$0xFFFFFF10];
	[tilespmem:v49+s29+$0x0] =	vst.idx.msk $0xffff, v48  }
0x2c5: {  	v49 =	vor.u32 v7, v45;
	v48 =	vld [tilespmem:s6+$0xFFFFFF60];
	[tilespmem:v40+s29+$0x0] =	vst.idx.msk $0xffff, v39  }
0x2c6: {  	[tilespmem:v47+s29+$0x0] =	vst.idx.msk $0xffff, v42;
	v39 =	vld [tilespmem:s6+$0xF0];
	v47 =	vor.u32 v32, v41  }
0x2c7: {  	v56 =	vor.u32 v11, v55;
	v52 =	vld [tilespmem:s6+$0xFFFFFFA0];
	[tilespmem:v44+s29+$0x0] =	vst.idx.msk $0xffff, v43  }
0x2c8: {  	v58 =	vor.u32 v15, v35;
	v57 =	vld [tilespmem:s6+$0xFFFFFFE0];
	[tilespmem:v46+s29+$0x0] =	vst.idx.msk $0xffff, v38  }
0x2c9: {  	v60 =	vor.u32 v19, v34;
	[tilespmem:v51+s29+$0x0] =	vst.idx.msk $0xffff, v50;
	v59 =	vld [tilespmem:s6+$0x20]  }
.Ltmp19:
0x2ca: {  	s20 =	sadd.s32 $0x1, s7;
	v41 =	vor.u32 v23, v37;
	v38 =	vmov s7;
	[tilespmem:v49+s29+$0x0] =	vst.idx.msk $0xffff, v48;
	v40 =	vld [tilespmem:s6+$0x60];
	(pc) =	sbr.rel @p1 .LBB2_27-.Ltmp19, $4  }
0x2cb: {  	s23 =	sadd.s32 $0x3, s7;
	v53 =	vmov s20;
	s20 =	sadd.s32 $0x2, s7;
	v43 =	vor.u32 v27, v36;
	v50 =	vshrl.u32 v38, $0x3;
	v42 =	vld [tilespmem:s6+$0xA0];
	[tilespmem:v47+s29+$0x0] =	vst.idx.msk $0xffff, v39  }
0x2cc: {  	v54 =	vmov s20;
	s20 =	sadd.s32 $0x4, s7;
	v44 =	vmov s23;
	s23 =	sadd.s32 $0x5, s7;
	v48 =	vor.u32 v3, v33;
	v46 =	vld [tilespmem:s6+$0xFFFFFF20];
	[tilespmem:v56+s29+$0x0] =	vst.idx.msk $0xffff, v52  }
0x2cd: {  	v38 =	vmov s23;
	v51 =	vor.u32 v8, v45;
	v47 =	vmov s20;
	s20 =	sadd.s32 $0x6, s7;
	v49 =	vld [tilespmem:s6+$0xFFFFFF70];
	[tilespmem:v58+s29+$0x0] =	vst.idx.msk $0xffff, v57  }
0x2ce: {  	v45 =	vshll.u32 v50, v1;
	v39 =	vmov s20;
	s20 =	sadd.s32 $0x7, s7;
	s7 =	sadd.s32 $0x8, s7;
	v52 =	vor.u32 v12, v55;
	v50 =	vld [tilespmem:s6+$0xFFFFFFB0];
	[tilespmem:v60+s29+$0x0] =	vst.idx.msk $0xffff, v59  }
0x2cf: {  	_ =	sdelay $0x2  }
0x2d0: {  	v53 =	vshrl.u32 v53, $0x3  }
0x2d1: {  	v55 =	vmov s20;
	v56 =	vld [tilespmem:s6+$0xFFFFFFF0];
	v35 =	vor.u32 v16, v35;
	[tilespmem:v41+s29+$0x0] =	vst.idx.msk $0xffff, v40;
	v57 =	vshrl.u32 v54, $0x3  }
0x2d2: {  	v59 =	vld [tilespmem:s6+$0x30];
	v34 =	vor.u32 v20, v34;
	v60 =	vshrl.u32 v44, $0x3;
	v58 =	vshrl.u32 v55, $0x3;
	[tilespmem:v43+s29+$0x0] =	vst.idx.msk $0xffff, v42  }
0x2d3: {  	v37 =	vor.u32 v24, v37;
	v62 =	vshrl.u32 v47, $0x3;
	v61 =	vld [tilespmem:s6+$0x70];
	v41 =	vshll.u32 v58, v1;
	[tilespmem:v48+s29+$0x0] =	vst.idx.msk $0xffff, v46  }
0x2d4: {  	v36 =	vor.u32 v28, v36;
	v45 =	vbroadcast v45, $0x0;
	v63 =	vld [tilespmem:s6+$0xB0];
	v41 =	vbroadcast v41, $0x0;
	[tilespmem:v51+s29+$0x0] =	vst.idx.msk $0xffff, v49  }
0x2d5: {  	v33 =	vor.u32 v4, v33;
	s23 =	sadd.s32 $0x200, s6;
	v38 =	vshrl.u32 v38, $0x3;
	v55 =	vshll.u32 v53, v1;
	v48 =	vld [tilespmem:s6+$0xFFFFFF30];
	[tilespmem:v52+s29+$0x0] =	vst.idx.msk $0xffff, v50  }
0x2d6: {  	v40 =	vshll.u32 v57, v1;
	v47 =	vbroadcast v55, $0x0;
	v49 =	vld [tilespmem:s23+$0xC0];
	v50 =	vor.u32 v29, v41;
	[tilespmem:v35+s29+$0x0] =	vst.idx.msk $0xffff, v56  }
0x2d7: {  	v42 =	vshll.u32 v60, v1;
	v40 =	vbroadcast v40, $0x0;
	v35 =	vld [tilespmem:s23+$0xFFFFFF00];
	v56 =	vor.u32 v0, v45;
	[tilespmem:v34+s29+$0x0] =	vst.idx.msk $0xffff, v59  }
0x2d8: {  	v57 =	vld [tilespmem:s23+$0xFFFFFF40];
	v44 =	vshll.u32 v62, v1;
	v42 =	vbroadcast v42, $0x0;
	v58 =	vor.u32 v5, v47;
	[tilespmem:v37+s29+$0x0] =	vst.idx.msk $0xffff, v61  }
0x2d9: {  	v38 =	vshll.u32 v38, v1;
	v44 =	vbroadcast v44, $0x0;
	v60 =	vor.u32 v9, v40;
	v59 =	vld [tilespmem:s23+$0xFFFFFF80];
	[tilespmem:v36+s29+$0x0] =	vst.idx.msk $0xffff, v63  }
0x2da: {  	v38 =	vbroadcast v38, $0x0;
	v62 =	vor.u32 v13, v42;
	v61 =	vld [tilespmem:s23+$0xFFFFFFC0];
	[tilespmem:v33+s29+$0x0] =	vst.idx.msk $0xffff, v48  }
0x2db: {  	v39 =	vshrl.u32 v39, $0x3;
	v63 =	vor.u32 v17, v44;
	v33 =	vld [tilespmem:s23+$0x0];
	[tilespmem:v50+s29+$0x0] =	vst.idx.msk $0xffff, v49  }
0x2dc: {  	v39 =	vshll.u32 v39, v1;
	v34 =	vld [tilespmem:s23+$0x40];
	[tilespmem:v56+s29+$0x0] =	vst.idx.msk $0xffff, v35;
	v56 =	vor.u32 v21, v38  }
0x2dd: {  	[tilespmem:v58+s29+$0x0] =	vst.idx.msk $0xffff, v57;
	v35 =	vbroadcast v39, $0x0;
	v49 =	vor.u32 v30, v41;
	v39 =	vld [tilespmem:s23+$0xD0]  }
0x2de: {  	[tilespmem:v60+s29+$0x0] =	vst.idx.msk $0xffff, v59;
	v59 =	vld [tilespmem:s23+$0xFFFFFF50];
	v60 =	vor.u32 v6, v47  }
0x2df: {  	v57 =	vld [tilespmem:s23+$0x80];
	[tilespmem:v62+s29+$0x0] =	vst.idx.msk $0xffff, v61;
	v58 =	vor.u32 v25, v35  }
0x2e0: {  	v61 =	vld [tilespmem:s23+$0xFFFFFF90];
	v62 =	vor.u32 v10, v40;
	[tilespmem:v63+s29+$0x0] =	vst.idx.msk $0xffff, v33  }
0x2e1: {  	v33 =	vld [tilespmem:s23+$0xFFFFFFD0];
	v63 =	vor.u32 v14, v42;
	[tilespmem:v56+s29+$0x0] =	vst.idx.msk $0xffff, v34  }
0x2e2: {  	v56 =	vor.u32 v18, v44;
	[tilespmem:v49+s29+$0x0] =	vst.idx.msk $0xffff, v39;
	v49 =	vld [tilespmem:s23+$0x10]  }
0x2e3: {  	[tilespmem:v60+s29+$0x0] =	vst.idx.msk $0xffff, v59;
	v39 =	vor.u32 v31, v41;
	v34 =	vld [tilespmem:s23+$0xE0]  }
0x2e4: {  	[tilespmem:v58+s29+$0x0] =	vst.idx.msk $0xffff, v57;
	v57 =	vld [tilespmem:s23+$0x50];
	v58 =	vor.u32 v22, v38  }
0x2e5: {  	[tilespmem:v62+s29+$0x0] =	vst.idx.msk $0xffff, v61;
	v61 =	vld [tilespmem:s23+$0xFFFFFF10];
	v62 =	vor.u32 v2, v45  }
0x2e6: {  	v60 =	vor.u32 v26, v35;
	v59 =	vld [tilespmem:s23+$0x90];
	[tilespmem:v63+s29+$0x0] =	vst.idx.msk $0xffff, v33  }
0x2e7: {  	v55 =	vor.u32 v11, v40;
	v54 =	vor.u32 v32, v41;
	v41 =	vld [tilespmem:s23+$0xFFFFFFA0];
	[tilespmem:v56+s29+$0x0] =	vst.idx.msk $0xffff, v49  }
0x2e8: {  	v53 =	vor.u32 v7, v47;
	v63 =	vld [tilespmem:s23+$0xFFFFFF60];
	[tilespmem:v39+s29+$0x0] =	vst.idx.msk $0xffff, v34  }
0x2e9: {  	v56 =	vld [tilespmem:s23+$0xFFFFFFE0];
	[tilespmem:v58+s29+$0x0] =	vst.idx.msk $0xffff, v57;
	v57 =	vor.u32 v15, v42  }
0x2ea: {  	[tilespmem:v62+s29+$0x0] =	vst.idx.msk $0xffff, v61;
	v34 =	vld [tilespmem:s23+$0xF0]  }
0x2eb: {  	v58 =	vld [tilespmem:s23+$0x20];
	[tilespmem:v60+s29+$0x0] =	vst.idx.msk $0xffff, v59;
	v59 =	vor.u32 v19, v44  }
0x2ec: {  	v61 =	vor.u32 v23, v38;
	[tilespmem:v55+s29+$0x0] =	vst.idx.msk $0xffff, v41;
	v60 =	vld [tilespmem:s23+$0x60]  }
0x2ed: {  	[tilespmem:v53+s29+$0x0] =	vst.idx.msk $0xffff, v63;
	v63 =	vor.u32 v27, v35;
	v62 =	vld [tilespmem:s23+$0xA0]  }
0x2ee: {  	v47 =	vor.u32 v8, v47;
	v55 =	vld [tilespmem:s23+$0xFFFFFF70];
	[tilespmem:v57+s29+$0x0] =	vst.idx.msk $0xffff, v56  }
0x2ef: {  	v53 =	vld [tilespmem:s23+$0xFFFFFF20];
	[tilespmem:v54+s29+$0x0] =	vst.idx.msk $0xffff, v34;
	v54 =	vor.u32 v3, v45  }
0x2f0: {  	v40 =	vor.u32 v12, v40;
	v56 =	vld [tilespmem:s23+$0xFFFFFFB0];
	[tilespmem:v59+s29+$0x0] =	vst.idx.msk $0xffff, v58  }
0x2f1: {  	v42 =	vor.u32 v16, v42;
	v57 =	vld [tilespmem:s23+$0xFFFFFFF0];
	[tilespmem:v61+s29+$0x0] =	vst.idx.msk $0xffff, v60  }
0x2f2: {  	v59 =	vor.u32 v20, v44;
	v58 =	vld [tilespmem:s23+$0x30];
	[tilespmem:v63+s29+$0x0] =	vst.idx.msk $0xffff, v62  }
0x2f3: {  	v38 =	vor.u32 v24, v38;
	v60 =	vld [tilespmem:s23+$0x70];
	[tilespmem:v47+s29+$0x0] =	vst.idx.msk $0xffff, v55  }
0x2f4: {  	v35 =	vor.u32 v28, v35;
	v61 =	vld [tilespmem:s23+$0xB0];
	[tilespmem:v54+s29+$0x0] =	vst.idx.msk $0xffff, v53  }
0x2f5: {  	v63 =	vor.u32 v4, v45;
	[tilespmem:v40+s29+$0x0] =	vst.idx.msk $0xffff, v56;
	v62 =	vld [tilespmem:s23+$0xFFFFFF30]  }
0x2f6: {  	p1 =	sne.s32 s22, $0x18;
	[tilespmem:v42+s29+$0x0] =	vst.idx.msk $0xffff, v57  }
.Ltmp20:
0x2f7: {  	s26 =	sshll.u32 s22, $0x15;
	[tilespmem:v59+s29+$0x0] =	vst.idx.msk $0xffff, v58;
	(pc) =	sbr.rel @p1 .LBB2_30-.Ltmp20, $4  }
0x2f8: {  	s6 =	sor.u32 s9, s26;
	[tilespmem:v38+s29+$0x0] =	vst.idx.msk $0xffff, v60  }
0x2f9: {  	s23 =	sshrl.u32 s6, $0x3;
	[tilespmem:v35+s29+$0x0] =	vst.idx.msk $0xffff, v61  }
0x2fa: {  	s24 =	sadd.s32 $0x2, s24;
	s6 =	sadd.s32 s1, s23;
	[tilespmem:v63+s29+$0x0] =	vst.idx.msk $0xffff, v62  }
0x2fb: {  	[hbm4b:s6+s30] =	stream.strided.scatter [tilespmem:s29], [sflag:$0x11], $0x2000, s31, s30, $0x38;
	[tilespmem:$0x18400] =	vst v63  }
.Ltmp21:
0x2fc: {  	(pc) =	sbr.rel .LBB2_31-.Ltmp21, $4  }
0x2fd: {  	s6 =	simm.s32 $0xA  }
0x2fe: {  	_ =	swait.ge [sflag:s6], $0x2000  }
0x2ff: {  	[sflag:s6] =	ssyncset.done $0x0  }
0x300: {  	[sflag:s6] =	ssyncadd.s32 $0xFFFFE000  }
.LBB2_30:
0x301: {  	s6 =	sshll.u32 s24, $0xE;
	s7 =	rddreg [dreg:$0x3]  }
0x302: {  	s6 =	sor.u32 s7, s6  }
0x303: {  	s6 =	sshrl.u32 s6, $0x3  }
.Ltmp22:
0x304: {  	s26 =	simm.s32 $0xA;
	s6 =	sadd.s32 s4, s6;
	(pc) =	sbr.rel @p0 .LBB2_32-.Ltmp22, $4  }
0x305: {  	[tilespmem:s3], [sflag:$0x1] =	stream.linear.gather [hbm4b:s6+s3], $0x80, $0x38;
	[tilespmem:$0x18400] =	vst v63  }
0x306: {  	_ =	swait.ge [sflag:s26], $0x2000  }
0x307: {  	[sflag:s26] =	ssyncset.done $0x0  }
0x308: {  	[sflag:s26] =	ssyncadd.s32 $0xFFFFE000  }
.LBB2_31:
0x309: {  	_ =	swait.ge [sflag:s2], $0x2000  }
0x30a: {  	[sflag:s2] =	ssyncset.done $0x0  }
0x30b: {  	[sflag:s2] =	ssyncadd.s32 $0xFFFFE000  }
.LBB2_32:
0x30c: {  	s6 =	simm.s32 $0x0;
	s20 =	simm.s32 $0x1;
	s7 =	simm.s32 $0x2  }
0x30d: {  	s26 =	simm.s32 $0x3;
	v33 =	vmov s6;
	v34 =	vmov s20;
	v35 =	vmov s7;
	s7 =	simm.s32 $0x4  }
0x30e: {  	s20 =	simm.s32 $0x7;
	v36 =	vmov s26;
	s26 =	simm.s32 $0x5;
	v33 =	vshrl.u32 v33, $0x3;
	v37 =	vmov s7  }
0x30f: {  	v38 =	vmov s20;
	v39 =	vmov s26;
	v34 =	vshrl.u32 v34, $0x3  }
0x310: {  	s7 =	simm.s32 $0x6;
	v35 =	vshrl.u32 v35, $0x3;
	v36 =	vshrl.u32 v36, $0x3;
	v33 =	vshll.u32 v33, v1  }
0x311: {  	v38 =	vshrl.u32 v38, $0x3;
	v40 =	vmov s7;
	v37 =	vshrl.u32 v37, $0x3  }
0x312: {  	v34 =	vshll.u32 v34, v1;
	v52 =	vshll.u32 v35, v1;
	v33 =	vbroadcast v33, $0x0  }
0x313: {  	s6 =	simm.s32 $0x2500;
	v53 =	vshll.u32 v36, v1;
	v38 =	vshll.u32 v38, v1;
	v45 =	vbroadcast v34, $0x0  }
0x314: {  	v43 =	vld [tilespmem:s6+$0xFFFFFF00];
	v55 =	vshrl.u32 v39, $0x3;
	v38 =	vbroadcast v38, $0x0;
	v44 =	vor.u32 v0, v33  }
0x315: {  	v46 =	vld [tilespmem:s6+$0xFFFFFF40];
	v52 =	vbroadcast v52, $0x0;
	v35 =	vbroadcast v53, $0x0;
	v47 =	vor.u32 v5, v45  }
0x316: {  	v41 =	vld [tilespmem:s6+$0xC0];
	v54 =	vshll.u32 v37, v1;
	v36 =	vshll.u32 v55, v1;
	v42 =	vor.u32 v29, v38  }
0x317: {  	v48 =	vld [tilespmem:s6+$0xFFFFFF80];
	v40 =	vshrl.u32 v40, $0x3;
	v34 =	vbroadcast v54, $0x0;
	v49 =	vor.u32 v9, v52  }
0x318: {  	v39 =	vld [tilespmem:s6+$0xFFFFFFC0];
	v37 =	vbroadcast v36, $0x0;
	v56 =	vshll.u32 v40, v1;
	v50 =	vor.u32 v13, v35  }
0x319: {  	v51 =	vld [tilespmem:s6+$0x0];
	v36 =	vbroadcast v56, $0x0;
	v53 =	vor.u32 v17, v34;
	[tilespmem:v44+s25+$0x0] =	vst.idx.msk $0xffff, v43  }
0x31a: {  	v59 =	vld [tilespmem:s6+$0x40];
	v60 =	vor.u32 v21, v37;
	[tilespmem:v47+s25+$0x0] =	vst.idx.msk $0xffff, v46  }
0x31b: {  	v61 =	vld [tilespmem:s6+$0x80];
	v62 =	vor.u32 v25, v36;
	[tilespmem:v42+s25+$0x0] =	vst.idx.msk $0xffff, v41  }
0x31c: {  	v58 =	vor.u32 v30, v38;
	[tilespmem:v49+s25+$0x0] =	vst.idx.msk $0xffff, v48;
	v57 =	vld [tilespmem:s6+$0xD0]  }
0x31d: {  	v63 =	vor.u32 v6, v45;
	[tilespmem:v50+s25+$0x0] =	vst.idx.msk $0xffff, v39;
	v47 =	vld [tilespmem:s6+$0xFFFFFF50]  }
0x31e: {  	v55 =	vor.u32 v10, v52;
	v54 =	vld [tilespmem:s6+$0xFFFFFF90];
	[tilespmem:v53+s25+$0x0] =	vst.idx.msk $0xffff, v51  }
0x31f: {  	v56 =	vor.u32 v14, v35;
	v50 =	vld [tilespmem:s6+$0xFFFFFFD0];
	[tilespmem:v60+s25+$0x0] =	vst.idx.msk $0xffff, v59  }
0x320: {  	v46 =	vor.u32 v22, v37;
	[tilespmem:v62+s25+$0x0] =	vst.idx.msk $0xffff, v61;
	v44 =	vld [tilespmem:s6+$0x50]  }
0x321: {  	v59 =	vor.u32 v18, v34;
	[tilespmem:v58+s25+$0x0] =	vst.idx.msk $0xffff, v57;
	v58 =	vld [tilespmem:s6+$0x10]  }
0x322: {  	[tilespmem:v63+s25+$0x0] =	vst.idx.msk $0xffff, v47;
	v57 =	vor.u32 v31, v38;
	v40 =	vld [tilespmem:s6+$0xE0]  }
0x323: {  	v61 =	vld [tilespmem:s6+$0xFFFFFF10];
	v62 =	vor.u32 v2, v33;
	[tilespmem:v55+s25+$0x0] =	vst.idx.msk $0xffff, v54  }
0x324: {  	v60 =	vor.u32 v26, v36;
	v63 =	vld [tilespmem:s6+$0x90];
	[tilespmem:v56+s25+$0x0] =	vst.idx.msk $0xffff, v50  }
0x325: {  	v51 =	vor.u32 v7, v45;
	v50 =	vld [tilespmem:s6+$0xFFFFFF60];
	[tilespmem:v46+s25+$0x0] =	vst.idx.msk $0xffff, v44  }
0x326: {  	v56 =	vor.u32 v11, v52;
	v55 =	vld [tilespmem:s6+$0xFFFFFFA0];
	[tilespmem:v59+s25+$0x0] =	vst.idx.msk $0xffff, v58  }
0x327: {  	v58 =	vor.u32 v15, v35;
	[tilespmem:v57+s25+$0x0] =	vst.idx.msk $0xffff, v40;
	v57 =	vld [tilespmem:s6+$0xFFFFFFE0]  }
0x328: {  	v38 =	vor.u32 v32, v38;
	[tilespmem:v62+s25+$0x0] =	vst.idx.msk $0xffff, v61;
	v54 =	vld [tilespmem:s6+$0xF0]  }
0x329: {  	[tilespmem:v60+s25+$0x0] =	vst.idx.msk $0xffff, v63;
	v60 =	vor.u32 v19, v34;
	v59 =	vld [tilespmem:s6+$0x20]  }
0x32a: {  	s20 =	simm.s32 $0x8;
	s26 =	simm.s32 $0x9;
	v43 =	vor.u32 v27, v36;
	v41 =	vor.u32 v23, v37;
	[tilespmem:v51+s25+$0x0] =	vst.idx.msk $0xffff, v50;
	v40 =	vld [tilespmem:s6+$0x60]  }
0x32b: {  	v48 =	vor.u32 v3, v33;
	v53 =	vmov s26;
	s26 =	simm.s32 $0xB;
	v63 =	vmov s20;
	v42 =	vld [tilespmem:s6+$0xA0];
	[tilespmem:v56+s25+$0x0] =	vst.idx.msk $0xffff, v55  }
0x32c: {  	v52 =	vor.u32 v12, v52;
	v44 =	vmov s26;
	s26 =	simm.s32 $0xD;
	v46 =	vld [tilespmem:s6+$0xFFFFFF20];
	s20 =	simm.s32 $0xA;
	v39 =	vshrl.u32 v63, $0x3;
	[tilespmem:v58+s25+$0x0] =	vst.idx.msk $0xffff, v57  }
0x32d: {  	v51 =	vor.u32 v8, v45;
	v49 =	vld [tilespmem:s6+$0xFFFFFF70];
	[tilespmem:v38+s25+$0x0] =	vst.idx.msk $0xffff, v54;
	v54 =	vmov s20;
	s20 =	simm.s32 $0xC;
	v38 =	vmov s26;
	s26 =	simm.s32 $0xE  }
0x32e: {  	s7 =	simm.s32 $0x10;
	v45 =	vshll.u32 v39, v1;
	v50 =	vld [tilespmem:s6+$0xFFFFFFB0];
	[tilespmem:v60+s25+$0x0] =	vst.idx.msk $0xffff, v59;
	v47 =	vmov s20;
	v39 =	vmov s26;
	s20 =	simm.s32 $0xF  }
.LBB2_33:
0x32f: {  	p2 =	slt.u32 s7, $0x78;
	v53 =	vshrl.u32 v53, $0x3;
	v55 =	vmov s20;
	v56 =	vld [tilespmem:s6+$0xFFFFFFF0];
	v35 =	vor.u32 v16, v35;
	[tilespmem:v41+s25+$0x0] =	vst.idx.msk $0xffff, v40  }
0x330: {  	v40 =	vshrl.u32 v54, $0x3;
	v34 =	vor.u32 v20, v34;
	v41 =	vshrl.u32 v55, $0x3;
	v54 =	vld [tilespmem:s6+$0x30];
	[tilespmem:v43+s25+$0x0] =	vst.idx.msk $0xffff, v42  }
0x331: {  	v37 =	vor.u32 v24, v37;
	v42 =	vshrl.u32 v44, $0x3;
	v41 =	vshll.u32 v41, v1;
	[tilespmem:v48+s25+$0x0] =	vst.idx.msk $0xffff, v46;
	v43 =	vld [tilespmem:s6+$0x70]  }
0x332: {  	v36 =	vor.u32 v28, v36;
	v44 =	vshrl.u32 v47, $0x3;
	v41 =	vbroadcast v41, $0x0;
	[tilespmem:v51+s25+$0x0] =	vst.idx.msk $0xffff, v49;
	v46 =	vld [tilespmem:s6+$0xB0]  }
0x333: {  	v47 =	vshll.u32 v53, v1;
	v49 =	vor.u32 v4, v33;
	v33 =	vbroadcast v45, $0x0;
	v48 =	vld [tilespmem:s6+$0xFFFFFF30];
	[tilespmem:v52+s25+$0x0] =	vst.idx.msk $0xffff, v50;
	s6 =	sadd.s32 $0x200, s6  }
0x334: {  	v40 =	vshll.u32 v40, v1;
	v45 =	vbroadcast v47, $0x0;
	v47 =	vld [tilespmem:s6+$0xC0];
	v50 =	vor.u32 v29, v41;
	[tilespmem:v35+s25+$0x0] =	vst.idx.msk $0xffff, v56  }
0x335: {  	v55 =	vbroadcast v40, $0x0;
	v52 =	vor.u32 v0, v33;
	v35 =	vshll.u32 v42, v1;
	v51 =	vld [tilespmem:s6+$0xFFFFFF00];
	[tilespmem:v34+s25+$0x0] =	vst.idx.msk $0xffff, v54  }
0x336: {  	v42 =	vor.u32 v5, v45;
	v35 =	vbroadcast v35, $0x0;
	v34 =	vshll.u32 v44, v1;
	v40 =	vld [tilespmem:s6+$0xFFFFFF40];
	[tilespmem:v37+s25+$0x0] =	vst.idx.msk $0xffff, v43  }
0x337: {  	v44 =	vor.u32 v9, v55;
	v34 =	vbroadcast v34, $0x0;
	v37 =	vshrl.u32 v38, $0x3;
	v43 =	vld [tilespmem:s6+$0xFFFFFF80];
	[tilespmem:v36+s25+$0x0] =	vst.idx.msk $0xffff, v46  }
0x338: {  	v39 =	vshrl.u32 v39, $0x3;
	v46 =	vor.u32 v13, v35;
	v36 =	vshll.u32 v37, v1;
	v38 =	vld [tilespmem:s6+$0xFFFFFFC0];
	[tilespmem:v49+s25+$0x0] =	vst.idx.msk $0xffff, v48  }
0x339: {  	v49 =	vor.u32 v17, v34;
	v37 =	vbroadcast v36, $0x0;
	v36 =	vshll.u32 v39, v1;
	v48 =	vld [tilespmem:s6+$0x0];
	[tilespmem:v50+s25+$0x0] =	vst.idx.msk $0xffff, v47  }
0x33a: {  	v36 =	vbroadcast v36, $0x0;
	v47 =	vor.u32 v30, v41;
	[tilespmem:v52+s25+$0x0] =	vst.idx.msk $0xffff, v51;
	v39 =	vld [tilespmem:s6+$0xD0]  }
0x33b: {  	[tilespmem:v42+s25+$0x0] =	vst.idx.msk $0xffff, v40;
	v40 =	vld [tilespmem:s6+$0x40];
	v42 =	vor.u32 v21, v37  }
0x33c: {  	[tilespmem:v44+s25+$0x0] =	vst.idx.msk $0xffff, v43;
	v43 =	vld [tilespmem:s6+$0x80];
	v44 =	vor.u32 v25, v36  }
0x33d: {  	v51 =	vor.u32 v6, v45;
	v50 =	vld [tilespmem:s6+$0xFFFFFF50];
	[tilespmem:v46+s25+$0x0] =	vst.idx.msk $0xffff, v38  }
0x33e: {  	v46 =	vor.u32 v10, v55;
	v38 =	vld [tilespmem:s6+$0xFFFFFF90];
	[tilespmem:v49+s25+$0x0] =	vst.idx.msk $0xffff, v48  }
0x33f: {  	v49 =	vor.u32 v14, v35;
	v48 =	vld [tilespmem:s6+$0xFFFFFFD0];
	[tilespmem:v47+s25+$0x0] =	vst.idx.msk $0xffff, v39  }
0x340: {  	[tilespmem:v42+s25+$0x0] =	vst.idx.msk $0xffff, v40;
	v39 =	vld [tilespmem:s6+$0xE0];
	v40 =	vor.u32 v31, v41  }
0x341: {  	v47 =	vor.u32 v18, v34;
	v42 =	vld [tilespmem:s6+$0x10];
	[tilespmem:v44+s25+$0x0] =	vst.idx.msk $0xffff, v43  }
0x342: {  	v44 =	vor.u32 v22, v37;
	[tilespmem:v51+s25+$0x0] =	vst.idx.msk $0xffff, v50;
	v43 =	vld [tilespmem:s6+$0x50]  }
0x343: {  	[tilespmem:v46+s25+$0x0] =	vst.idx.msk $0xffff, v38;
	v38 =	vld [tilespmem:s6+$0x90];
	v46 =	vor.u32 v26, v36  }
0x344: {  	v51 =	vor.u32 v2, v33;
	v50 =	vld [tilespmem:s6+$0xFFFFFF10];
	[tilespmem:v49+s25+$0x0] =	vst.idx.msk $0xffff, v48  }
0x345: {  	v49 =	vor.u32 v7, v45;
	v48 =	vld [tilespmem:s6+$0xFFFFFF60];
	[tilespmem:v40+s25+$0x0] =	vst.idx.msk $0xffff, v39  }
0x346: {  	[tilespmem:v47+s25+$0x0] =	vst.idx.msk $0xffff, v42;
	v39 =	vld [tilespmem:s6+$0xF0];
	v47 =	vor.u32 v32, v41  }
0x347: {  	v56 =	vor.u32 v11, v55;
	v52 =	vld [tilespmem:s6+$0xFFFFFFA0];
	[tilespmem:v44+s25+$0x0] =	vst.idx.msk $0xffff, v43  }
0x348: {  	v58 =	vor.u32 v15, v35;
	v57 =	vld [tilespmem:s6+$0xFFFFFFE0];
	[tilespmem:v46+s25+$0x0] =	vst.idx.msk $0xffff, v38  }
0x349: {  	v60 =	vor.u32 v19, v34;
	[tilespmem:v51+s25+$0x0] =	vst.idx.msk $0xffff, v50;
	v59 =	vld [tilespmem:s6+$0x20]  }
.Ltmp23:
0x34a: {  	s20 =	sadd.s32 $0x1, s7;
	v41 =	vor.u32 v23, v37;
	v38 =	vmov s7;
	[tilespmem:v49+s25+$0x0] =	vst.idx.msk $0xffff, v48;
	v40 =	vld [tilespmem:s6+$0x60];
	(pc) =	sbr.rel @p2 .LBB2_33-.Ltmp23, $4  }
0x34b: {  	s26 =	sadd.s32 $0x3, s7;
	v53 =	vmov s20;
	s20 =	sadd.s32 $0x2, s7;
	v43 =	vor.u32 v27, v36;
	v50 =	vshrl.u32 v38, $0x3;
	v42 =	vld [tilespmem:s6+$0xA0];
	[tilespmem:v47+s25+$0x0] =	vst.idx.msk $0xffff, v39  }
0x34c: {  	v54 =	vmov s20;
	s20 =	sadd.s32 $0x4, s7;
	v44 =	vmov s26;
	s26 =	sadd.s32 $0x5, s7;
	v48 =	vor.u32 v3, v33;
	v46 =	vld [tilespmem:s6+$0xFFFFFF20];
	[tilespmem:v56+s25+$0x0] =	vst.idx.msk $0xffff, v52  }
0x34d: {  	v38 =	vmov s26;
	v51 =	vor.u32 v8, v45;
	v47 =	vmov s20;
	s20 =	sadd.s32 $0x6, s7;
	v49 =	vld [tilespmem:s6+$0xFFFFFF70];
	[tilespmem:v58+s25+$0x0] =	vst.idx.msk $0xffff, v57  }
0x34e: {  	v45 =	vshll.u32 v50, v1;
	v39 =	vmov s20;
	s20 =	sadd.s32 $0x7, s7;
	s7 =	sadd.s32 $0x8, s7;
	v52 =	vor.u32 v12, v55;
	v50 =	vld [tilespmem:s6+$0xFFFFFFB0];
	[tilespmem:v60+s25+$0x0] =	vst.idx.msk $0xffff, v59  }
0x34f: {  	_ =	sdelay $0x2  }
0x350: {  	v53 =	vshrl.u32 v53, $0x3  }
0x351: {  	v55 =	vmov s20;
	v56 =	vld [tilespmem:s6+$0xFFFFFFF0];
	v35 =	vor.u32 v16, v35;
	[tilespmem:v41+s25+$0x0] =	vst.idx.msk $0xffff, v40;
	v57 =	vshrl.u32 v54, $0x3  }
0x352: {  	v59 =	vld [tilespmem:s6+$0x30];
	v34 =	vor.u32 v20, v34;
	v60 =	vshrl.u32 v44, $0x3;
	v58 =	vshrl.u32 v55, $0x3;
	[tilespmem:v43+s25+$0x0] =	vst.idx.msk $0xffff, v42  }
0x353: {  	v37 =	vor.u32 v24, v37;
	v62 =	vshrl.u32 v47, $0x3;
	v61 =	vld [tilespmem:s6+$0x70];
	v41 =	vshll.u32 v58, v1;
	[tilespmem:v48+s25+$0x0] =	vst.idx.msk $0xffff, v46  }
0x354: {  	v36 =	vor.u32 v28, v36;
	v45 =	vbroadcast v45, $0x0;
	v63 =	vld [tilespmem:s6+$0xB0];
	v41 =	vbroadcast v41, $0x0;
	[tilespmem:v51+s25+$0x0] =	vst.idx.msk $0xffff, v49  }
0x355: {  	v33 =	vor.u32 v4, v33;
	s20 =	sadd.s32 $0x200, s6;
	v38 =	vshrl.u32 v38, $0x3;
	v55 =	vshll.u32 v53, v1;
	v48 =	vld [tilespmem:s6+$0xFFFFFF30];
	[tilespmem:v52+s25+$0x0] =	vst.idx.msk $0xffff, v50  }
0x356: {  	v40 =	vshll.u32 v57, v1;
	v47 =	vbroadcast v55, $0x0;
	v49 =	vld [tilespmem:s20+$0xC0];
	v50 =	vor.u32 v29, v41;
	[tilespmem:v35+s25+$0x0] =	vst.idx.msk $0xffff, v56  }
0x357: {  	v42 =	vshll.u32 v60, v1;
	v40 =	vbroadcast v40, $0x0;
	v35 =	vld [tilespmem:s20+$0xFFFFFF00];
	v56 =	vor.u32 v0, v45;
	[tilespmem:v34+s25+$0x0] =	vst.idx.msk $0xffff, v59  }
0x358: {  	v57 =	vld [tilespmem:s20+$0xFFFFFF40];
	v44 =	vshll.u32 v62, v1;
	v42 =	vbroadcast v42, $0x0;
	v58 =	vor.u32 v5, v47;
	[tilespmem:v37+s25+$0x0] =	vst.idx.msk $0xffff, v61  }
0x359: {  	v38 =	vshll.u32 v38, v1;
	v44 =	vbroadcast v44, $0x0;
	v60 =	vor.u32 v9, v40;
	v59 =	vld [tilespmem:s20+$0xFFFFFF80];
	[tilespmem:v36+s25+$0x0] =	vst.idx.msk $0xffff, v63  }
0x35a: {  	v38 =	vbroadcast v38, $0x0;
	v62 =	vor.u32 v13, v42;
	v61 =	vld [tilespmem:s20+$0xFFFFFFC0];
	[tilespmem:v33+s25+$0x0] =	vst.idx.msk $0xffff, v48  }
0x35b: {  	v39 =	vshrl.u32 v39, $0x3;
	v63 =	vor.u32 v17, v44;
	v33 =	vld [tilespmem:s20+$0x0];
	[tilespmem:v50+s25+$0x0] =	vst.idx.msk $0xffff, v49  }
0x35c: {  	v39 =	vshll.u32 v39, v1;
	v34 =	vld [tilespmem:s20+$0x40];
	[tilespmem:v56+s25+$0x0] =	vst.idx.msk $0xffff, v35;
	v56 =	vor.u32 v21, v38  }
0x35d: {  	[tilespmem:v58+s25+$0x0] =	vst.idx.msk $0xffff, v57;
	v35 =	vbroadcast v39, $0x0;
	v49 =	vor.u32 v30, v41;
	v39 =	vld [tilespmem:s20+$0xD0]  }
0x35e: {  	[tilespmem:v60+s25+$0x0] =	vst.idx.msk $0xffff, v59;
	v59 =	vld [tilespmem:s20+$0xFFFFFF50];
	v60 =	vor.u32 v6, v47  }
0x35f: {  	v57 =	vld [tilespmem:s20+$0x80];
	[tilespmem:v62+s25+$0x0] =	vst.idx.msk $0xffff, v61;
	v58 =	vor.u32 v25, v35  }
0x360: {  	v61 =	vld [tilespmem:s20+$0xFFFFFF90];
	v62 =	vor.u32 v10, v40;
	[tilespmem:v63+s25+$0x0] =	vst.idx.msk $0xffff, v33  }
0x361: {  	v33 =	vld [tilespmem:s20+$0xFFFFFFD0];
	v63 =	vor.u32 v14, v42;
	[tilespmem:v56+s25+$0x0] =	vst.idx.msk $0xffff, v34  }
0x362: {  	v56 =	vor.u32 v18, v44;
	[tilespmem:v49+s25+$0x0] =	vst.idx.msk $0xffff, v39;
	v49 =	vld [tilespmem:s20+$0x10]  }
0x363: {  	[tilespmem:v60+s25+$0x0] =	vst.idx.msk $0xffff, v59;
	v39 =	vor.u32 v31, v41;
	v34 =	vld [tilespmem:s20+$0xE0]  }
0x364: {  	[tilespmem:v58+s25+$0x0] =	vst.idx.msk $0xffff, v57;
	v57 =	vld [tilespmem:s20+$0x50];
	v58 =	vor.u32 v22, v38  }
0x365: {  	[tilespmem:v62+s25+$0x0] =	vst.idx.msk $0xffff, v61;
	v61 =	vld [tilespmem:s20+$0xFFFFFF10];
	v62 =	vor.u32 v2, v45  }
0x366: {  	v60 =	vor.u32 v26, v35;
	v59 =	vld [tilespmem:s20+$0x90];
	[tilespmem:v63+s25+$0x0] =	vst.idx.msk $0xffff, v33  }
0x367: {  	v55 =	vor.u32 v11, v40;
	v54 =	vor.u32 v32, v41;
	v41 =	vld [tilespmem:s20+$0xFFFFFFA0];
	[tilespmem:v56+s25+$0x0] =	vst.idx.msk $0xffff, v49  }
0x368: {  	v53 =	vor.u32 v7, v47;
	v63 =	vld [tilespmem:s20+$0xFFFFFF60];
	[tilespmem:v39+s25+$0x0] =	vst.idx.msk $0xffff, v34  }
0x369: {  	v56 =	vld [tilespmem:s20+$0xFFFFFFE0];
	[tilespmem:v58+s25+$0x0] =	vst.idx.msk $0xffff, v57;
	v57 =	vor.u32 v15, v42  }
0x36a: {  	[tilespmem:v62+s25+$0x0] =	vst.idx.msk $0xffff, v61;
	v34 =	vld [tilespmem:s20+$0xF0]  }
0x36b: {  	v58 =	vld [tilespmem:s20+$0x20];
	[tilespmem:v60+s25+$0x0] =	vst.idx.msk $0xffff, v59;
	v59 =	vor.u32 v19, v44  }
0x36c: {  	v61 =	vor.u32 v23, v38;
	[tilespmem:v55+s25+$0x0] =	vst.idx.msk $0xffff, v41;
	v60 =	vld [tilespmem:s20+$0x60]  }
0x36d: {  	[tilespmem:v53+s25+$0x0] =	vst.idx.msk $0xffff, v63;
	v63 =	vor.u32 v27, v35;
	v62 =	vld [tilespmem:s20+$0xA0]  }
0x36e: {  	v47 =	vor.u32 v8, v47;
	v55 =	vld [tilespmem:s20+$0xFFFFFF70];
	[tilespmem:v57+s25+$0x0] =	vst.idx.msk $0xffff, v56  }
0x36f: {  	v53 =	vld [tilespmem:s20+$0xFFFFFF20];
	[tilespmem:v54+s25+$0x0] =	vst.idx.msk $0xffff, v34;
	v54 =	vor.u32 v3, v45  }
0x370: {  	v40 =	vor.u32 v12, v40;
	v56 =	vld [tilespmem:s20+$0xFFFFFFB0];
	[tilespmem:v59+s25+$0x0] =	vst.idx.msk $0xffff, v58  }
0x371: {  	v42 =	vor.u32 v16, v42;
	v57 =	vld [tilespmem:s20+$0xFFFFFFF0];
	[tilespmem:v61+s25+$0x0] =	vst.idx.msk $0xffff, v60  }
0x372: {  	v59 =	vor.u32 v20, v44;
	v58 =	vld [tilespmem:s20+$0x30];
	[tilespmem:v63+s25+$0x0] =	vst.idx.msk $0xffff, v62  }
0x373: {  	v38 =	vor.u32 v24, v38;
	v60 =	vld [tilespmem:s20+$0x70];
	[tilespmem:v47+s25+$0x0] =	vst.idx.msk $0xffff, v55  }
0x374: {  	v35 =	vor.u32 v28, v35;
	v61 =	vld [tilespmem:s20+$0xB0];
	[tilespmem:v54+s25+$0x0] =	vst.idx.msk $0xffff, v53  }
0x375: {  	v63 =	vor.u32 v4, v45;
	[tilespmem:v40+s25+$0x0] =	vst.idx.msk $0xffff, v56;
	v62 =	vld [tilespmem:s20+$0xFFFFFF30]  }
0x376: {  	[tilespmem:v42+s25+$0x0] =	vst.idx.msk $0xffff, v57  }
.Ltmp24:
0x377: {  	[tilespmem:v59+s25+$0x0] =	vst.idx.msk $0xffff, v58;
	(pc) =	sbr.rel @p1 .LBB2_36-.Ltmp24, $4  }
0x378: {  	[tilespmem:v38+s25+$0x0] =	vst.idx.msk $0xffff, v60  }
0x379: {  	s26 =	sadd.s32 s23, s1;
	[tilespmem:v35+s25+$0x0] =	vst.idx.msk $0xffff, v61  }
0x37a: {  	s23 =	sadd.s32 $0x80, s26;
	[tilespmem:v63+s25+$0x0] =	vst.idx.msk $0xffff, v62  }
0x37b: {  	[hbm4b:s23+s30] =	stream.strided.scatter [tilespmem:s25], [sflag:$0x12], $0x2000, s31, s30, $0x38;
	[tilespmem:$0x18400] =	vst v63  }
.Ltmp25:
0x37c: {  	(pc) =	sbr.rel .LBB2_37-.Ltmp25, $4  }
0x37d: {  	s6 =	simm.s32 $0xB  }
0x37e: {  	_ =	swait.ge [sflag:s6], $0x2000  }
0x37f: {  	[sflag:s6] =	ssyncset.done $0x0  }
0x380: {  	[sflag:s6] =	ssyncadd.s32 $0xFFFFE000  }
.LBB2_36:
0x381: {  	s6 =	sshll.u32 s24, $0xE;
	s7 =	rddreg [dreg:$0x5]  }
0x382: {  	s6 =	sor.u32 s7, s6  }
0x383: {  	s6 =	sshrl.u32 s6, $0x3  }
.Ltmp26:
0x384: {  	s23 =	simm.s32 $0xB;
	s6 =	sadd.s32 s4, s6;
	(pc) =	sbr.rel @p0 .LBB2_38-.Ltmp26, $4  }
0x385: {  	[tilespmem:s21], [sflag:$0x2] =	stream.linear.gather [hbm4b:s6+s3], $0x80, $0x38;
	[tilespmem:$0x18400] =	vst v63  }
0x386: {  	_ =	swait.ge [sflag:s23], $0x2000  }
0x387: {  	[sflag:s23] =	ssyncset.done $0x0  }
0x388: {  	[sflag:s23] =	ssyncadd.s32 $0xFFFFE000  }
.LBB2_37:
0x389: {  	_ =	swait.ge [sflag:s11], $0x2000  }
0x38a: {  	[sflag:s11] =	ssyncset.done $0x0  }
0x38b: {  	[sflag:s11] =	ssyncadd.s32 $0xFFFFE000  }
.LBB2_38:
0x38c: {  	s6 =	simm.s32 $0x0;
	s20 =	simm.s32 $0x1;
	s7 =	simm.s32 $0x2  }
0x38d: {  	s23 =	simm.s32 $0x3;
	v33 =	vmov s6;
	v34 =	vmov s20;
	v35 =	vmov s7;
	s7 =	simm.s32 $0x4  }
0x38e: {  	s20 =	simm.s32 $0x7;
	v36 =	vmov s23;
	s23 =	simm.s32 $0x5;
	v33 =	vshrl.u32 v33, $0x3;
	v37 =	vmov s7  }
0x38f: {  	v38 =	vmov s20;
	v39 =	vmov s23;
	v34 =	vshrl.u32 v34, $0x3  }
0x390: {  	s7 =	simm.s32 $0x6;
	v35 =	vshrl.u32 v35, $0x3;
	v36 =	vshrl.u32 v36, $0x3;
	v33 =	vshll.u32 v33, v1  }
0x391: {  	v38 =	vshrl.u32 v38, $0x3;
	v40 =	vmov s7;
	v37 =	vshrl.u32 v37, $0x3  }
0x392: {  	v34 =	vshll.u32 v34, v1;
	v52 =	vshll.u32 v35, v1;
	v33 =	vbroadcast v33, $0x0  }
0x393: {  	s6 =	simm.s32 $0x4500;
	v53 =	vshll.u32 v36, v1;
	v38 =	vshll.u32 v38, v1;
	v45 =	vbroadcast v34, $0x0  }
0x394: {  	v43 =	vld [tilespmem:s6+$0xFFFFFF00];
	v55 =	vshrl.u32 v39, $0x3;
	v38 =	vbroadcast v38, $0x0;
	v44 =	vor.u32 v0, v33  }
0x395: {  	v46 =	vld [tilespmem:s6+$0xFFFFFF40];
	v52 =	vbroadcast v52, $0x0;
	v35 =	vbroadcast v53, $0x0;
	v47 =	vor.u32 v5, v45  }
0x396: {  	v41 =	vld [tilespmem:s6+$0xC0];
	v54 =	vshll.u32 v37, v1;
	v36 =	vshll.u32 v55, v1;
	v42 =	vor.u32 v29, v38  }
0x397: {  	v48 =	vld [tilespmem:s6+$0xFFFFFF80];
	v40 =	vshrl.u32 v40, $0x3;
	v34 =	vbroadcast v54, $0x0;
	v49 =	vor.u32 v9, v52  }
0x398: {  	v39 =	vld [tilespmem:s6+$0xFFFFFFC0];
	v37 =	vbroadcast v36, $0x0;
	v56 =	vshll.u32 v40, v1;
	v50 =	vor.u32 v13, v35  }
0x399: {  	v51 =	vld [tilespmem:s6+$0x0];
	v36 =	vbroadcast v56, $0x0;
	v53 =	vor.u32 v17, v34;
	[tilespmem:v44+s14+$0x0] =	vst.idx.msk $0xffff, v43  }
0x39a: {  	v59 =	vld [tilespmem:s6+$0x40];
	v60 =	vor.u32 v21, v37;
	[tilespmem:v47+s14+$0x0] =	vst.idx.msk $0xffff, v46  }
0x39b: {  	v61 =	vld [tilespmem:s6+$0x80];
	v62 =	vor.u32 v25, v36;
	[tilespmem:v42+s14+$0x0] =	vst.idx.msk $0xffff, v41  }
0x39c: {  	v58 =	vor.u32 v30, v38;
	[tilespmem:v49+s14+$0x0] =	vst.idx.msk $0xffff, v48;
	v57 =	vld [tilespmem:s6+$0xD0]  }
0x39d: {  	v63 =	vor.u32 v6, v45;
	[tilespmem:v50+s14+$0x0] =	vst.idx.msk $0xffff, v39;
	v47 =	vld [tilespmem:s6+$0xFFFFFF50]  }
0x39e: {  	v55 =	vor.u32 v10, v52;
	v54 =	vld [tilespmem:s6+$0xFFFFFF90];
	[tilespmem:v53+s14+$0x0] =	vst.idx.msk $0xffff, v51  }
0x39f: {  	v56 =	vor.u32 v14, v35;
	v50 =	vld [tilespmem:s6+$0xFFFFFFD0];
	[tilespmem:v60+s14+$0x0] =	vst.idx.msk $0xffff, v59  }
0x3a0: {  	v46 =	vor.u32 v22, v37;
	[tilespmem:v62+s14+$0x0] =	vst.idx.msk $0xffff, v61;
	v44 =	vld [tilespmem:s6+$0x50]  }
0x3a1: {  	v59 =	vor.u32 v18, v34;
	[tilespmem:v58+s14+$0x0] =	vst.idx.msk $0xffff, v57;
	v58 =	vld [tilespmem:s6+$0x10]  }
0x3a2: {  	[tilespmem:v63+s14+$0x0] =	vst.idx.msk $0xffff, v47;
	v57 =	vor.u32 v31, v38;
	v40 =	vld [tilespmem:s6+$0xE0]  }
0x3a3: {  	v61 =	vld [tilespmem:s6+$0xFFFFFF10];
	v62 =	vor.u32 v2, v33;
	[tilespmem:v55+s14+$0x0] =	vst.idx.msk $0xffff, v54  }
0x3a4: {  	v60 =	vor.u32 v26, v36;
	v63 =	vld [tilespmem:s6+$0x90];
	[tilespmem:v56+s14+$0x0] =	vst.idx.msk $0xffff, v50  }
0x3a5: {  	v51 =	vor.u32 v7, v45;
	v50 =	vld [tilespmem:s6+$0xFFFFFF60];
	[tilespmem:v46+s14+$0x0] =	vst.idx.msk $0xffff, v44  }
0x3a6: {  	v56 =	vor.u32 v11, v52;
	v55 =	vld [tilespmem:s6+$0xFFFFFFA0];
	[tilespmem:v59+s14+$0x0] =	vst.idx.msk $0xffff, v58  }
0x3a7: {  	v58 =	vor.u32 v15, v35;
	[tilespmem:v57+s14+$0x0] =	vst.idx.msk $0xffff, v40;
	v57 =	vld [tilespmem:s6+$0xFFFFFFE0]  }
0x3a8: {  	v38 =	vor.u32 v32, v38;
	[tilespmem:v62+s14+$0x0] =	vst.idx.msk $0xffff, v61;
	v54 =	vld [tilespmem:s6+$0xF0]  }
0x3a9: {  	[tilespmem:v60+s14+$0x0] =	vst.idx.msk $0xffff, v63;
	v60 =	vor.u32 v19, v34;
	v59 =	vld [tilespmem:s6+$0x20]  }
0x3aa: {  	s20 =	simm.s32 $0x8;
	s23 =	simm.s32 $0x9;
	v43 =	vor.u32 v27, v36;
	v41 =	vor.u32 v23, v37;
	[tilespmem:v51+s14+$0x0] =	vst.idx.msk $0xffff, v50;
	v40 =	vld [tilespmem:s6+$0x60]  }
0x3ab: {  	v48 =	vor.u32 v3, v33;
	v53 =	vmov s23;
	s23 =	simm.s32 $0xB;
	v63 =	vmov s20;
	v42 =	vld [tilespmem:s6+$0xA0];
	[tilespmem:v56+s14+$0x0] =	vst.idx.msk $0xffff, v55  }
0x3ac: {  	v52 =	vor.u32 v12, v52;
	v44 =	vmov s23;
	s23 =	simm.s32 $0xD;
	v46 =	vld [tilespmem:s6+$0xFFFFFF20];
	s20 =	simm.s32 $0xA;
	v39 =	vshrl.u32 v63, $0x3;
	[tilespmem:v58+s14+$0x0] =	vst.idx.msk $0xffff, v57  }
0x3ad: {  	v51 =	vor.u32 v8, v45;
	v49 =	vld [tilespmem:s6+$0xFFFFFF70];
	[tilespmem:v38+s14+$0x0] =	vst.idx.msk $0xffff, v54;
	v54 =	vmov s20;
	s20 =	simm.s32 $0xC;
	v38 =	vmov s23;
	s23 =	simm.s32 $0xE  }
0x3ae: {  	s7 =	simm.s32 $0x10;
	v45 =	vshll.u32 v39, v1;
	v50 =	vld [tilespmem:s6+$0xFFFFFFB0];
	[tilespmem:v60+s14+$0x0] =	vst.idx.msk $0xffff, v59;
	v47 =	vmov s20;
	v39 =	vmov s23;
	s20 =	simm.s32 $0xF  }
.LBB2_39:
0x3af: {  	p2 =	slt.u32 s7, $0x78;
	v53 =	vshrl.u32 v53, $0x3;
	v55 =	vmov s20;
	v56 =	vld [tilespmem:s6+$0xFFFFFFF0];
	v35 =	vor.u32 v16, v35;
	[tilespmem:v41+s14+$0x0] =	vst.idx.msk $0xffff, v40  }
0x3b0: {  	v40 =	vshrl.u32 v54, $0x3;
	v34 =	vor.u32 v20, v34;
	v41 =	vshrl.u32 v55, $0x3;
	v54 =	vld [tilespmem:s6+$0x30];
	[tilespmem:v43+s14+$0x0] =	vst.idx.msk $0xffff, v42  }
0x3b1: {  	v37 =	vor.u32 v24, v37;
	v42 =	vshrl.u32 v44, $0x3;
	v41 =	vshll.u32 v41, v1;
	[tilespmem:v48+s14+$0x0] =	vst.idx.msk $0xffff, v46;
	v43 =	vld [tilespmem:s6+$0x70]  }
0x3b2: {  	v36 =	vor.u32 v28, v36;
	v44 =	vshrl.u32 v47, $0x3;
	v41 =	vbroadcast v41, $0x0;
	[tilespmem:v51+s14+$0x0] =	vst.idx.msk $0xffff, v49;
	v46 =	vld [tilespmem:s6+$0xB0]  }
0x3b3: {  	v47 =	vshll.u32 v53, v1;
	v49 =	vor.u32 v4, v33;
	v33 =	vbroadcast v45, $0x0;
	v48 =	vld [tilespmem:s6+$0xFFFFFF30];
	[tilespmem:v52+s14+$0x0] =	vst.idx.msk $0xffff, v50;
	s6 =	sadd.s32 $0x200, s6  }
0x3b4: {  	v40 =	vshll.u32 v40, v1;
	v45 =	vbroadcast v47, $0x0;
	v47 =	vld [tilespmem:s6+$0xC0];
	v50 =	vor.u32 v29, v41;
	[tilespmem:v35+s14+$0x0] =	vst.idx.msk $0xffff, v56  }
0x3b5: {  	v55 =	vbroadcast v40, $0x0;
	v52 =	vor.u32 v0, v33;
	v35 =	vshll.u32 v42, v1;
	v51 =	vld [tilespmem:s6+$0xFFFFFF00];
	[tilespmem:v34+s14+$0x0] =	vst.idx.msk $0xffff, v54  }
0x3b6: {  	v42 =	vor.u32 v5, v45;
	v35 =	vbroadcast v35, $0x0;
	v34 =	vshll.u32 v44, v1;
	v40 =	vld [tilespmem:s6+$0xFFFFFF40];
	[tilespmem:v37+s14+$0x0] =	vst.idx.msk $0xffff, v43  }
0x3b7: {  	v44 =	vor.u32 v9, v55;
	v34 =	vbroadcast v34, $0x0;
	v37 =	vshrl.u32 v38, $0x3;
	v43 =	vld [tilespmem:s6+$0xFFFFFF80];
	[tilespmem:v36+s14+$0x0] =	vst.idx.msk $0xffff, v46  }
0x3b8: {  	v39 =	vshrl.u32 v39, $0x3;
	v46 =	vor.u32 v13, v35;
	v36 =	vshll.u32 v37, v1;
	v38 =	vld [tilespmem:s6+$0xFFFFFFC0];
	[tilespmem:v49+s14+$0x0] =	vst.idx.msk $0xffff, v48  }
0x3b9: {  	v49 =	vor.u32 v17, v34;
	v37 =	vbroadcast v36, $0x0;
	v36 =	vshll.u32 v39, v1;
	v48 =	vld [tilespmem:s6+$0x0];
	[tilespmem:v50+s14+$0x0] =	vst.idx.msk $0xffff, v47  }
0x3ba: {  	v36 =	vbroadcast v36, $0x0;
	v47 =	vor.u32 v30, v41;
	[tilespmem:v52+s14+$0x0] =	vst.idx.msk $0xffff, v51;
	v39 =	vld [tilespmem:s6+$0xD0]  }
0x3bb: {  	[tilespmem:v42+s14+$0x0] =	vst.idx.msk $0xffff, v40;
	v40 =	vld [tilespmem:s6+$0x40];
	v42 =	vor.u32 v21, v37  }
0x3bc: {  	[tilespmem:v44+s14+$0x0] =	vst.idx.msk $0xffff, v43;
	v43 =	vld [tilespmem:s6+$0x80];
	v44 =	vor.u32 v25, v36  }
0x3bd: {  	v51 =	vor.u32 v6, v45;
	v50 =	vld [tilespmem:s6+$0xFFFFFF50];
	[tilespmem:v46+s14+$0x0] =	vst.idx.msk $0xffff, v38  }
0x3be: {  	v46 =	vor.u32 v10, v55;
	v38 =	vld [tilespmem:s6+$0xFFFFFF90];
	[tilespmem:v49+s14+$0x0] =	vst.idx.msk $0xffff, v48  }
0x3bf: {  	v49 =	vor.u32 v14, v35;
	v48 =	vld [tilespmem:s6+$0xFFFFFFD0];
	[tilespmem:v47+s14+$0x0] =	vst.idx.msk $0xffff, v39  }
0x3c0: {  	[tilespmem:v42+s14+$0x0] =	vst.idx.msk $0xffff, v40;
	v39 =	vld [tilespmem:s6+$0xE0];
	v40 =	vor.u32 v31, v41  }
0x3c1: {  	v47 =	vor.u32 v18, v34;
	v42 =	vld [tilespmem:s6+$0x10];
	[tilespmem:v44+s14+$0x0] =	vst.idx.msk $0xffff, v43  }
0x3c2: {  	v44 =	vor.u32 v22, v37;
	[tilespmem:v51+s14+$0x0] =	vst.idx.msk $0xffff, v50;
	v43 =	vld [tilespmem:s6+$0x50]  }
0x3c3: {  	[tilespmem:v46+s14+$0x0] =	vst.idx.msk $0xffff, v38;
	v38 =	vld [tilespmem:s6+$0x90];
	v46 =	vor.u32 v26, v36  }
0x3c4: {  	v51 =	vor.u32 v2, v33;
	v50 =	vld [tilespmem:s6+$0xFFFFFF10];
	[tilespmem:v49+s14+$0x0] =	vst.idx.msk $0xffff, v48  }
0x3c5: {  	v49 =	vor.u32 v7, v45;
	v48 =	vld [tilespmem:s6+$0xFFFFFF60];
	[tilespmem:v40+s14+$0x0] =	vst.idx.msk $0xffff, v39  }
0x3c6: {  	[tilespmem:v47+s14+$0x0] =	vst.idx.msk $0xffff, v42;
	v39 =	vld [tilespmem:s6+$0xF0];
	v47 =	vor.u32 v32, v41  }
0x3c7: {  	v56 =	vor.u32 v11, v55;
	v52 =	vld [tilespmem:s6+$0xFFFFFFA0];
	[tilespmem:v44+s14+$0x0] =	vst.idx.msk $0xffff, v43  }
0x3c8: {  	v58 =	vor.u32 v15, v35;
	v57 =	vld [tilespmem:s6+$0xFFFFFFE0];
	[tilespmem:v46+s14+$0x0] =	vst.idx.msk $0xffff, v38  }
0x3c9: {  	v60 =	vor.u32 v19, v34;
	[tilespmem:v51+s14+$0x0] =	vst.idx.msk $0xffff, v50;
	v59 =	vld [tilespmem:s6+$0x20]  }
.Ltmp27:
0x3ca: {  	s20 =	sadd.s32 $0x1, s7;
	v41 =	vor.u32 v23, v37;
	v38 =	vmov s7;
	[tilespmem:v49+s14+$0x0] =	vst.idx.msk $0xffff, v48;
	v40 =	vld [tilespmem:s6+$0x60];
	(pc) =	sbr.rel @p2 .LBB2_39-.Ltmp27, $4  }
0x3cb: {  	s23 =	sadd.s32 $0x3, s7;
	v53 =	vmov s20;
	s20 =	sadd.s32 $0x2, s7;
	v43 =	vor.u32 v27, v36;
	v50 =	vshrl.u32 v38, $0x3;
	v42 =	vld [tilespmem:s6+$0xA0];
	[tilespmem:v47+s14+$0x0] =	vst.idx.msk $0xffff, v39  }
0x3cc: {  	v54 =	vmov s20;
	s20 =	sadd.s32 $0x4, s7;
	v44 =	vmov s23;
	s23 =	sadd.s32 $0x5, s7;
	v48 =	vor.u32 v3, v33;
	v46 =	vld [tilespmem:s6+$0xFFFFFF20];
	[tilespmem:v56+s14+$0x0] =	vst.idx.msk $0xffff, v52  }
0x3cd: {  	v38 =	vmov s23;
	v51 =	vor.u32 v8, v45;
	v47 =	vmov s20;
	s20 =	sadd.s32 $0x6, s7;
	v49 =	vld [tilespmem:s6+$0xFFFFFF70];
	[tilespmem:v58+s14+$0x0] =	vst.idx.msk $0xffff, v57  }
0x3ce: {  	v45 =	vshll.u32 v50, v1;
	v39 =	vmov s20;
	s20 =	sadd.s32 $0x7, s7;
	s7 =	sadd.s32 $0x8, s7;
	v52 =	vor.u32 v12, v55;
	v50 =	vld [tilespmem:s6+$0xFFFFFFB0];
	[tilespmem:v60+s14+$0x0] =	vst.idx.msk $0xffff, v59  }
0x3cf: {  	_ =	sdelay $0x2  }
0x3d0: {  	v53 =	vshrl.u32 v53, $0x3  }
0x3d1: {  	v55 =	vmov s20;
	v56 =	vld [tilespmem:s6+$0xFFFFFFF0];
	v35 =	vor.u32 v16, v35;
	[tilespmem:v41+s14+$0x0] =	vst.idx.msk $0xffff, v40;
	v57 =	vshrl.u32 v54, $0x3  }
0x3d2: {  	v59 =	vld [tilespmem:s6+$0x30];
	v34 =	vor.u32 v20, v34;
	v60 =	vshrl.u32 v44, $0x3;
	v58 =	vshrl.u32 v55, $0x3;
	[tilespmem:v43+s14+$0x0] =	vst.idx.msk $0xffff, v42  }
0x3d3: {  	v37 =	vor.u32 v24, v37;
	v62 =	vshrl.u32 v47, $0x3;
	v61 =	vld [tilespmem:s6+$0x70];
	v41 =	vshll.u32 v58, v1;
	[tilespmem:v48+s14+$0x0] =	vst.idx.msk $0xffff, v46  }
0x3d4: {  	v36 =	vor.u32 v28, v36;
	v45 =	vbroadcast v45, $0x0;
	v63 =	vld [tilespmem:s6+$0xB0];
	v41 =	vbroadcast v41, $0x0;
	[tilespmem:v51+s14+$0x0] =	vst.idx.msk $0xffff, v49  }
0x3d5: {  	v33 =	vor.u32 v4, v33;
	s20 =	sadd.s32 $0x200, s6;
	v38 =	vshrl.u32 v38, $0x3;
	v55 =	vshll.u32 v53, v1;
	v48 =	vld [tilespmem:s6+$0xFFFFFF30];
	[tilespmem:v52+s14+$0x0] =	vst.idx.msk $0xffff, v50  }
0x3d6: {  	v40 =	vshll.u32 v57, v1;
	v47 =	vbroadcast v55, $0x0;
	v49 =	vld [tilespmem:s20+$0xC0];
	v50 =	vor.u32 v29, v41;
	[tilespmem:v35+s14+$0x0] =	vst.idx.msk $0xffff, v56  }
0x3d7: {  	v42 =	vshll.u32 v60, v1;
	v40 =	vbroadcast v40, $0x0;
	v35 =	vld [tilespmem:s20+$0xFFFFFF00];
	v56 =	vor.u32 v0, v45;
	[tilespmem:v34+s14+$0x0] =	vst.idx.msk $0xffff, v59  }
0x3d8: {  	v57 =	vld [tilespmem:s20+$0xFFFFFF40];
	v44 =	vshll.u32 v62, v1;
	v42 =	vbroadcast v42, $0x0;
	v58 =	vor.u32 v5, v47;
	[tilespmem:v37+s14+$0x0] =	vst.idx.msk $0xffff, v61  }
0x3d9: {  	v38 =	vshll.u32 v38, v1;
	v44 =	vbroadcast v44, $0x0;
	v60 =	vor.u32 v9, v40;
	v59 =	vld [tilespmem:s20+$0xFFFFFF80];
	[tilespmem:v36+s14+$0x0] =	vst.idx.msk $0xffff, v63  }
0x3da: {  	v38 =	vbroadcast v38, $0x0;
	v62 =	vor.u32 v13, v42;
	v61 =	vld [tilespmem:s20+$0xFFFFFFC0];
	[tilespmem:v33+s14+$0x0] =	vst.idx.msk $0xffff, v48  }
0x3db: {  	v39 =	vshrl.u32 v39, $0x3;
	v63 =	vor.u32 v17, v44;
	v33 =	vld [tilespmem:s20+$0x0];
	[tilespmem:v50+s14+$0x0] =	vst.idx.msk $0xffff, v49  }
0x3dc: {  	v39 =	vshll.u32 v39, v1;
	v34 =	vld [tilespmem:s20+$0x40];
	[tilespmem:v56+s14+$0x0] =	vst.idx.msk $0xffff, v35;
	v56 =	vor.u32 v21, v38  }
0x3dd: {  	[tilespmem:v58+s14+$0x0] =	vst.idx.msk $0xffff, v57;
	v35 =	vbroadcast v39, $0x0;
	v49 =	vor.u32 v30, v41;
	v39 =	vld [tilespmem:s20+$0xD0]  }
0x3de: {  	[tilespmem:v60+s14+$0x0] =	vst.idx.msk $0xffff, v59;
	v59 =	vld [tilespmem:s20+$0xFFFFFF50];
	v60 =	vor.u32 v6, v47  }
0x3df: {  	v57 =	vld [tilespmem:s20+$0x80];
	[tilespmem:v62+s14+$0x0] =	vst.idx.msk $0xffff, v61;
	v58 =	vor.u32 v25, v35  }
0x3e0: {  	v61 =	vld [tilespmem:s20+$0xFFFFFF90];
	v62 =	vor.u32 v10, v40;
	[tilespmem:v63+s14+$0x0] =	vst.idx.msk $0xffff, v33  }
0x3e1: {  	v33 =	vld [tilespmem:s20+$0xFFFFFFD0];
	v63 =	vor.u32 v14, v42;
	[tilespmem:v56+s14+$0x0] =	vst.idx.msk $0xffff, v34  }
0x3e2: {  	v56 =	vor.u32 v18, v44;
	[tilespmem:v49+s14+$0x0] =	vst.idx.msk $0xffff, v39;
	v49 =	vld [tilespmem:s20+$0x10]  }
0x3e3: {  	[tilespmem:v60+s14+$0x0] =	vst.idx.msk $0xffff, v59;
	v39 =	vor.u32 v31, v41;
	v34 =	vld [tilespmem:s20+$0xE0]  }
0x3e4: {  	[tilespmem:v58+s14+$0x0] =	vst.idx.msk $0xffff, v57;
	v57 =	vld [tilespmem:s20+$0x50];
	v58 =	vor.u32 v22, v38  }
0x3e5: {  	[tilespmem:v62+s14+$0x0] =	vst.idx.msk $0xffff, v61;
	v61 =	vld [tilespmem:s20+$0xFFFFFF10];
	v62 =	vor.u32 v2, v45  }
0x3e6: {  	v60 =	vor.u32 v26, v35;
	v59 =	vld [tilespmem:s20+$0x90];
	[tilespmem:v63+s14+$0x0] =	vst.idx.msk $0xffff, v33  }
0x3e7: {  	v55 =	vor.u32 v11, v40;
	v54 =	vor.u32 v32, v41;
	v41 =	vld [tilespmem:s20+$0xFFFFFFA0];
	[tilespmem:v56+s14+$0x0] =	vst.idx.msk $0xffff, v49  }
0x3e8: {  	v53 =	vor.u32 v7, v47;
	v63 =	vld [tilespmem:s20+$0xFFFFFF60];
	[tilespmem:v39+s14+$0x0] =	vst.idx.msk $0xffff, v34  }
0x3e9: {  	v56 =	vld [tilespmem:s20+$0xFFFFFFE0];
	[tilespmem:v58+s14+$0x0] =	vst.idx.msk $0xffff, v57;
	v57 =	vor.u32 v15, v42  }
0x3ea: {  	[tilespmem:v62+s14+$0x0] =	vst.idx.msk $0xffff, v61;
	v34 =	vld [tilespmem:s20+$0xF0]  }
0x3eb: {  	v58 =	vld [tilespmem:s20+$0x20];
	[tilespmem:v60+s14+$0x0] =	vst.idx.msk $0xffff, v59;
	v59 =	vor.u32 v19, v44  }
0x3ec: {  	v61 =	vor.u32 v23, v38;
	[tilespmem:v55+s14+$0x0] =	vst.idx.msk $0xffff, v41;
	v60 =	vld [tilespmem:s20+$0x60]  }
0x3ed: {  	[tilespmem:v53+s14+$0x0] =	vst.idx.msk $0xffff, v63;
	v63 =	vor.u32 v27, v35;
	v62 =	vld [tilespmem:s20+$0xA0]  }
0x3ee: {  	v47 =	vor.u32 v8, v47;
	v55 =	vld [tilespmem:s20+$0xFFFFFF70];
	[tilespmem:v57+s14+$0x0] =	vst.idx.msk $0xffff, v56  }
0x3ef: {  	v53 =	vld [tilespmem:s20+$0xFFFFFF20];
	[tilespmem:v54+s14+$0x0] =	vst.idx.msk $0xffff, v34;
	v54 =	vor.u32 v3, v45  }
0x3f0: {  	v40 =	vor.u32 v12, v40;
	v56 =	vld [tilespmem:s20+$0xFFFFFFB0];
	[tilespmem:v59+s14+$0x0] =	vst.idx.msk $0xffff, v58  }
0x3f1: {  	v42 =	vor.u32 v16, v42;
	v57 =	vld [tilespmem:s20+$0xFFFFFFF0];
	[tilespmem:v61+s14+$0x0] =	vst.idx.msk $0xffff, v60  }
0x3f2: {  	v59 =	vor.u32 v20, v44;
	v58 =	vld [tilespmem:s20+$0x30];
	[tilespmem:v63+s14+$0x0] =	vst.idx.msk $0xffff, v62  }
0x3f3: {  	v38 =	vor.u32 v24, v38;
	v60 =	vld [tilespmem:s20+$0x70];
	[tilespmem:v47+s14+$0x0] =	vst.idx.msk $0xffff, v55  }
0x3f4: {  	v35 =	vor.u32 v28, v35;
	v61 =	vld [tilespmem:s20+$0xB0];
	[tilespmem:v54+s14+$0x0] =	vst.idx.msk $0xffff, v53  }
0x3f5: {  	v63 =	vor.u32 v4, v45;
	[tilespmem:v40+s14+$0x0] =	vst.idx.msk $0xffff, v56;
	v62 =	vld [tilespmem:s20+$0xFFFFFF30]  }
0x3f6: {  	[tilespmem:v42+s14+$0x0] =	vst.idx.msk $0xffff, v57  }
.Ltmp28:
0x3f7: {  	[tilespmem:v59+s14+$0x0] =	vst.idx.msk $0xffff, v58;
	(pc) =	sbr.rel @p1 .LBB2_42-.Ltmp28, $4  }
0x3f8: {  	[tilespmem:v38+s14+$0x0] =	vst.idx.msk $0xffff, v60  }
0x3f9: {  	[tilespmem:v35+s14+$0x0] =	vst.idx.msk $0xffff, v61  }
0x3fa: {  	s23 =	sadd.s32 $0x100, s26;
	[tilespmem:v63+s14+$0x0] =	vst.idx.msk $0xffff, v62  }
0x3fb: {  	[hbm4b:s23+s30] =	stream.strided.scatter [tilespmem:s14], [sflag:$0x13], $0x2000, s31, s30, $0x38;
	[tilespmem:$0x18400] =	vst v63  }
.Ltmp29:
0x3fc: {  	(pc) =	sbr.rel .LBB2_43-.Ltmp29, $4  }
0x3fd: {  	s6 =	simm.s32 $0xC  }
0x3fe: {  	_ =	swait.ge [sflag:s6], $0x2000  }
0x3ff: {  	[sflag:s6] =	ssyncset.done $0x0  }
0x400: {  	[sflag:s6] =	ssyncadd.s32 $0xFFFFE000  }
.LBB2_42:
0x401: {  	s6 =	sshll.u32 s24, $0xE;
	s7 =	rddreg [dreg:$0x8]  }
0x402: {  	s6 =	sor.u32 s7, s6  }
0x403: {  	s20 =	simm.s32 $0x100;
	s6 =	sshrl.u32 s6, $0x3  }
.Ltmp30:
0x404: {  	s23 =	simm.s32 $0xC;
	s6 =	sadd.s32 s4, s6;
	(pc) =	sbr.rel @p0 .LBB2_44-.Ltmp30, $4  }
0x405: {  	[tilespmem:s20], [sflag:$0x3] =	stream.linear.gather [hbm4b:s6+s3], $0x80, $0x38;
	[tilespmem:$0x18400] =	vst v63  }
0x406: {  	_ =	swait.ge [sflag:s23], $0x2000  }
0x407: {  	[sflag:s23] =	ssyncset.done $0x0  }
0x408: {  	[sflag:s23] =	ssyncadd.s32 $0xFFFFE000  }
.LBB2_43:
0x409: {  	_ =	swait.ge [sflag:s16], $0x2000  }
0x40a: {  	[sflag:s16] =	ssyncset.done $0x0  }
0x40b: {  	[sflag:s16] =	ssyncadd.s32 $0xFFFFE000  }
.LBB2_44:
0x40c: {  	s6 =	simm.s32 $0x0;
	s20 =	simm.s32 $0x1;
	s7 =	simm.s32 $0x2  }
0x40d: {  	s23 =	simm.s32 $0x3;
	v33 =	vmov s6;
	v34 =	vmov s20;
	v35 =	vmov s7;
	s7 =	simm.s32 $0x4  }
0x40e: {  	s20 =	simm.s32 $0x7;
	v36 =	vmov s23;
	s23 =	simm.s32 $0x5;
	v33 =	vshrl.u32 v33, $0x3;
	v37 =	vmov s7  }
0x40f: {  	v38 =	vmov s20;
	v39 =	vmov s23;
	v34 =	vshrl.u32 v34, $0x3  }
0x410: {  	s7 =	simm.s32 $0x6;
	v35 =	vshrl.u32 v35, $0x3;
	v36 =	vshrl.u32 v36, $0x3;
	v33 =	vshll.u32 v33, v1  }
0x411: {  	v38 =	vshrl.u32 v38, $0x3;
	v40 =	vmov s7;
	v37 =	vshrl.u32 v37, $0x3  }
0x412: {  	v34 =	vshll.u32 v34, v1;
	v52 =	vshll.u32 v35, v1;
	v33 =	vbroadcast v33, $0x0  }
0x413: {  	s6 =	simm.s32 $0x6500;
	v53 =	vshll.u32 v36, v1;
	v38 =	vshll.u32 v38, v1;
	v45 =	vbroadcast v34, $0x0  }
0x414: {  	v43 =	vld [tilespmem:s6+$0xFFFFFF00];
	v55 =	vshrl.u32 v39, $0x3;
	v38 =	vbroadcast v38, $0x0;
	v44 =	vor.u32 v0, v33  }
0x415: {  	v46 =	vld [tilespmem:s6+$0xFFFFFF40];
	v52 =	vbroadcast v52, $0x0;
	v35 =	vbroadcast v53, $0x0;
	v47 =	vor.u32 v5, v45  }
0x416: {  	v41 =	vld [tilespmem:s6+$0xC0];
	v54 =	vshll.u32 v37, v1;
	v36 =	vshll.u32 v55, v1;
	v42 =	vor.u32 v29, v38  }
0x417: {  	v48 =	vld [tilespmem:s6+$0xFFFFFF80];
	v40 =	vshrl.u32 v40, $0x3;
	v34 =	vbroadcast v54, $0x0;
	v49 =	vor.u32 v9, v52  }
0x418: {  	v39 =	vld [tilespmem:s6+$0xFFFFFFC0];
	v37 =	vbroadcast v36, $0x0;
	v56 =	vshll.u32 v40, v1;
	v50 =	vor.u32 v13, v35  }
0x419: {  	v51 =	vld [tilespmem:s6+$0x0];
	v36 =	vbroadcast v56, $0x0;
	v53 =	vor.u32 v17, v34;
	[tilespmem:v44+s17+$0x0] =	vst.idx.msk $0xffff, v43  }
0x41a: {  	v59 =	vld [tilespmem:s6+$0x40];
	v60 =	vor.u32 v21, v37;
	[tilespmem:v47+s17+$0x0] =	vst.idx.msk $0xffff, v46  }
0x41b: {  	v61 =	vld [tilespmem:s6+$0x80];
	v62 =	vor.u32 v25, v36;
	[tilespmem:v42+s17+$0x0] =	vst.idx.msk $0xffff, v41  }
0x41c: {  	v58 =	vor.u32 v30, v38;
	[tilespmem:v49+s17+$0x0] =	vst.idx.msk $0xffff, v48;
	v57 =	vld [tilespmem:s6+$0xD0]  }
0x41d: {  	v63 =	vor.u32 v6, v45;
	[tilespmem:v50+s17+$0x0] =	vst.idx.msk $0xffff, v39;
	v47 =	vld [tilespmem:s6+$0xFFFFFF50]  }
0x41e: {  	v55 =	vor.u32 v10, v52;
	v54 =	vld [tilespmem:s6+$0xFFFFFF90];
	[tilespmem:v53+s17+$0x0] =	vst.idx.msk $0xffff, v51  }
0x41f: {  	v56 =	vor.u32 v14, v35;
	v50 =	vld [tilespmem:s6+$0xFFFFFFD0];
	[tilespmem:v60+s17+$0x0] =	vst.idx.msk $0xffff, v59  }
0x420: {  	v46 =	vor.u32 v22, v37;
	[tilespmem:v62+s17+$0x0] =	vst.idx.msk $0xffff, v61;
	v44 =	vld [tilespmem:s6+$0x50]  }
0x421: {  	v59 =	vor.u32 v18, v34;
	[tilespmem:v58+s17+$0x0] =	vst.idx.msk $0xffff, v57;
	v58 =	vld [tilespmem:s6+$0x10]  }
0x422: {  	[tilespmem:v63+s17+$0x0] =	vst.idx.msk $0xffff, v47;
	v57 =	vor.u32 v31, v38;
	v40 =	vld [tilespmem:s6+$0xE0]  }
0x423: {  	v61 =	vld [tilespmem:s6+$0xFFFFFF10];
	v62 =	vor.u32 v2, v33;
	[tilespmem:v55+s17+$0x0] =	vst.idx.msk $0xffff, v54  }
0x424: {  	v60 =	vor.u32 v26, v36;
	v63 =	vld [tilespmem:s6+$0x90];
	[tilespmem:v56+s17+$0x0] =	vst.idx.msk $0xffff, v50  }
0x425: {  	v51 =	vor.u32 v7, v45;
	v50 =	vld [tilespmem:s6+$0xFFFFFF60];
	[tilespmem:v46+s17+$0x0] =	vst.idx.msk $0xffff, v44  }
0x426: {  	v56 =	vor.u32 v11, v52;
	v55 =	vld [tilespmem:s6+$0xFFFFFFA0];
	[tilespmem:v59+s17+$0x0] =	vst.idx.msk $0xffff, v58  }
0x427: {  	v58 =	vor.u32 v15, v35;
	[tilespmem:v57+s17+$0x0] =	vst.idx.msk $0xffff, v40;
	v57 =	vld [tilespmem:s6+$0xFFFFFFE0]  }
0x428: {  	v38 =	vor.u32 v32, v38;
	[tilespmem:v62+s17+$0x0] =	vst.idx.msk $0xffff, v61;
	v54 =	vld [tilespmem:s6+$0xF0]  }
0x429: {  	[tilespmem:v60+s17+$0x0] =	vst.idx.msk $0xffff, v63;
	v60 =	vor.u32 v19, v34;
	v59 =	vld [tilespmem:s6+$0x20]  }
0x42a: {  	s20 =	simm.s32 $0x8;
	s23 =	simm.s32 $0x9;
	v43 =	vor.u32 v27, v36;
	v41 =	vor.u32 v23, v37;
	[tilespmem:v51+s17+$0x0] =	vst.idx.msk $0xffff, v50;
	v40 =	vld [tilespmem:s6+$0x60]  }
0x42b: {  	v48 =	vor.u32 v3, v33;
	v53 =	vmov s23;
	s23 =	simm.s32 $0xB;
	v63 =	vmov s20;
	v42 =	vld [tilespmem:s6+$0xA0];
	[tilespmem:v56+s17+$0x0] =	vst.idx.msk $0xffff, v55  }
0x42c: {  	v52 =	vor.u32 v12, v52;
	v44 =	vmov s23;
	s23 =	simm.s32 $0xD;
	v46 =	vld [tilespmem:s6+$0xFFFFFF20];
	s20 =	simm.s32 $0xA;
	v39 =	vshrl.u32 v63, $0x3;
	[tilespmem:v58+s17+$0x0] =	vst.idx.msk $0xffff, v57  }
0x42d: {  	v51 =	vor.u32 v8, v45;
	v49 =	vld [tilespmem:s6+$0xFFFFFF70];
	[tilespmem:v38+s17+$0x0] =	vst.idx.msk $0xffff, v54;
	v54 =	vmov s20;
	s20 =	simm.s32 $0xC;
	v38 =	vmov s23;
	s23 =	simm.s32 $0xE  }
0x42e: {  	s7 =	simm.s32 $0x10;
	v45 =	vshll.u32 v39, v1;
	v50 =	vld [tilespmem:s6+$0xFFFFFFB0];
	[tilespmem:v60+s17+$0x0] =	vst.idx.msk $0xffff, v59;
	v47 =	vmov s20;
	v39 =	vmov s23;
	s20 =	simm.s32 $0xF  }
.LBB2_45:
0x42f: {  	p0 =	slt.u32 s7, $0x78;
	v53 =	vshrl.u32 v53, $0x3;
	v55 =	vmov s20;
	v56 =	vld [tilespmem:s6+$0xFFFFFFF0];
	v35 =	vor.u32 v16, v35;
	[tilespmem:v41+s17+$0x0] =	vst.idx.msk $0xffff, v40  }
0x430: {  	v40 =	vshrl.u32 v54, $0x3;
	v34 =	vor.u32 v20, v34;
	v41 =	vshrl.u32 v55, $0x3;
	v54 =	vld [tilespmem:s6+$0x30];
	[tilespmem:v43+s17+$0x0] =	vst.idx.msk $0xffff, v42  }
0x431: {  	v37 =	vor.u32 v24, v37;
	v42 =	vshrl.u32 v44, $0x3;
	v41 =	vshll.u32 v41, v1;
	[tilespmem:v48+s17+$0x0] =	vst.idx.msk $0xffff, v46;
	v43 =	vld [tilespmem:s6+$0x70]  }
0x432: {  	v36 =	vor.u32 v28, v36;
	v44 =	vshrl.u32 v47, $0x3;
	v41 =	vbroadcast v41, $0x0;
	[tilespmem:v51+s17+$0x0] =	vst.idx.msk $0xffff, v49;
	v46 =	vld [tilespmem:s6+$0xB0]  }
0x433: {  	v47 =	vshll.u32 v53, v1;
	v49 =	vor.u32 v4, v33;
	v33 =	vbroadcast v45, $0x0;
	v48 =	vld [tilespmem:s6+$0xFFFFFF30];
	[tilespmem:v52+s17+$0x0] =	vst.idx.msk $0xffff, v50;
	s6 =	sadd.s32 $0x200, s6  }
0x434: {  	v40 =	vshll.u32 v40, v1;
	v45 =	vbroadcast v47, $0x0;
	v47 =	vld [tilespmem:s6+$0xC0];
	v50 =	vor.u32 v29, v41;
	[tilespmem:v35+s17+$0x0] =	vst.idx.msk $0xffff, v56  }
0x435: {  	v55 =	vbroadcast v40, $0x0;
	v52 =	vor.u32 v0, v33;
	v35 =	vshll.u32 v42, v1;
	v51 =	vld [tilespmem:s6+$0xFFFFFF00];
	[tilespmem:v34+s17+$0x0] =	vst.idx.msk $0xffff, v54  }
0x436: {  	v42 =	vor.u32 v5, v45;
	v35 =	vbroadcast v35, $0x0;
	v34 =	vshll.u32 v44, v1;
	v40 =	vld [tilespmem:s6+$0xFFFFFF40];
	[tilespmem:v37+s17+$0x0] =	vst.idx.msk $0xffff, v43  }
0x437: {  	v44 =	vor.u32 v9, v55;
	v34 =	vbroadcast v34, $0x0;
	v37 =	vshrl.u32 v38, $0x3;
	v43 =	vld [tilespmem:s6+$0xFFFFFF80];
	[tilespmem:v36+s17+$0x0] =	vst.idx.msk $0xffff, v46  }
0x438: {  	v39 =	vshrl.u32 v39, $0x3;
	v46 =	vor.u32 v13, v35;
	v36 =	vshll.u32 v37, v1;
	v38 =	vld [tilespmem:s6+$0xFFFFFFC0];
	[tilespmem:v49+s17+$0x0] =	vst.idx.msk $0xffff, v48  }
0x439: {  	v49 =	vor.u32 v17, v34;
	v37 =	vbroadcast v36, $0x0;
	v36 =	vshll.u32 v39, v1;
	v48 =	vld [tilespmem:s6+$0x0];
	[tilespmem:v50+s17+$0x0] =	vst.idx.msk $0xffff, v47  }
0x43a: {  	v36 =	vbroadcast v36, $0x0;
	v47 =	vor.u32 v30, v41;
	[tilespmem:v52+s17+$0x0] =	vst.idx.msk $0xffff, v51;
	v39 =	vld [tilespmem:s6+$0xD0]  }
0x43b: {  	[tilespmem:v42+s17+$0x0] =	vst.idx.msk $0xffff, v40;
	v40 =	vld [tilespmem:s6+$0x40];
	v42 =	vor.u32 v21, v37  }
0x43c: {  	[tilespmem:v44+s17+$0x0] =	vst.idx.msk $0xffff, v43;
	v43 =	vld [tilespmem:s6+$0x80];
	v44 =	vor.u32 v25, v36  }
0x43d: {  	v51 =	vor.u32 v6, v45;
	v50 =	vld [tilespmem:s6+$0xFFFFFF50];
	[tilespmem:v46+s17+$0x0] =	vst.idx.msk $0xffff, v38  }
0x43e: {  	v46 =	vor.u32 v10, v55;
	v38 =	vld [tilespmem:s6+$0xFFFFFF90];
	[tilespmem:v49+s17+$0x0] =	vst.idx.msk $0xffff, v48  }
0x43f: {  	v49 =	vor.u32 v14, v35;
	v48 =	vld [tilespmem:s6+$0xFFFFFFD0];
	[tilespmem:v47+s17+$0x0] =	vst.idx.msk $0xffff, v39  }
0x440: {  	[tilespmem:v42+s17+$0x0] =	vst.idx.msk $0xffff, v40;
	v39 =	vld [tilespmem:s6+$0xE0];
	v40 =	vor.u32 v31, v41  }
0x441: {  	v47 =	vor.u32 v18, v34;
	v42 =	vld [tilespmem:s6+$0x10];
	[tilespmem:v44+s17+$0x0] =	vst.idx.msk $0xffff, v43  }
0x442: {  	v44 =	vor.u32 v22, v37;
	[tilespmem:v51+s17+$0x0] =	vst.idx.msk $0xffff, v50;
	v43 =	vld [tilespmem:s6+$0x50]  }
0x443: {  	[tilespmem:v46+s17+$0x0] =	vst.idx.msk $0xffff, v38;
	v38 =	vld [tilespmem:s6+$0x90];
	v46 =	vor.u32 v26, v36  }
0x444: {  	v51 =	vor.u32 v2, v33;
	v50 =	vld [tilespmem:s6+$0xFFFFFF10];
	[tilespmem:v49+s17+$0x0] =	vst.idx.msk $0xffff, v48  }
0x445: {  	v49 =	vor.u32 v7, v45;
	v48 =	vld [tilespmem:s6+$0xFFFFFF60];
	[tilespmem:v40+s17+$0x0] =	vst.idx.msk $0xffff, v39  }
0x446: {  	[tilespmem:v47+s17+$0x0] =	vst.idx.msk $0xffff, v42;
	v39 =	vld [tilespmem:s6+$0xF0];
	v47 =	vor.u32 v32, v41  }
0x447: {  	v56 =	vor.u32 v11, v55;
	v52 =	vld [tilespmem:s6+$0xFFFFFFA0];
	[tilespmem:v44+s17+$0x0] =	vst.idx.msk $0xffff, v43  }
0x448: {  	v58 =	vor.u32 v15, v35;
	v57 =	vld [tilespmem:s6+$0xFFFFFFE0];
	[tilespmem:v46+s17+$0x0] =	vst.idx.msk $0xffff, v38  }
0x449: {  	v60 =	vor.u32 v19, v34;
	[tilespmem:v51+s17+$0x0] =	vst.idx.msk $0xffff, v50;
	v59 =	vld [tilespmem:s6+$0x20]  }
.Ltmp31:
0x44a: {  	s20 =	sadd.s32 $0x1, s7;
	v41 =	vor.u32 v23, v37;
	v38 =	vmov s7;
	[tilespmem:v49+s17+$0x0] =	vst.idx.msk $0xffff, v48;
	v40 =	vld [tilespmem:s6+$0x60];
	(pc) =	sbr.rel @p0 .LBB2_45-.Ltmp31, $4  }
0x44b: {  	s23 =	sadd.s32 $0x3, s7;
	v53 =	vmov s20;
	s20 =	sadd.s32 $0x2, s7;
	v43 =	vor.u32 v27, v36;
	v50 =	vshrl.u32 v38, $0x3;
	v42 =	vld [tilespmem:s6+$0xA0];
	[tilespmem:v47+s17+$0x0] =	vst.idx.msk $0xffff, v39  }
0x44c: {  	v54 =	vmov s20;
	s20 =	sadd.s32 $0x4, s7;
	v44 =	vmov s23;
	s23 =	sadd.s32 $0x5, s7;
	v48 =	vor.u32 v3, v33;
	v46 =	vld [tilespmem:s6+$0xFFFFFF20];
	[tilespmem:v56+s17+$0x0] =	vst.idx.msk $0xffff, v52  }
0x44d: {  	v38 =	vmov s23;
	v51 =	vor.u32 v8, v45;
	v47 =	vmov s20;
	s20 =	sadd.s32 $0x6, s7;
	v49 =	vld [tilespmem:s6+$0xFFFFFF70];
	[tilespmem:v58+s17+$0x0] =	vst.idx.msk $0xffff, v57  }
0x44e: {  	v45 =	vshll.u32 v50, v1;
	v39 =	vmov s20;
	s20 =	sadd.s32 $0x7, s7;
	s7 =	sadd.s32 $0x8, s7;
	v52 =	vor.u32 v12, v55;
	v50 =	vld [tilespmem:s6+$0xFFFFFFB0];
	[tilespmem:v60+s17+$0x0] =	vst.idx.msk $0xffff, v59  }
.Ltmp32:
0x44f: {  	_ = 	snop;
	(pc) =	sbr.rel .LBB2_46-.Ltmp32, $1  }
0x450: {  	_ =	sdelay $0x3  }
.LBB2_49:
0x451: {  	_ =	sfence.sel $0x180000  }
0x452: {  	[bflag:$0x0] =	sbarrier.arrive $0xFFFF  }
0x453: {  	_ =	strace $0x90000047  }
0x454: {  	s0 =	stileid.u32;
	[bflag:$0x2] =	sbarrier.arrive $0xFFFF  }
0x455: {  	p0 =	sne.s32 s0, $0x0;
	s0 =	rddreg [dreg:$0x2]  }
0x456: {  	s0 =	sadd.s32 @!p0 $0x100000, s0  }
0x457: {  	[sflag:s0] =	ssyncadd.tile.s32 @!p0 $0x1;
	_ =	shalt  }
.Lfunc_end2:
_tile_overlayer_lowered:
.L_overlay_start_2:
0x458: {  	(tag) =	ssettag $0x2  }
0x459: {  	s0 =	rddreg [dreg:$0x0];
	s2 =	stileid.u32  }
0x45a: {  	s1 =	rddreg [dreg:$0x1];
	p0 =	sne.s32 s2, $0x0  }
0x45b: {  	s3 =	rddreg [dreg:$0x2];
	[bflag:$0x3] =	sbarrier.arrive $0xFFFF;
	s2 =	simm.s32 @!p0 $0x1C15  }
0x45c: {  	[timem:s3], [sflag:s2] =	dma.local @!p0 [hbm:s0], s1  }
0x45d: {  	s0 =	simm.s32 @!p0 $0x15  }
0x45e: {  	_ =	swait.ge @!p0 [sflag:s0], s1  }
0x45f: {  	s1 =	ssub.s32 @!p0 $0x0, s1;
	[sflag:s0] =	ssyncset.done @!p0 $0x0  }
0x460: {  	[sflag:s0] =	ssyncadd.s32 @!p0 s1  }
0x461: {  	[bflag:$0x3] =	sbarrier.arrive $0xFFFF  }
0x462: {  	_ =	shalt  }

</sc_bundles>
